<compile_context>
chip_gen: v7x
topology: tpu7x:2x2x1
jax: 0.10.2.dev20260603
libtpu: 0.0.44.dev20260713+nightly
codegen_flags: <defaults>
</compile_context>

<pallas_src>
import functools

import jax
import jax.numpy as jnp
from jax import lax
from jax.experimental import pallas as pl
from jax.experimental.pallas import tpu as pltpu
from jax.experimental.pallas import tpu_sc as plsc

_N = 10000
_NPAD = 10240
_F = 128
_EMB = 16
_E = 320000
_C = 64
_NCHUNK = 320
_G = 16
_NSUPER = _NCHUNK // _G
_NTILE = 16
_NBUF = 4
_EPT = _NCHUNK * _C
_EPAD = _EPT * _NTILE
_BLK = 256
_ROWS_PT = _NPAD // _NTILE


def _pre_body(f_ref, e_ref, wc_ref, bc_ref, ws_ref, bs_ref, wa_ref,
              tbl_ref, att_ref, self_ref):
    i = pl.program_id(0)
    f = f_ref[...]
    conv = jnp.maximum(
        jnp.dot(f, wc_ref[...], preferred_element_type=jnp.float32) + bc_ref[...],
        0.0)
    att = jnp.dot(e_ref[...], wa_ref[...], preferred_element_type=jnp.float32)
    row = i * _BLK + lax.broadcasted_iota(jnp.int32, (_BLK, _F), 0)
    valid = row < _N
    conv = jnp.where(valid, conv, 0.0)
    tbl_ref[:, 0, :] = jnp.where(valid, att * conv, 0.0)
    tbl_ref[:, 1, :] = conv
    att_ref[...] = att
    self_ref[...] = (
        jnp.dot(f, ws_ref[...], preferred_element_type=jnp.float32) + bs_ref[...])


_pre_call = pl.pallas_call(
    _pre_body,
    grid=(_NPAD // _BLK,),
    in_specs=[
        pl.BlockSpec((_BLK, _F), lambda i: (i, 0)),
        pl.BlockSpec((_BLK, _EMB), lambda i: (i, 0)),
        pl.BlockSpec((_F, _F), lambda i: (0, 0)),
        pl.BlockSpec((1, _F), lambda i: (0, 0)),
        pl.BlockSpec((_F, _F), lambda i: (0, 0)),
        pl.BlockSpec((1, _F), lambda i: (0, 0)),
        pl.BlockSpec((_EMB, _F), lambda i: (0, 0)),
    ],
    out_specs=[
        pl.BlockSpec((_BLK, 2, _F), lambda i: (i, 0, 0)),
        pl.BlockSpec((_BLK, _F), lambda i: (i, 0)),
        pl.BlockSpec((_BLK, _F), lambda i: (i, 0)),
    ],
    out_shape=[
        jax.ShapeDtypeStruct((_NPAD, 2, _F), jnp.float32),
        jax.ShapeDtypeStruct((_NPAD, _F), jnp.float32),
        jax.ShapeDtypeStruct((_NPAD, _F), jnp.float32),
    ],
)


_mesh = plsc.VectorSubcoreMesh(core_axis_name="c", subcore_axis_name="s")


@functools.partial(
    pl.kernel,
    mesh=_mesh,
    out_type=jax.ShapeDtypeStruct((2, _NPAD, _F), jnp.float32),
    scratch_types=[
        pltpu.VMEM((_G, _C), jnp.int32),
        pltpu.VMEM((_G, _C), jnp.int32),
        pltpu.VMEM((_G, _C), jnp.int32),
        pltpu.VMEM((_G, _C), jnp.int32),
        pltpu.VMEM((_C, _F), jnp.float32),
        pltpu.VMEM((_C, _F), jnp.float32),
        pltpu.VMEM((_C, _F), jnp.float32),
        pltpu.VMEM((_C, _F), jnp.float32),
        pltpu.VMEM_SHARED((_NPAD, _F), jnp.float32),
        pltpu.SemaphoreType.DMA,
        pltpu.SemaphoreType.DMA,
        pltpu.SemaphoreType.DMA,
        pltpu.SemaphoreType.DMA,
        pltpu.SemaphoreType.DMA,
        pltpu.SemaphoreType.DMA,
        pltpu.SemaphoreType.DMA,
        pltpu.SemaphoreType.DMA,
        pltpu.SemaphoreType.DMA,
        pltpu.SemaphoreType.DMA,
        pltpu.SemaphoreType.DMA,
        pltpu.SemaphoreType.DMA,
    ],
)
def _seg_sum(tbl_hbm, src_hbm, dst_hbm, zero_hbm, out_hbm,
             srcA, dstA, srcB, dstB, rb0, rb1, rb2, rb3,
             acc_sh, g0, g1, g2, g3,
             s0, s1, s2, s3, sa_s, sa_d, sb_s, sb_d):
    c = lax.axis_index("c")
    s = lax.axis_index("s")
    r0 = s * _ROWS_PT
    pltpu.sync_copy(zero_hbm.at[pl.ds(r0, _ROWS_PT)],
                    acc_sh.at[pl.ds(r0, _ROWS_PT)])
    plsc.subcore_barrier()

    bufs = [rb0, rb1, rb2, rb3]
    gsem = [g0, g1, g2, g3]
    ssem = [s0, s1, s2, s3]

    def wait_gather(k):
        pltpu.make_async_copy(tbl_hbm.at[srcA.at[0]], bufs[k], gsem[k]).wait()

    def wait_scatter(k):
        pltpu.make_async_copy(bufs[k], acc_sh.at[dstA.at[0]], ssem[k]).wait()

    def gather(k, sv, j):
        pltpu.async_copy(tbl_hbm.at[sv.at[j]], bufs[k], gsem[k])

    def scatter(k, dv, j):
        pltpu.async_copy(bufs[k], acc_sh.at[dv.at[j]], ssem[k], add=True)

    def stage(sv, dv, u, sem_s, sem_d):
        pltpu.async_copy(src_hbm.at[c, s, pl.ds(u * _G, _G)], sv, sem_s)
        pltpu.async_copy(dst_hbm.at[s, pl.ds(u * _G, _G)], dv, sem_d)

    def wait_stage(sem_s, sem_d):
        pltpu.make_async_copy(src_hbm.at[c, s, pl.ds(0, _G)], srcA,
                              sem_s).wait()
        pltpu.make_async_copy(dst_hbm.at[s, pl.ds(0, _G)], dstA,
                              sem_d).wait()

    pltpu.sync_copy(src_hbm.at[c, s, pl.ds(0, _G)], srcA)
    pltpu.sync_copy(dst_hbm.at[s, pl.ds(0, _G)], dstA)
    stage(srcB, dstB, 1, sb_s, sb_d)
    for k in range(_NBUF):
        gather(k, srcA, k)

    n_grp = 2 * _G // _NBUF

    def body(w, carry):
        for g in range(n_grp):
            a_half = g < n_grp // 2
            dv = dstA if a_half else dstB
            for k in range(_NBUF):
                wait_gather(k)
                scatter(k, dv, _NBUF * (g % (n_grp // 2)) + k)
            if g == n_grp // 2:
                stage(srcA, dstA, jnp.minimum(2 * w + 2, _NSUPER - 2),
                      sa_s, sa_d)
            if g == n_grp // 2 - 1:
                wait_stage(sb_s, sb_d)
            if g == n_grp - 1:
                wait_stage(sa_s, sa_d)
            for k in range(_NBUF):
                wait_scatter(k)
                t = _NBUF * g + _NBUF + k
                if t < _G:
                    gather(k, srcA, t)
                elif t < 2 * _G:
                    gather(k, srcB, t - _G)
                else:
                    gather(k, srcA, t - 2 * _G)
            if g == n_grp - 1:
                stage(srcB, dstB, jnp.minimum(2 * w + 3, _NSUPER - 1),
                      sb_s, sb_d)
        return carry

    lax.fori_loop(0, _NSUPER // 2, body, 0)
    for k in range(_NBUF):
        wait_gather(k)
    wait_stage(sb_s, sb_d)
    plsc.subcore_barrier()
    pltpu.sync_copy(acc_sh.at[pl.ds(r0, _ROWS_PT)],
                    out_hbm.at[c, pl.ds(r0, _ROWS_PT)])


def _comb_body(sp_ref, sc_ref, att_ref, self_ref, h_ref, sums_ref):
    i = pl.program_id(0)
    h = sp_ref[0] - att_ref[...] * sc_ref[0] + self_ref[...]
    h = jnp.maximum(h, 0.0)
    row = i * _BLK + lax.broadcasted_iota(jnp.int32, (_BLK, _F), 0)
    h = jnp.where(row < _N, h, 0.0)
    h_ref[...] = h
    part = jnp.concatenate(
        [jnp.sum(h, axis=0, keepdims=True),
         jnp.sum(h * h, axis=0, keepdims=True),
         jnp.zeros((6, _F), jnp.float32)], axis=0)

    @pl.when(i == 0)
    def _():
        sums_ref[...] = jnp.zeros((8, _F), jnp.float32)

    sums_ref[...] += part


_comb_call = pl.pallas_call(
    _comb_body,
    grid=(_NPAD // _BLK,),
    in_specs=[
        pl.BlockSpec((1, _BLK, _F), lambda i: (0, i, 0)),
        pl.BlockSpec((1, _BLK, _F), lambda i: (1, i, 0)),
        pl.BlockSpec((_BLK, _F), lambda i: (i, 0)),
        pl.BlockSpec((_BLK, _F), lambda i: (i, 0)),
    ],
    out_specs=[
        pl.BlockSpec((_BLK, _F), lambda i: (i, 0)),
        pl.BlockSpec((8, _F), lambda i: (0, 0)),
    ],
    out_shape=[
        jax.ShapeDtypeStruct((_NPAD, _F), jnp.float32),
        jax.ShapeDtypeStruct((8, _F), jnp.float32),
    ],
)


def _norm_body(h_ref, sums_ref, g_ref, b_ref, o_ref):
    inv_n = 1.0 / _N
    mean = sums_ref[0:1] * inv_n
    var = sums_ref[1:2] * inv_n - mean * mean
    scale = g_ref[...] * lax.rsqrt(var + 1e-5)
    o_ref[...] = (h_ref[...] - mean) * scale + b_ref[...]


_norm_call = pl.pallas_call(
    _norm_body,
    grid=(_NPAD // _BLK,),
    in_specs=[
        pl.BlockSpec((_BLK, _F), lambda i: (i, 0)),
        pl.BlockSpec((8, _F), lambda i: (0, 0)),
        pl.BlockSpec((1, _F), lambda i: (0, 0)),
        pl.BlockSpec((1, _F), lambda i: (0, 0)),
    ],
    out_specs=pl.BlockSpec((_BLK, _F), lambda i: (i, 0)),
    out_shape=jax.ShapeDtypeStruct((_N, _F), jnp.float32),
)


def kernel(feature, sp_embeddings, edge_index, W_conv, b_conv, W_self, b_self,
           W_att, gamma, beta):
    f32 = jnp.float32
    tbl, att, self_o = _pre_call(
        feature, sp_embeddings,
        W_conv.T, b_conv.reshape(1, _F),
        W_self.T, b_self.reshape(1, _F),
        W_att.T)

    src = edge_index[0].astype(jnp.int32)
    dst = edge_index[1].astype(jnp.int32)
    padn = _EPAD - _E
    src_p = jnp.concatenate([src, jnp.full((padn,), _N, jnp.int32)])
    dst_p = jnp.concatenate([dst, jnp.zeros((padn,), jnp.int32)])
    src2 = jnp.stack([2 * src_p, 2 * src_p + 1]).reshape(2, _NTILE, _NCHUNK, _C)
    dst3 = dst_p.reshape(_NTILE, _NCHUNK, _C)
    zeros = jnp.zeros((_NPAD, _F), f32)

    seg = _seg_sum(tbl.reshape(2 * _NPAD, _F), src2, dst3, zeros)

    h, sums = _comb_call(seg, seg, att, self_o)
    return _norm_call(h, sums, gamma.reshape(1, _F), beta.reshape(1, _F))

# --- scband reference (transcript-rebuilt; emitter-appended) ---
"""Pipeline reference for scband-agraph-atlayer-56684978372724 (READ-ONLY COPY).

The authoritative reference and input builder live on the scoring server;
editing this copy changes nothing except your own understanding.
"""

import jax, jax.numpy as jnp
import numpy as np

N = 10000
E = 320000
IN_FEAT = 128
OUT_FEAT = 128
EMBEDDIM = 16

def setup_inputs(seed: int = 0) -> dict:
    key = jax.random.key(seed)
    ks = jax.random.split(key, 10)
    feature = jax.random.normal(ks[0], (N, IN_FEAT), dtype=jnp.float32)
    sp_embeddings = jax.random.normal(ks[1], (N, EMBEDDIM), dtype=jnp.float32)
    edge_index = jax.random.randint(ks[2], (2, E), 0, N, dtype=jnp.int64)
    W_conv = jax.random.normal(ks[3], (OUT_FEAT, IN_FEAT), dtype=jnp.float32) * 0.05
    b_conv = jnp.zeros((OUT_FEAT,), dtype=jnp.float32)
    W_self = jax.random.normal(ks[4], (OUT_FEAT, IN_FEAT), dtype=jnp.float32) * 0.05
    b_self = jnp.zeros((OUT_FEAT,), dtype=jnp.float32)
    W_att = jax.random.normal(ks[5], (OUT_FEAT, EMBEDDIM), dtype=jnp.float32) * 0.05
    gamma = jnp.ones((OUT_FEAT,), dtype=jnp.float32)
    beta = jnp.zeros((OUT_FEAT,), dtype=jnp.float32)
    return {"feature": feature, "sp_embeddings": sp_embeddings, "edge_index": edge_index,
            "W_conv": W_conv, "b_conv": b_conv, "W_self": W_self, "b_self": b_self,
            "W_att": W_att, "gamma": gamma, "beta": beta}

def reference(feature, sp_embeddings, edge_index, W_conv, b_conv, W_self, b_self, W_att, gamma, beta):
    n_nodes = feature.shape[0]
    src = edge_index[0]
    dst = edge_index[1]
    # msg_fun: direction = c_src - c_dst ; attention = Linear(embeddim->out, no bias)
    direction = jnp.take(sp_embeddings, src, axis=0) - jnp.take(sp_embeddings, dst, axis=0)
    attention = direction @ W_att.T
    # conv = ReLU(Linear(in->out)) applied to src features
    conv_src = jax.nn.relu(jnp.take(feature, src, axis=0) @ W_conv.T + b_conv)
    msg = attention * conv_src
    # agg_fun: sum over mailbox (incoming edges per dst node)
    agg = jax.ops.segment_sum(msg, dst, num_segments=n_nodes)
    # h += linear_self(feature)
    h = agg + feature @ W_self.T + b_self
    # shortcut=False branch: BatchNorm1d(ReLU(h)) in training mode (batch stats, biased var)
    h = jax.nn.relu(h)
    mean = jnp.mean(h, axis=0)
    var = jnp.mean((h - mean) ** 2, axis=0)
    h = (h - mean) / jnp.sqrt(var + 1e-5) * gamma + beta
    return h

if __name__ == "__main__":
    import jax
    _d = setup_inputs()
    print(jax.jit(kernel)(*tuple(_d.values())))

</pallas_src>

<mosaic_0001>
#map = affine_map<(d0, d1) -> (0, 0)>
#map1 = affine_map<(d0, d1) -> (0, 0, 0, 0)>
#map2 = affine_map<(d0, d1) -> (0, 0, 0)>
module attributes {stable_mosaic.version = 14 : i64} {
  func.func @_seg_sum(%arg0: i32, %arg1: i32, %arg2: memref<20480x128xf32, #tpu.memory_space<hbm>>, %arg3: memref<2x16x320x64xi32, #tpu.memory_space<hbm>>, %arg4: memref<16x320x64xi32, #tpu.memory_space<hbm>>, %arg5: memref<10240x128xf32, #tpu.memory_space<hbm>>, %arg6: memref<2x10240x128xf32, #tpu.memory_space<hbm>>, %arg7: memref<16x64xi32, #tpu.memory_space<vmem>>, %arg8: memref<16x64xi32, #tpu.memory_space<vmem>>, %arg9: memref<16x64xi32, #tpu.memory_space<vmem>>, %arg10: memref<16x64xi32, #tpu.memory_space<vmem>>, %arg11: memref<64x128xf32, #tpu.memory_space<vmem>>, %arg12: memref<64x128xf32, #tpu.memory_space<vmem>>, %arg13: memref<64x128xf32, #tpu.memory_space<vmem>>, %arg14: memref<64x128xf32, #tpu.memory_space<vmem>>, %arg15: memref<10240x128xf32, #tpu.memory_space<vmem_shared>>, %arg16: memref<!tpu.dma_semaphore, #tpu.memory_space<semaphore_mem>>, %arg17: memref<!tpu.dma_semaphore, #tpu.memory_space<semaphore_mem>>, %arg18: memref<!tpu.dma_semaphore, #tpu.memory_space<semaphore_mem>>, %arg19: memref<!tpu.dma_semaphore, #tpu.memory_space<semaphore_mem>>, %arg20: memref<!tpu.dma_semaphore, #tpu.memory_space<semaphore_mem>>, %arg21: memref<!tpu.dma_semaphore, #tpu.memory_space<semaphore_mem>>, %arg22: memref<!tpu.dma_semaphore, #tpu.memory_space<semaphore_mem>>, %arg23: memref<!tpu.dma_semaphore, #tpu.memory_space<semaphore_mem>>, %arg24: memref<!tpu.dma_semaphore, #tpu.memory_space<semaphore_mem>>, %arg25: memref<!tpu.dma_semaphore, #tpu.memory_space<semaphore_mem>>, %arg26: memref<!tpu.dma_semaphore, #tpu.memory_space<semaphore_mem>>, %arg27: memref<!tpu.dma_semaphore, #tpu.memory_space<semaphore_mem>>) attributes {dimension_semantics = [#tpu.dimension_semantics<core_parallel>, #tpu.dimension_semantics<subcore_parallel>], iteration_bounds = array<i64: 2, 16>, scalar_prefetch = 0 : i64, scratch_operands = 21 : i64, tpu.core_type = #tpu.core_type<sc_vector_subcore>, window_params = [{transform_indices = #map}, {transform_indices = #map1}, {transform_indices = #map2}, {transform_indices = #map}, {transform_indices = #map2}]} {
    %mul3A = arith.constant 640 : i32
    %mul3A_0 = arith.muli %arg1, %mul3A : i32
    "tpu.region"() ({
      %run_scoped3A = tpu.sem_alloc : memref<!tpu.dma_semaphore, #tpu.memory_space<semaphore_mem>>
      %dma_start3A_93 = arith.constant 0 : i32
      %dma_start3A_94 = tpu.memref_slice %arg15[%mul3A_0, %dma_start3A_93] : memref<10240x128xf32, #tpu.memory_space<vmem_shared>> -> memref<640x128xf32, #tpu.memory_space<vmem_shared>>
      %dma_start3A_95 = arith.constant 0 : i32
      %dma_start3A_96 = tpu.memref_slice %arg5[%mul3A_0, %dma_start3A_95] : memref<10240x128xf32, #tpu.memory_space<hbm>> -> memref<640x128xf32, #tpu.memory_space<hbm>>
      tpu.enqueue_dma source(%dma_start3A_96 : memref<640x128xf32, #tpu.memory_space<hbm>>) target(%dma_start3A_94 : memref<640x128xf32, #tpu.memory_space<vmem_shared>>) target_semaphore(%run_scoped3A : memref<!tpu.dma_semaphore, #tpu.memory_space<semaphore_mem>>)
      %dma_wait3A_97 = arith.constant 0 : i32
      %dma_wait3A_98 = tpu.memref_slice %arg15[%mul3A_0, %dma_wait3A_97] : memref<10240x128xf32, #tpu.memory_space<vmem_shared>> -> memref<640x128xf32, #tpu.memory_space<vmem_shared>>
      %dma_wait3A_99 = arith.constant 0 : i32
      %dma_wait3A_100 = tpu.memref_slice %arg5[%mul3A_0, %dma_wait3A_99] : memref<10240x128xf32, #tpu.memory_space<hbm>> -> memref<640x128xf32, #tpu.memory_space<hbm>>
      tpu.wait_dma2 semaphore(%run_scoped3A : memref<!tpu.dma_semaphore, #tpu.memory_space<semaphore_mem>>) src(%dma_wait3A_100 : memref<640x128xf32, #tpu.memory_space<hbm>>) dst(%dma_wait3A_98 : memref<640x128xf32, #tpu.memory_space<vmem_shared>>)
      tpu.yield
    }) : () -> ()
    %barrier3A = arith.constant 0 : index
    tpu.barrier barrier_id(%barrier3A)
    "tpu.region"() ({
      %run_scoped3A = tpu.sem_alloc : memref<!tpu.dma_semaphore, #tpu.memory_space<semaphore_mem>>
      %dma_start3A_93 = arith.constant 0 : i32
      %dma_start3A_94 = arith.constant 0 : i32
      %dma_start3A_95 = tpu.memref_slice %arg3[%arg0, %arg1, %dma_start3A_93, %dma_start3A_94] : memref<2x16x320x64xi32, #tpu.memory_space<hbm>> -> memref<1x1x16x64xi32, #tpu.memory_space<hbm>>
      %dma_start3A_96 = tpu.memref_squeeze %dma_start3A_95 : memref<1x1x16x64xi32, #tpu.memory_space<hbm>> -> memref<16x64xi32, #tpu.memory_space<hbm>>
      %dma_start3A_97 = arith.constant 0 : i32
      %dma_start3A_98 = arith.constant 0 : i32
      %dma_start3A_99 = tpu.memref_slice %arg3[%arg0, %arg1, %dma_start3A_97, %dma_start3A_98] : memref<2x16x320x64xi32, #tpu.memory_space<hbm>> -> memref<1x1x16x64xi32, #tpu.memory_space<hbm>>
      %dma_start3A_100 = tpu.memref_squeeze %dma_start3A_99 : memref<1x1x16x64xi32, #tpu.memory_space<hbm>> -> memref<16x64xi32, #tpu.memory_space<hbm>>
      tpu.enqueue_dma source(%dma_start3A_100 : memref<16x64xi32, #tpu.memory_space<hbm>>) target(%arg7 : memref<16x64xi32, #tpu.memory_space<vmem>>) target_semaphore(%run_scoped3A : memref<!tpu.dma_semaphore, #tpu.memory_space<semaphore_mem>>)
      %dma_wait3A_101 = arith.constant 0 : i32
      %dma_wait3A_102 = arith.constant 0 : i32
      %dma_wait3A_103 = tpu.memref_slice %arg3[%arg0, %arg1, %dma_wait3A_101, %dma_wait3A_102] : memref<2x16x320x64xi32, #tpu.memory_space<hbm>> -> memref<1x1x16x64xi32, #tpu.memory_space<hbm>>
      %dma_wait3A_104 = tpu.memref_squeeze %dma_wait3A_103 : memref<1x1x16x64xi32, #tpu.memory_space<hbm>> -> memref<16x64xi32, #tpu.memory_space<hbm>>
      %dma_wait3A_105 = arith.constant 0 : i32
      %dma_wait3A_106 = arith.constant 0 : i32
      %dma_wait3A_107 = tpu.memref_slice %arg3[%arg0, %arg1, %dma_wait3A_105, %dma_wait3A_106] : memref<2x16x320x64xi32, #tpu.memory_space<hbm>> -> memref<1x1x16x64xi32, #tpu.memory_space<hbm>>
      %dma_wait3A_108 = tpu.memref_squeeze %dma_wait3A_107 : memref<1x1x16x64xi32, #tpu.memory_space<hbm>> -> memref<16x64xi32, #tpu.memory_space<hbm>>
      tpu.wait_dma2 semaphore(%run_scoped3A : memref<!tpu.dma_semaphore, #tpu.memory_space<semaphore_mem>>) src(%dma_wait3A_108 : memref<16x64xi32, #tpu.memory_space<hbm>>) dst(%arg7 : memref<16x64xi32, #tpu.memory_space<vmem>>)
      tpu.yield
    }) : () -> ()
    "tpu.region"() ({
      %run_scoped3A = tpu.sem_alloc : memref<!tpu.dma_semaphore, #tpu.memory_space<semaphore_mem>>
      %dma_start3A_93 = arith.constant 0 : i32
      %dma_start3A_94 = arith.constant 0 : i32
      %dma_start3A_95 = tpu.memref_slice %arg4[%arg1, %dma_start3A_93, %dma_start3A_94] : memref<16x320x64xi32, #tpu.memory_space<hbm>> -> memref<1x16x64xi32, #tpu.memory_space<hbm>>
      %dma_start3A_96 = tpu.memref_squeeze %dma_start3A_95 : memref<1x16x64xi32, #tpu.memory_space<hbm>> -> memref<16x64xi32, #tpu.memory_space<hbm>>
      %dma_start3A_97 = arith.constant 0 : i32
      %dma_start3A_98 = arith.constant 0 : i32
      %dma_start3A_99 = tpu.memref_slice %arg4[%arg1, %dma_start3A_97, %dma_start3A_98] : memref<16x320x64xi32, #tpu.memory_space<hbm>> -> memref<1x16x64xi32, #tpu.memory_space<hbm>>
      %dma_start3A_100 = tpu.memref_squeeze %dma_start3A_99 : memref<1x16x64xi32, #tpu.memory_space<hbm>> -> memref<16x64xi32, #tpu.memory_space<hbm>>
      tpu.enqueue_dma source(%dma_start3A_100 : memref<16x64xi32, #tpu.memory_space<hbm>>) target(%arg8 : memref<16x64xi32, #tpu.memory_space<vmem>>) target_semaphore(%run_scoped3A : memref<!tpu.dma_semaphore, #tpu.memory_space<semaphore_mem>>)
      %dma_wait3A_101 = arith.constant 0 : i32
      %dma_wait3A_102 = arith.constant 0 : i32
      %dma_wait3A_103 = tpu.memref_slice %arg4[%arg1, %dma_wait3A_101, %dma_wait3A_102] : memref<16x320x64xi32, #tpu.memory_space<hbm>> -> memref<1x16x64xi32, #tpu.memory_space<hbm>>
      %dma_wait3A_104 = tpu.memref_squeeze %dma_wait3A_103 : memref<1x16x64xi32, #tpu.memory_space<hbm>> -> memref<16x64xi32, #tpu.memory_space<hbm>>
      %dma_wait3A_105 = arith.constant 0 : i32
      %dma_wait3A_106 = arith.constant 0 : i32
      %dma_wait3A_107 = tpu.memref_slice %arg4[%arg1, %dma_wait3A_105, %dma_wait3A_106] : memref<16x320x64xi32, #tpu.memory_space<hbm>> -> memref<1x16x64xi32, #tpu.memory_space<hbm>>
      %dma_wait3A_108 = tpu.memref_squeeze %dma_wait3A_107 : memref<1x16x64xi32, #tpu.memory_space<hbm>> -> memref<16x64xi32, #tpu.memory_space<hbm>>
      tpu.wait_dma2 semaphore(%run_scoped3A : memref<!tpu.dma_semaphore, #tpu.memory_space<semaphore_mem>>) src(%dma_wait3A_108 : memref<16x64xi32, #tpu.memory_space<hbm>>) dst(%arg8 : memref<16x64xi32, #tpu.memory_space<vmem>>)
      tpu.yield
    }) : () -> ()
    %dma_start3A = arith.constant 16 : i32
    %dma_start3A_1 = arith.constant 0 : i32
    %dma_start3A_2 = tpu.memref_slice %arg3[%arg0, %arg1, %dma_start3A, %dma_start3A_1] : memref<2x16x320x64xi32, #tpu.memory_space<hbm>> -> memref<1x1x16x64xi32, #tpu.memory_space<hbm>>
    %dma_start3A_3 = tpu.memref_squeeze %dma_start3A_2 : memref<1x1x16x64xi32, #tpu.memory_space<hbm>> -> memref<16x64xi32, #tpu.memory_space<hbm>>
    %dma_start3A_4 = arith.constant 16 : i32
    %dma_start3A_5 = arith.constant 0 : i32
    %dma_start3A_6 = tpu.memref_slice %arg3[%arg0, %arg1, %dma_start3A_4, %dma_start3A_5] : memref<2x16x320x64xi32, #tpu.memory_space<hbm>> -> memref<1x1x16x64xi32, #tpu.memory_space<hbm>>
    %dma_start3A_7 = tpu.memref_squeeze %dma_start3A_6 : memref<1x1x16x64xi32, #tpu.memory_space<hbm>> -> memref<16x64xi32, #tpu.memory_space<hbm>>
    tpu.enqueue_dma source(%dma_start3A_7 : memref<16x64xi32, #tpu.memory_space<hbm>>) target(%arg9 : memref<16x64xi32, #tpu.memory_space<vmem>>) target_semaphore(%arg26 : memref<!tpu.dma_semaphore, #tpu.memory_space<semaphore_mem>>)
    %dma_start3A_8 = arith.constant 16 : i32
    %dma_start3A_9 = arith.constant 0 : i32
    %dma_start3A_10 = tpu.memref_slice %arg4[%arg1, %dma_start3A_8, %dma_start3A_9] : memref<16x320x64xi32, #tpu.memory_space<hbm>> -> memref<1x16x64xi32, #tpu.memory_space<hbm>>
    %dma_start3A_11 = tpu.memref_squeeze %dma_start3A_10 : memref<1x16x64xi32, #tpu.memory_space<hbm>> -> memref<16x64xi32, #tpu.memory_space<hbm>>
    %dma_start3A_12 = arith.constant 16 : i32
    %dma_start3A_13 = arith.constant 0 : i32
    %dma_start3A_14 = tpu.memref_slice %arg4[%arg1, %dma_start3A_12, %dma_start3A_13] : memref<16x320x64xi32, #tpu.memory_space<hbm>> -> memref<1x16x64xi32, #tpu.memory_space<hbm>>
    %dma_start3A_15 = tpu.memref_squeeze %dma_start3A_14 : memref<1x16x64xi32, #tpu.memory_space<hbm>> -> memref<16x64xi32, #tpu.memory_space<hbm>>
    tpu.enqueue_dma source(%dma_start3A_15 : memref<16x64xi32, #tpu.memory_space<hbm>>) target(%arg10 : memref<16x64xi32, #tpu.memory_space<vmem>>) target_semaphore(%arg27 : memref<!tpu.dma_semaphore, #tpu.memory_space<semaphore_mem>>)
    %dma_start3A_16 = arith.constant 0 : i32
    %dma_start3A_17 = arith.constant 0 : i32
    %dma_start3A_18 = tpu.memref_slice %arg7[%dma_start3A_16, %dma_start3A_17] : memref<16x64xi32, #tpu.memory_space<vmem>> -> memref<1x64xi32, #tpu.memory_space<vmem>>
    %dma_start3A_19 = tpu.memref_squeeze %dma_start3A_18 : memref<1x64xi32, #tpu.memory_space<vmem>> -> memref<64xi32, #tpu.memory_space<vmem>>
    %dma_start3A_20 = arith.constant 0 : i32
    %dma_start3A_21 = arith.constant 0 : i32
    %dma_start3A_22 = tpu.memref_slice %arg2[%dma_start3A_20, %dma_start3A_21] : memref<20480x128xf32, #tpu.memory_space<hbm>> -> memref<20480x128xf32, #tpu.memory_space<hbm>>
    tpu.enqueue_indirect_dma source(%dma_start3A_22 : memref<20480x128xf32, #tpu.memory_space<hbm>>) target(%arg11 : memref<64x128xf32, #tpu.memory_space<vmem>>) offsets(%dma_start3A_19 : memref<64xi32, #tpu.memory_space<vmem>>) semaphore(%arg16 : memref<!tpu.dma_semaphore, #tpu.memory_space<semaphore_mem>>)
    %dma_start3A_23 = arith.constant 1 : i32
    %dma_start3A_24 = arith.constant 0 : i32
    %dma_start3A_25 = tpu.memref_slice %arg7[%dma_start3A_23, %dma_start3A_24] : memref<16x64xi32, #tpu.memory_space<vmem>> -> memref<1x64xi32, #tpu.memory_space<vmem>>
    %dma_start3A_26 = tpu.memref_squeeze %dma_start3A_25 : memref<1x64xi32, #tpu.memory_space<vmem>> -> memref<64xi32, #tpu.memory_space<vmem>>
    %dma_start3A_27 = arith.constant 0 : i32
    %dma_start3A_28 = arith.constant 0 : i32
    %dma_start3A_29 = tpu.memref_slice %arg2[%dma_start3A_27, %dma_start3A_28] : memref<20480x128xf32, #tpu.memory_space<hbm>> -> memref<20480x128xf32, #tpu.memory_space<hbm>>
    tpu.enqueue_indirect_dma source(%dma_start3A_29 : memref<20480x128xf32, #tpu.memory_space<hbm>>) target(%arg12 : memref<64x128xf32, #tpu.memory_space<vmem>>) offsets(%dma_start3A_26 : memref<64xi32, #tpu.memory_space<vmem>>) semaphore(%arg17 : memref<!tpu.dma_semaphore, #tpu.memory_space<semaphore_mem>>)
    %dma_start3A_30 = arith.constant 2 : i32
    %dma_start3A_31 = arith.constant 0 : i32
    %dma_start3A_32 = tpu.memref_slice %arg7[%dma_start3A_30, %dma_start3A_31] : memref<16x64xi32, #tpu.memory_space<vmem>> -> memref<1x64xi32, #tpu.memory_space<vmem>>
    %dma_start3A_33 = tpu.memref_squeeze %dma_start3A_32 : memref<1x64xi32, #tpu.memory_space<vmem>> -> memref<64xi32, #tpu.memory_space<vmem>>
    %dma_start3A_34 = arith.constant 0 : i32
    %dma_start3A_35 = arith.constant 0 : i32
    %dma_start3A_36 = tpu.memref_slice %arg2[%dma_start3A_34, %dma_start3A_35] : memref<20480x128xf32, #tpu.memory_space<hbm>> -> memref<20480x128xf32, #tpu.memory_space<hbm>>
    tpu.enqueue_indirect_dma source(%dma_start3A_36 : memref<20480x128xf32, #tpu.memory_space<hbm>>) target(%arg13 : memref<64x128xf32, #tpu.memory_space<vmem>>) offsets(%dma_start3A_33 : memref<64xi32, #tpu.memory_space<vmem>>) semaphore(%arg18 : memref<!tpu.dma_semaphore, #tpu.memory_space<semaphore_mem>>)
    %dma_start3A_37 = arith.constant 3 : i32
    %dma_start3A_38 = arith.constant 0 : i32
    %dma_start3A_39 = tpu.memref_slice %arg7[%dma_start3A_37, %dma_start3A_38] : memref<16x64xi32, #tpu.memory_space<vmem>> -> memref<1x64xi32, #tpu.memory_space<vmem>>
    %dma_start3A_40 = tpu.memref_squeeze %dma_start3A_39 : memref<1x64xi32, #tpu.memory_space<vmem>> -> memref<64xi32, #tpu.memory_space<vmem>>
    %dma_start3A_41 = arith.constant 0 : i32
    %dma_start3A_42 = arith.constant 0 : i32
    %dma_start3A_43 = tpu.memref_slice %arg2[%dma_start3A_41, %dma_start3A_42] : memref<20480x128xf32, #tpu.memory_space<hbm>> -> memref<20480x128xf32, #tpu.memory_space<hbm>>
    tpu.enqueue_indirect_dma source(%dma_start3A_43 : memref<20480x128xf32, #tpu.memory_space<hbm>>) target(%arg14 : memref<64x128xf32, #tpu.memory_space<vmem>>) offsets(%dma_start3A_40 : memref<64xi32, #tpu.memory_space<vmem>>) semaphore(%arg19 : memref<!tpu.dma_semaphore, #tpu.memory_space<semaphore_mem>>)
    %scan3A = arith.constant 0 : i32
    %scan3A_44 = arith.constant 0 : i32
    %scan3A_45 = arith.constant 10 : i32
    %scan3A_46 = arith.addi %scan3A_44, %scan3A_45 : i32
    %scan3A_47 = arith.constant 1 : i32
    scf.for %scan3A_93 = %scan3A_44 to %scan3A_46 step %scan3A_47  : i32 {
      %dma_wait3A_94 = arith.constant 0 : i32
      %dma_wait3A_95 = arith.constant 0 : i32
      %dma_wait3A_96 = tpu.memref_slice %arg7[%dma_wait3A_94, %dma_wait3A_95] : memref<16x64xi32, #tpu.memory_space<vmem>> -> memref<1x64xi32, #tpu.memory_space<vmem>>
      %dma_wait3A_97 = tpu.memref_squeeze %dma_wait3A_96 : memref<1x64xi32, #tpu.memory_space<vmem>> -> memref<64xi32, #tpu.memory_space<vmem>>
      %dma_wait3A_98 = arith.constant 0 : i32
      %dma_wait3A_99 = arith.constant 0 : i32
      %dma_wait3A_100 = tpu.memref_slice %arg2[%dma_wait3A_98, %dma_wait3A_99] : memref<20480x128xf32, #tpu.memory_space<hbm>> -> memref<20480x128xf32, #tpu.memory_space<hbm>>
      tpu.wait_indirect_dma semaphore(%arg16 : memref<!tpu.dma_semaphore, #tpu.memory_space<semaphore_mem>>) src(%dma_wait3A_100 : memref<20480x128xf32, #tpu.memory_space<hbm>>) dst(%arg11 : memref<64x128xf32, #tpu.memory_space<vmem>>)
      %dma_start3A_101 = arith.constant 0 : i32
      %dma_start3A_102 = arith.constant 0 : i32
      %dma_start3A_103 = tpu.memref_slice %arg8[%dma_start3A_101, %dma_start3A_102] : memref<16x64xi32, #tpu.memory_space<vmem>> -> memref<1x64xi32, #tpu.memory_space<vmem>>
      %dma_start3A_104 = tpu.memref_squeeze %dma_start3A_103 : memref<1x64xi32, #tpu.memory_space<vmem>> -> memref<64xi32, #tpu.memory_space<vmem>>
      %dma_start3A_105 = arith.constant 0 : i32
      %dma_start3A_106 = arith.constant 0 : i32
      %dma_start3A_107 = tpu.memref_slice %arg15[%dma_start3A_105, %dma_start3A_106] : memref<10240x128xf32, #tpu.memory_space<vmem_shared>> -> memref<10240x128xf32, #tpu.memory_space<vmem_shared>>
      tpu.enqueue_indirect_dma source(%arg11 : memref<64x128xf32, #tpu.memory_space<vmem>>) target(%dma_start3A_107 : memref<10240x128xf32, #tpu.memory_space<vmem_shared>>) offsets(%dma_start3A_104 : memref<64xi32, #tpu.memory_space<vmem>>) semaphore(%arg20 : memref<!tpu.dma_semaphore, #tpu.memory_space<semaphore_mem>>) {add = true}
      %dma_wait3A_108 = arith.constant 0 : i32
      %dma_wait3A_109 = arith.constant 0 : i32
      %dma_wait3A_110 = tpu.memref_slice %arg7[%dma_wait3A_108, %dma_wait3A_109] : memref<16x64xi32, #tpu.memory_space<vmem>> -> memref<1x64xi32, #tpu.memory_space<vmem>>
      %dma_wait3A_111 = tpu.memref_squeeze %dma_wait3A_110 : memref<1x64xi32, #tpu.memory_space<vmem>> -> memref<64xi32, #tpu.memory_space<vmem>>
      %dma_wait3A_112 = arith.constant 0 : i32
      %dma_wait3A_113 = arith.constant 0 : i32
      %dma_wait3A_114 = tpu.memref_slice %arg2[%dma_wait3A_112, %dma_wait3A_113] : memref<20480x128xf32, #tpu.memory_space<hbm>> -> memref<20480x128xf32, #tpu.memory_space<hbm>>
      tpu.wait_indirect_dma semaphore(%arg17 : memref<!tpu.dma_semaphore, #tpu.memory_space<semaphore_mem>>) src(%dma_wait3A_114 : memref<20480x128xf32, #tpu.memory_space<hbm>>) dst(%arg12 : memref<64x128xf32, #tpu.memory_space<vmem>>)
      %dma_start3A_115 = arith.constant 1 : i32
      %dma_start3A_116 = arith.constant 0 : i32
      %dma_start3A_117 = tpu.memref_slice %arg8[%dma_start3A_115, %dma_start3A_116] : memref<16x64xi32, #tpu.memory_space<vmem>> -> memref<1x64xi32, #tpu.memory_space<vmem>>
      %dma_start3A_118 = tpu.memref_squeeze %dma_start3A_117 : memref<1x64xi32, #tpu.memory_space<vmem>> -> memref<64xi32, #tpu.memory_space<vmem>>
      %dma_start3A_119 = arith.constant 0 : i32
      %dma_start3A_120 = arith.constant 0 : i32
      %dma_start3A_121 = tpu.memref_slice %arg15[%dma_start3A_119, %dma_start3A_120] : memref<10240x128xf32, #tpu.memory_space<vmem_shared>> -> memref<10240x128xf32, #tpu.memory_space<vmem_shared>>
      tpu.enqueue_indirect_dma source(%arg12 : memref<64x128xf32, #tpu.memory_space<vmem>>) target(%dma_start3A_121 : memref<10240x128xf32, #tpu.memory_space<vmem_shared>>) offsets(%dma_start3A_118 : memref<64xi32, #tpu.memory_space<vmem>>) semaphore(%arg21 : memref<!tpu.dma_semaphore, #tpu.memory_space<semaphore_mem>>) {add = true}
      %dma_wait3A_122 = arith.constant 0 : i32
      %dma_wait3A_123 = arith.constant 0 : i32
      %dma_wait3A_124 = tpu.memref_slice %arg7[%dma_wait3A_122, %dma_wait3A_123] : memref<16x64xi32, #tpu.memory_space<vmem>> -> memref<1x64xi32, #tpu.memory_space<vmem>>
      %dma_wait3A_125 = tpu.memref_squeeze %dma_wait3A_124 : memref<1x64xi32, #tpu.memory_space<vmem>> -> memref<64xi32, #tpu.memory_space<vmem>>
      %dma_wait3A_126 = arith.constant 0 : i32
      %dma_wait3A_127 = arith.constant 0 : i32
      %dma_wait3A_128 = tpu.memref_slice %arg2[%dma_wait3A_126, %dma_wait3A_127] : memref<20480x128xf32, #tpu.memory_space<hbm>> -> memref<20480x128xf32, #tpu.memory_space<hbm>>
      tpu.wait_indirect_dma semaphore(%arg18 : memref<!tpu.dma_semaphore, #tpu.memory_space<semaphore_mem>>) src(%dma_wait3A_128 : memref<20480x128xf32, #tpu.memory_space<hbm>>) dst(%arg13 : memref<64x128xf32, #tpu.memory_space<vmem>>)
      %dma_start3A_129 = arith.constant 2 : i32
      %dma_start3A_130 = arith.constant 0 : i32
      %dma_start3A_131 = tpu.memref_slice %arg8[%dma_start3A_129, %dma_start3A_130] : memref<16x64xi32, #tpu.memory_space<vmem>> -> memref<1x64xi32, #tpu.memory_space<vmem>>
      %dma_start3A_132 = tpu.memref_squeeze %dma_start3A_131 : memref<1x64xi32, #tpu.memory_space<vmem>> -> memref<64xi32, #tpu.memory_space<vmem>>
      %dma_start3A_133 = arith.constant 0 : i32
      %dma_start3A_134 = arith.constant 0 : i32
      %dma_start3A_135 = tpu.memref_slice %arg15[%dma_start3A_133, %dma_start3A_134] : memref<10240x128xf32, #tpu.memory_space<vmem_shared>> -> memref<10240x128xf32, #tpu.memory_space<vmem_shared>>
      tpu.enqueue_indirect_dma source(%arg13 : memref<64x128xf32, #tpu.memory_space<vmem>>) target(%dma_start3A_135 : memref<10240x128xf32, #tpu.memory_space<vmem_shared>>) offsets(%dma_start3A_132 : memref<64xi32, #tpu.memory_space<vmem>>) semaphore(%arg22 : memref<!tpu.dma_semaphore, #tpu.memory_space<semaphore_mem>>) {add = true}
      %dma_wait3A_136 = arith.constant 0 : i32
      %dma_wait3A_137 = arith.constant 0 : i32
      %dma_wait3A_138 = tpu.memref_slice %arg7[%dma_wait3A_136, %dma_wait3A_137] : memref<16x64xi32, #tpu.memory_space<vmem>> -> memref<1x64xi32, #tpu.memory_space<vmem>>
      %dma_wait3A_139 = tpu.memref_squeeze %dma_wait3A_138 : memref<1x64xi32, #tpu.memory_space<vmem>> -> memref<64xi32, #tpu.memory_space<vmem>>
      %dma_wait3A_140 = arith.constant 0 : i32
      %dma_wait3A_141 = arith.constant 0 : i32
      %dma_wait3A_142 = tpu.memref_slice %arg2[%dma_wait3A_140, %dma_wait3A_141] : memref<20480x128xf32, #tpu.memory_space<hbm>> -> memref<20480x128xf32, #tpu.memory_space<hbm>>
      tpu.wait_indirect_dma semaphore(%arg19 : memref<!tpu.dma_semaphore, #tpu.memory_space<semaphore_mem>>) src(%dma_wait3A_142 : memref<20480x128xf32, #tpu.memory_space<hbm>>) dst(%arg14 : memref<64x128xf32, #tpu.memory_space<vmem>>)
      %dma_start3A_143 = arith.constant 3 : i32
      %dma_start3A_144 = arith.constant 0 : i32
      %dma_start3A_145 = tpu.memref_slice %arg8[%dma_start3A_143, %dma_start3A_144] : memref<16x64xi32, #tpu.memory_space<vmem>> -> memref<1x64xi32, #tpu.memory_space<vmem>>
      %dma_start3A_146 = tpu.memref_squeeze %dma_start3A_145 : memref<1x64xi32, #tpu.memory_space<vmem>> -> memref<64xi32, #tpu.memory_space<vmem>>
      %dma_start3A_147 = arith.constant 0 : i32
      %dma_start3A_148 = arith.constant 0 : i32
      %dma_start3A_149 = tpu.memref_slice %arg15[%dma_start3A_147, %dma_start3A_148] : memref<10240x128xf32, #tpu.memory_space<vmem_shared>> -> memref<10240x128xf32, #tpu.memory_space<vmem_shared>>
      tpu.enqueue_indirect_dma source(%arg14 : memref<64x128xf32, #tpu.memory_space<vmem>>) target(%dma_start3A_149 : memref<10240x128xf32, #tpu.memory_space<vmem_shared>>) offsets(%dma_start3A_146 : memref<64xi32, #tpu.memory_space<vmem>>) semaphore(%arg23 : memref<!tpu.dma_semaphore, #tpu.memory_space<semaphore_mem>>) {add = true}
      %dma_wait3A_150 = arith.constant 0 : i32
      %dma_wait3A_151 = arith.constant 0 : i32
      %dma_wait3A_152 = tpu.memref_slice %arg8[%dma_wait3A_150, %dma_wait3A_151] : memref<16x64xi32, #tpu.memory_space<vmem>> -> memref<1x64xi32, #tpu.memory_space<vmem>>
      %dma_wait3A_153 = tpu.memref_squeeze %dma_wait3A_152 : memref<1x64xi32, #tpu.memory_space<vmem>> -> memref<64xi32, #tpu.memory_space<vmem>>
      %dma_wait3A_154 = arith.constant 0 : i32
      %dma_wait3A_155 = arith.constant 0 : i32
      %dma_wait3A_156 = tpu.memref_slice %arg15[%dma_wait3A_154, %dma_wait3A_155] : memref<10240x128xf32, #tpu.memory_space<vmem_shared>> -> memref<10240x128xf32, #tpu.memory_space<vmem_shared>>
      tpu.wait_indirect_dma semaphore(%arg20 : memref<!tpu.dma_semaphore, #tpu.memory_space<semaphore_mem>>) src(%arg11 : memref<64x128xf32, #tpu.memory_space<vmem>>) dst(%dma_wait3A_156 : memref<10240x128xf32, #tpu.memory_space<vmem_shared>>)
      %dma_start3A_157 = arith.constant 4 : i32
      %dma_start3A_158 = arith.constant 0 : i32
      %dma_start3A_159 = tpu.memref_slice %arg7[%dma_start3A_157, %dma_start3A_158] : memref<16x64xi32, #tpu.memory_space<vmem>> -> memref<1x64xi32, #tpu.memory_space<vmem>>
      %dma_start3A_160 = tpu.memref_squeeze %dma_start3A_159 : memref<1x64xi32, #tpu.memory_space<vmem>> -> memref<64xi32, #tpu.memory_space<vmem>>
      %dma_start3A_161 = arith.constant 0 : i32
      %dma_start3A_162 = arith.constant 0 : i32
      %dma_start3A_163 = tpu.memref_slice %arg2[%dma_start3A_161, %dma_start3A_162] : memref<20480x128xf32, #tpu.memory_space<hbm>> -> memref<20480x128xf32, #tpu.memory_space<hbm>>
      tpu.enqueue_indirect_dma source(%dma_start3A_163 : memref<20480x128xf32, #tpu.memory_space<hbm>>) target(%arg11 : memref<64x128xf32, #tpu.memory_space<vmem>>) offsets(%dma_start3A_160 : memref<64xi32, #tpu.memory_space<vmem>>) semaphore(%arg16 : memref<!tpu.dma_semaphore, #tpu.memory_space<semaphore_mem>>)
      %dma_wait3A_164 = arith.constant 0 : i32
      %dma_wait3A_165 = arith.constant 0 : i32
      %dma_wait3A_166 = tpu.memref_slice %arg8[%dma_wait3A_164, %dma_wait3A_165] : memref<16x64xi32, #tpu.memory_space<vmem>> -> memref<1x64xi32, #tpu.memory_space<vmem>>
      %dma_wait3A_167 = tpu.memref_squeeze %dma_wait3A_166 : memref<1x64xi32, #tpu.memory_space<vmem>> -> memref<64xi32, #tpu.memory_space<vmem>>
      %dma_wait3A_168 = arith.constant 0 : i32
      %dma_wait3A_169 = arith.constant 0 : i32
      %dma_wait3A_170 = tpu.memref_slice %arg15[%dma_wait3A_168, %dma_wait3A_169] : memref<10240x128xf32, #tpu.memory_space<vmem_shared>> -> memref<10240x128xf32, #tpu.memory_space<vmem_shared>>
      tpu.wait_indirect_dma semaphore(%arg21 : memref<!tpu.dma_semaphore, #tpu.memory_space<semaphore_mem>>) src(%arg12 : memref<64x128xf32, #tpu.memory_space<vmem>>) dst(%dma_wait3A_170 : memref<10240x128xf32, #tpu.memory_space<vmem_shared>>)
      %dma_start3A_171 = arith.constant 5 : i32
      %dma_start3A_172 = arith.constant 0 : i32
      %dma_start3A_173 = tpu.memref_slice %arg7[%dma_start3A_171, %dma_start3A_172] : memref<16x64xi32, #tpu.memory_space<vmem>> -> memref<1x64xi32, #tpu.memory_space<vmem>>
      %dma_start3A_174 = tpu.memref_squeeze %dma_start3A_173 : memref<1x64xi32, #tpu.memory_space<vmem>> -> memref<64xi32, #tpu.memory_space<vmem>>
      %dma_start3A_175 = arith.constant 0 : i32
      %dma_start3A_176 = arith.constant 0 : i32
      %dma_start3A_177 = tpu.memref_slice %arg2[%dma_start3A_175, %dma_start3A_176] : memref<20480x128xf32, #tpu.memory_space<hbm>> -> memref<20480x128xf32, #tpu.memory_space<hbm>>
      tpu.enqueue_indirect_dma source(%dma_start3A_177 : memref<20480x128xf32, #tpu.memory_space<hbm>>) target(%arg12 : memref<64x128xf32, #tpu.memory_space<vmem>>) offsets(%dma_start3A_174 : memref<64xi32, #tpu.memory_space<vmem>>) semaphore(%arg17 : memref<!tpu.dma_semaphore, #tpu.memory_space<semaphore_mem>>)
      %dma_wait3A_178 = arith.constant 0 : i32
      %dma_wait3A_179 = arith.constant 0 : i32
      %dma_wait3A_180 = tpu.memref_slice %arg8[%dma_wait3A_178, %dma_wait3A_179] : memref<16x64xi32, #tpu.memory_space<vmem>> -> memref<1x64xi32, #tpu.memory_space<vmem>>
      %dma_wait3A_181 = tpu.memref_squeeze %dma_wait3A_180 : memref<1x64xi32, #tpu.memory_space<vmem>> -> memref<64xi32, #tpu.memory_space<vmem>>
      %dma_wait3A_182 = arith.constant 0 : i32
      %dma_wait3A_183 = arith.constant 0 : i32
      %dma_wait3A_184 = tpu.memref_slice %arg15[%dma_wait3A_182, %dma_wait3A_183] : memref<10240x128xf32, #tpu.memory_space<vmem_shared>> -> memref<10240x128xf32, #tpu.memory_space<vmem_shared>>
      tpu.wait_indirect_dma semaphore(%arg22 : memref<!tpu.dma_semaphore, #tpu.memory_space<semaphore_mem>>) src(%arg13 : memref<64x128xf32, #tpu.memory_space<vmem>>) dst(%dma_wait3A_184 : memref<10240x128xf32, #tpu.memory_space<vmem_shared>>)
      %dma_start3A_185 = arith.constant 6 : i32
      %dma_start3A_186 = arith.constant 0 : i32
      %dma_start3A_187 = tpu.memref_slice %arg7[%dma_start3A_185, %dma_start3A_186] : memref<16x64xi32, #tpu.memory_space<vmem>> -> memref<1x64xi32, #tpu.memory_space<vmem>>
      %dma_start3A_188 = tpu.memref_squeeze %dma_start3A_187 : memref<1x64xi32, #tpu.memory_space<vmem>> -> memref<64xi32, #tpu.memory_space<vmem>>
      %dma_start3A_189 = arith.constant 0 : i32
      %dma_start3A_190 = arith.constant 0 : i32
      %dma_start3A_191 = tpu.memref_slice %arg2[%dma_start3A_189, %dma_start3A_190] : memref<20480x128xf32, #tpu.memory_space<hbm>> -> memref<20480x128xf32, #tpu.memory_space<hbm>>
      tpu.enqueue_indirect_dma source(%dma_start3A_191 : memref<20480x128xf32, #tpu.memory_space<hbm>>) target(%arg13 : memref<64x128xf32, #tpu.memory_space<vmem>>) offsets(%dma_start3A_188 : memref<64xi32, #tpu.memory_space<vmem>>) semaphore(%arg18 : memref<!tpu.dma_semaphore, #tpu.memory_space<semaphore_mem>>)
      %dma_wait3A_192 = arith.constant 0 : i32
      %dma_wait3A_193 = arith.constant 0 : i32
      %dma_wait3A_194 = tpu.memref_slice %arg8[%dma_wait3A_192, %dma_wait3A_193] : memref<16x64xi32, #tpu.memory_space<vmem>> -> memref<1x64xi32, #tpu.memory_space<vmem>>
      %dma_wait3A_195 = tpu.memref_squeeze %dma_wait3A_194 : memref<1x64xi32, #tpu.memory_space<vmem>> -> memref<64xi32, #tpu.memory_space<vmem>>
      %dma_wait3A_196 = arith.constant 0 : i32
      %dma_wait3A_197 = arith.constant 0 : i32
      %dma_wait3A_198 = tpu.memref_slice %arg15[%dma_wait3A_196, %dma_wait3A_197] : memref<10240x128xf32, #tpu.memory_space<vmem_shared>> -> memref<10240x128xf32, #tpu.memory_space<vmem_shared>>
      tpu.wait_indirect_dma semaphore(%arg23 : memref<!tpu.dma_semaphore, #tpu.memory_space<semaphore_mem>>) src(%arg14 : memref<64x128xf32, #tpu.memory_space<vmem>>) dst(%dma_wait3A_198 : memref<10240x128xf32, #tpu.memory_space<vmem_shared>>)
      %dma_start3A_199 = arith.constant 7 : i32
      %dma_start3A_200 = arith.constant 0 : i32
      %dma_start3A_201 = tpu.memref_slice %arg7[%dma_start3A_199, %dma_start3A_200] : memref<16x64xi32, #tpu.memory_space<vmem>> -> memref<1x64xi32, #tpu.memory_space<vmem>>
      %dma_start3A_202 = tpu.memref_squeeze %dma_start3A_201 : memref<1x64xi32, #tpu.memory_space<vmem>> -> memref<64xi32, #tpu.memory_space<vmem>>
      %dma_start3A_203 = arith.constant 0 : i32
      %dma_start3A_204 = arith.constant 0 : i32
      %dma_start3A_205 = tpu.memref_slice %arg2[%dma_start3A_203, %dma_start3A_204] : memref<20480x128xf32, #tpu.memory_space<hbm>> -> memref<20480x128xf32, #tpu.memory_space<hbm>>
      tpu.enqueue_indirect_dma source(%dma_start3A_205 : memref<20480x128xf32, #tpu.memory_space<hbm>>) target(%arg14 : memref<64x128xf32, #tpu.memory_space<vmem>>) offsets(%dma_start3A_202 : memref<64xi32, #tpu.memory_space<vmem>>) semaphore(%arg19 : memref<!tpu.dma_semaphore, #tpu.memory_space<semaphore_mem>>)
      %dma_wait3A_206 = arith.constant 0 : i32
      %dma_wait3A_207 = arith.constant 0 : i32
      %dma_wait3A_208 = tpu.memref_slice %arg7[%dma_wait3A_206, %dma_wait3A_207] : memref<16x64xi32, #tpu.memory_space<vmem>> -> memref<1x64xi32, #tpu.memory_space<vmem>>
      %dma_wait3A_209 = tpu.memref_squeeze %dma_wait3A_208 : memref<1x64xi32, #tpu.memory_space<vmem>> -> memref<64xi32, #tpu.memory_space<vmem>>
      %dma_wait3A_210 = arith.constant 0 : i32
      %dma_wait3A_211 = arith.constant 0 : i32
      %dma_wait3A_212 = tpu.memref_slice %arg2[%dma_wait3A_210, %dma_wait3A_211] : memref<20480x128xf32, #tpu.memory_space<hbm>> -> memref<20480x128xf32, #tpu.memory_space<hbm>>
      tpu.wait_indirect_dma semaphore(%arg16 : memref<!tpu.dma_semaphore, #tpu.memory_space<semaphore_mem>>) src(%dma_wait3A_212 : memref<20480x128xf32, #tpu.memory_space<hbm>>) dst(%arg11 : memref<64x128xf32, #tpu.memory_space<vmem>>)
      %dma_start3A_213 = arith.constant 4 : i32
      %dma_start3A_214 = arith.constant 0 : i32
      %dma_start3A_215 = tpu.memref_slice %arg8[%dma_start3A_213, %dma_start3A_214] : memref<16x64xi32, #tpu.memory_space<vmem>> -> memref<1x64xi32, #tpu.memory_space<vmem>>
      %dma_start3A_216 = tpu.memref_squeeze %dma_start3A_215 : memref<1x64xi32, #tpu.memory_space<vmem>> -> memref<64xi32, #tpu.memory_space<vmem>>
      %dma_start3A_217 = arith.constant 0 : i32
      %dma_start3A_218 = arith.constant 0 : i32
      %dma_start3A_219 = tpu.memref_slice %arg15[%dma_start3A_217, %dma_start3A_218] : memref<10240x128xf32, #tpu.memory_space<vmem_shared>> -> memref<10240x128xf32, #tpu.memory_space<vmem_shared>>
      tpu.enqueue_indirect_dma source(%arg11 : memref<64x128xf32, #tpu.memory_space<vmem>>) target(%dma_start3A_219 : memref<10240x128xf32, #tpu.memory_space<vmem_shared>>) offsets(%dma_start3A_216 : memref<64xi32, #tpu.memory_space<vmem>>) semaphore(%arg20 : memref<!tpu.dma_semaphore, #tpu.memory_space<semaphore_mem>>) {add = true}
      %dma_wait3A_220 = arith.constant 0 : i32
      %dma_wait3A_221 = arith.constant 0 : i32
      %dma_wait3A_222 = tpu.memref_slice %arg7[%dma_wait3A_220, %dma_wait3A_221] : memref<16x64xi32, #tpu.memory_space<vmem>> -> memref<1x64xi32, #tpu.memory_space<vmem>>
      %dma_wait3A_223 = tpu.memref_squeeze %dma_wait3A_222 : memref<1x64xi32, #tpu.memory_space<vmem>> -> memref<64xi32, #tpu.memory_space<vmem>>
      %dma_wait3A_224 = arith.constant 0 : i32
      %dma_wait3A_225 = arith.constant 0 : i32
      %dma_wait3A_226 = tpu.memref_slice %arg2[%dma_wait3A_224, %dma_wait3A_225] : memref<20480x128xf32, #tpu.memory_space<hbm>> -> memref<20480x128xf32, #tpu.memory_space<hbm>>
      tpu.wait_indirect_dma semaphore(%arg17 : memref<!tpu.dma_semaphore, #tpu.memory_space<semaphore_mem>>) src(%dma_wait3A_226 : memref<20480x128xf32, #tpu.memory_space<hbm>>) dst(%arg12 : memref<64x128xf32, #tpu.memory_space<vmem>>)
      %dma_start3A_227 = arith.constant 5 : i32
      %dma_start3A_228 = arith.constant 0 : i32
      %dma_start3A_229 = tpu.memref_slice %arg8[%dma_start3A_227, %dma_start3A_228] : memref<16x64xi32, #tpu.memory_space<vmem>> -> memref<1x64xi32, #tpu.memory_space<vmem>>
      %dma_start3A_230 = tpu.memref_squeeze %dma_start3A_229 : memref<1x64xi32, #tpu.memory_space<vmem>> -> memref<64xi32, #tpu.memory_space<vmem>>
      %dma_start3A_231 = arith.constant 0 : i32
      %dma_start3A_232 = arith.constant 0 : i32
      %dma_start3A_233 = tpu.memref_slice %arg15[%dma_start3A_231, %dma_start3A_232] : memref<10240x128xf32, #tpu.memory_space<vmem_shared>> -> memref<10240x128xf32, #tpu.memory_space<vmem_shared>>
      tpu.enqueue_indirect_dma source(%arg12 : memref<64x128xf32, #tpu.memory_space<vmem>>) target(%dma_start3A_233 : memref<10240x128xf32, #tpu.memory_space<vmem_shared>>) offsets(%dma_start3A_230 : memref<64xi32, #tpu.memory_space<vmem>>) semaphore(%arg21 : memref<!tpu.dma_semaphore, #tpu.memory_space<semaphore_mem>>) {add = true}
      %dma_wait3A_234 = arith.constant 0 : i32
      %dma_wait3A_235 = arith.constant 0 : i32
      %dma_wait3A_236 = tpu.memref_slice %arg7[%dma_wait3A_234, %dma_wait3A_235] : memref<16x64xi32, #tpu.memory_space<vmem>> -> memref<1x64xi32, #tpu.memory_space<vmem>>
      %dma_wait3A_237 = tpu.memref_squeeze %dma_wait3A_236 : memref<1x64xi32, #tpu.memory_space<vmem>> -> memref<64xi32, #tpu.memory_space<vmem>>
      %dma_wait3A_238 = arith.constant 0 : i32
      %dma_wait3A_239 = arith.constant 0 : i32
      %dma_wait3A_240 = tpu.memref_slice %arg2[%dma_wait3A_238, %dma_wait3A_239] : memref<20480x128xf32, #tpu.memory_space<hbm>> -> memref<20480x128xf32, #tpu.memory_space<hbm>>
      tpu.wait_indirect_dma semaphore(%arg18 : memref<!tpu.dma_semaphore, #tpu.memory_space<semaphore_mem>>) src(%dma_wait3A_240 : memref<20480x128xf32, #tpu.memory_space<hbm>>) dst(%arg13 : memref<64x128xf32, #tpu.memory_space<vmem>>)
      %dma_start3A_241 = arith.constant 6 : i32
      %dma_start3A_242 = arith.constant 0 : i32
      %dma_start3A_243 = tpu.memref_slice %arg8[%dma_start3A_241, %dma_start3A_242] : memref<16x64xi32, #tpu.memory_space<vmem>> -> memref<1x64xi32, #tpu.memory_space<vmem>>
      %dma_start3A_244 = tpu.memref_squeeze %dma_start3A_243 : memref<1x64xi32, #tpu.memory_space<vmem>> -> memref<64xi32, #tpu.memory_space<vmem>>
      %dma_start3A_245 = arith.constant 0 : i32
      %dma_start3A_246 = arith.constant 0 : i32
      %dma_start3A_247 = tpu.memref_slice %arg15[%dma_start3A_245, %dma_start3A_246] : memref<10240x128xf32, #tpu.memory_space<vmem_shared>> -> memref<10240x128xf32, #tpu.memory_space<vmem_shared>>
      tpu.enqueue_indirect_dma source(%arg13 : memref<64x128xf32, #tpu.memory_space<vmem>>) target(%dma_start3A_247 : memref<10240x128xf32, #tpu.memory_space<vmem_shared>>) offsets(%dma_start3A_244 : memref<64xi32, #tpu.memory_space<vmem>>) semaphore(%arg22 : memref<!tpu.dma_semaphore, #tpu.memory_space<semaphore_mem>>) {add = true}
      %dma_wait3A_248 = arith.constant 0 : i32
      %dma_wait3A_249 = arith.constant 0 : i32
      %dma_wait3A_250 = tpu.memref_slice %arg7[%dma_wait3A_248, %dma_wait3A_249] : memref<16x64xi32, #tpu.memory_space<vmem>> -> memref<1x64xi32, #tpu.memory_space<vmem>>
      %dma_wait3A_251 = tpu.memref_squeeze %dma_wait3A_250 : memref<1x64xi32, #tpu.memory_space<vmem>> -> memref<64xi32, #tpu.memory_space<vmem>>
      %dma_wait3A_252 = arith.constant 0 : i32
      %dma_wait3A_253 = arith.constant 0 : i32
      %dma_wait3A_254 = tpu.memref_slice %arg2[%dma_wait3A_252, %dma_wait3A_253] : memref<20480x128xf32, #tpu.memory_space<hbm>> -> memref<20480x128xf32, #tpu.memory_space<hbm>>
      tpu.wait_indirect_dma semaphore(%arg19 : memref<!tpu.dma_semaphore, #tpu.memory_space<semaphore_mem>>) src(%dma_wait3A_254 : memref<20480x128xf32, #tpu.memory_space<hbm>>) dst(%arg14 : memref<64x128xf32, #tpu.memory_space<vmem>>)
      %dma_start3A_255 = arith.constant 7 : i32
      %dma_start3A_256 = arith.constant 0 : i32
      %dma_start3A_257 = tpu.memref_slice %arg8[%dma_start3A_255, %dma_start3A_256] : memref<16x64xi32, #tpu.memory_space<vmem>> -> memref<1x64xi32, #tpu.memory_space<vmem>>
      %dma_start3A_258 = tpu.memref_squeeze %dma_start3A_257 : memref<1x64xi32, #tpu.memory_space<vmem>> -> memref<64xi32, #tpu.memory_space<vmem>>
      %dma_start3A_259 = arith.constant 0 : i32
      %dma_start3A_260 = arith.constant 0 : i32
      %dma_start3A_261 = tpu.memref_slice %arg15[%dma_start3A_259, %dma_start3A_260] : memref<10240x128xf32, #tpu.memory_space<vmem_shared>> -> memref<10240x128xf32, #tpu.memory_space<vmem_shared>>
      tpu.enqueue_indirect_dma source(%arg14 : memref<64x128xf32, #tpu.memory_space<vmem>>) target(%dma_start3A_261 : memref<10240x128xf32, #tpu.memory_space<vmem_shared>>) offsets(%dma_start3A_258 : memref<64xi32, #tpu.memory_space<vmem>>) semaphore(%arg23 : memref<!tpu.dma_semaphore, #tpu.memory_space<semaphore_mem>>) {add = true}
      %dma_wait3A_262 = arith.constant 0 : i32
      %dma_wait3A_263 = arith.constant 0 : i32
      %dma_wait3A_264 = tpu.memref_slice %arg8[%dma_wait3A_262, %dma_wait3A_263] : memref<16x64xi32, #tpu.memory_space<vmem>> -> memref<1x64xi32, #tpu.memory_space<vmem>>
      %dma_wait3A_265 = tpu.memref_squeeze %dma_wait3A_264 : memref<1x64xi32, #tpu.memory_space<vmem>> -> memref<64xi32, #tpu.memory_space<vmem>>
      %dma_wait3A_266 = arith.constant 0 : i32
      %dma_wait3A_267 = arith.constant 0 : i32
      %dma_wait3A_268 = tpu.memref_slice %arg15[%dma_wait3A_266, %dma_wait3A_267] : memref<10240x128xf32, #tpu.memory_space<vmem_shared>> -> memref<10240x128xf32, #tpu.memory_space<vmem_shared>>
      tpu.wait_indirect_dma semaphore(%arg20 : memref<!tpu.dma_semaphore, #tpu.memory_space<semaphore_mem>>) src(%arg11 : memref<64x128xf32, #tpu.memory_space<vmem>>) dst(%dma_wait3A_268 : memref<10240x128xf32, #tpu.memory_space<vmem_shared>>)
      %dma_start3A_269 = arith.constant 8 : i32
      %dma_start3A_270 = arith.constant 0 : i32
      %dma_start3A_271 = tpu.memref_slice %arg7[%dma_start3A_269, %dma_start3A_270] : memref<16x64xi32, #tpu.memory_space<vmem>> -> memref<1x64xi32, #tpu.memory_space<vmem>>
      %dma_start3A_272 = tpu.memref_squeeze %dma_start3A_271 : memref<1x64xi32, #tpu.memory_space<vmem>> -> memref<64xi32, #tpu.memory_space<vmem>>
      %dma_start3A_273 = arith.constant 0 : i32
      %dma_start3A_274 = arith.constant 0 : i32
      %dma_start3A_275 = tpu.memref_slice %arg2[%dma_start3A_273, %dma_start3A_274] : memref<20480x128xf32, #tpu.memory_space<hbm>> -> memref<20480x128xf32, #tpu.memory_space<hbm>>
      tpu.enqueue_indirect_dma source(%dma_start3A_275 : memref<20480x128xf32, #tpu.memory_space<hbm>>) target(%arg11 : memref<64x128xf32, #tpu.memory_space<vmem>>) offsets(%dma_start3A_272 : memref<64xi32, #tpu.memory_space<vmem>>) semaphore(%arg16 : memref<!tpu.dma_semaphore, #tpu.memory_space<semaphore_mem>>)
      %dma_wait3A_276 = arith.constant 0 : i32
      %dma_wait3A_277 = arith.constant 0 : i32
      %dma_wait3A_278 = tpu.memref_slice %arg8[%dma_wait3A_276, %dma_wait3A_277] : memref<16x64xi32, #tpu.memory_space<vmem>> -> memref<1x64xi32, #tpu.memory_space<vmem>>
      %dma_wait3A_279 = tpu.memref_squeeze %dma_wait3A_278 : memref<1x64xi32, #tpu.memory_space<vmem>> -> memref<64xi32, #tpu.memory_space<vmem>>
      %dma_wait3A_280 = arith.constant 0 : i32
      %dma_wait3A_281 = arith.constant 0 : i32
      %dma_wait3A_282 = tpu.memref_slice %arg15[%dma_wait3A_280, %dma_wait3A_281] : memref<10240x128xf32, #tpu.memory_space<vmem_shared>> -> memref<10240x128xf32, #tpu.memory_space<vmem_shared>>
      tpu.wait_indirect_dma semaphore(%arg21 : memref<!tpu.dma_semaphore, #tpu.memory_space<semaphore_mem>>) src(%arg12 : memref<64x128xf32, #tpu.memory_space<vmem>>) dst(%dma_wait3A_282 : memref<10240x128xf32, #tpu.memory_space<vmem_shared>>)
      %dma_start3A_283 = arith.constant 9 : i32
      %dma_start3A_284 = arith.constant 0 : i32
      %dma_start3A_285 = tpu.memref_slice %arg7[%dma_start3A_283, %dma_start3A_284] : memref<16x64xi32, #tpu.memory_space<vmem>> -> memref<1x64xi32, #tpu.memory_space<vmem>>
      %dma_start3A_286 = tpu.memref_squeeze %dma_start3A_285 : memref<1x64xi32, #tpu.memory_space<vmem>> -> memref<64xi32, #tpu.memory_space<vmem>>
      %dma_start3A_287 = arith.constant 0 : i32
      %dma_start3A_288 = arith.constant 0 : i32
      %dma_start3A_289 = tpu.memref_slice %arg2[%dma_start3A_287, %dma_start3A_288] : memref<20480x128xf32, #tpu.memory_space<hbm>> -> memref<20480x128xf32, #tpu.memory_space<hbm>>
      tpu.enqueue_indirect_dma source(%dma_start3A_289 : memref<20480x128xf32, #tpu.memory_space<hbm>>) target(%arg12 : memref<64x128xf32, #tpu.memory_space<vmem>>) offsets(%dma_start3A_286 : memref<64xi32, #tpu.memory_space<vmem>>) semaphore(%arg17 : memref<!tpu.dma_semaphore, #tpu.memory_space<semaphore_mem>>)
      %dma_wait3A_290 = arith.constant 0 : i32
      %dma_wait3A_291 = arith.constant 0 : i32
      %dma_wait3A_292 = tpu.memref_slice %arg8[%dma_wait3A_290, %dma_wait3A_291] : memref<16x64xi32, #tpu.memory_space<vmem>> -> memref<1x64xi32, #tpu.memory_space<vmem>>
      %dma_wait3A_293 = tpu.memref_squeeze %dma_wait3A_292 : memref<1x64xi32, #tpu.memory_space<vmem>> -> memref<64xi32, #tpu.memory_space<vmem>>
      %dma_wait3A_294 = arith.constant 0 : i32
      %dma_wait3A_295 = arith.constant 0 : i32
      %dma_wait3A_296 = tpu.memref_slice %arg15[%dma_wait3A_294, %dma_wait3A_295] : memref<10240x128xf32, #tpu.memory_space<vmem_shared>> -> memref<10240x128xf32, #tpu.memory_space<vmem_shared>>
      tpu.wait_indirect_dma semaphore(%arg22 : memref<!tpu.dma_semaphore, #tpu.memory_space<semaphore_mem>>) src(%arg13 : memref<64x128xf32, #tpu.memory_space<vmem>>) dst(%dma_wait3A_296 : memref<10240x128xf32, #tpu.memory_space<vmem_shared>>)
      %dma_start3A_297 = arith.constant 10 : i32
      %dma_start3A_298 = arith.constant 0 : i32
      %dma_start3A_299 = tpu.memref_slice %arg7[%dma_start3A_297, %dma_start3A_298] : memref<16x64xi32, #tpu.memory_space<vmem>> -> memref<1x64xi32, #tpu.memory_space<vmem>>
      %dma_start3A_300 = tpu.memref_squeeze %dma_start3A_299 : memref<1x64xi32, #tpu.memory_space<vmem>> -> memref<64xi32, #tpu.memory_space<vmem>>
      %dma_start3A_301 = arith.constant 0 : i32
      %dma_start3A_302 = arith.constant 0 : i32
      %dma_start3A_303 = tpu.memref_slice %arg2[%dma_start3A_301, %dma_start3A_302] : memref<20480x128xf32, #tpu.memory_space<hbm>> -> memref<20480x128xf32, #tpu.memory_space<hbm>>
      tpu.enqueue_indirect_dma source(%dma_start3A_303 : memref<20480x128xf32, #tpu.memory_space<hbm>>) target(%arg13 : memref<64x128xf32, #tpu.memory_space<vmem>>) offsets(%dma_start3A_300 : memref<64xi32, #tpu.memory_space<vmem>>) semaphore(%arg18 : memref<!tpu.dma_semaphore, #tpu.memory_space<semaphore_mem>>)
      %dma_wait3A_304 = arith.constant 0 : i32
      %dma_wait3A_305 = arith.constant 0 : i32
      %dma_wait3A_306 = tpu.memref_slice %arg8[%dma_wait3A_304, %dma_wait3A_305] : memref<16x64xi32, #tpu.memory_space<vmem>> -> memref<1x64xi32, #tpu.memory_space<vmem>>
      %dma_wait3A_307 = tpu.memref_squeeze %dma_wait3A_306 : memref<1x64xi32, #tpu.memory_space<vmem>> -> memref<64xi32, #tpu.memory_space<vmem>>
      %dma_wait3A_308 = arith.constant 0 : i32
      %dma_wait3A_309 = arith.constant 0 : i32
      %dma_wait3A_310 = tpu.memref_slice %arg15[%dma_wait3A_308, %dma_wait3A_309] : memref<10240x128xf32, #tpu.memory_space<vmem_shared>> -> memref<10240x128xf32, #tpu.memory_space<vmem_shared>>
      tpu.wait_indirect_dma semaphore(%arg23 : memref<!tpu.dma_semaphore, #tpu.memory_space<semaphore_mem>>) src(%arg14 : memref<64x128xf32, #tpu.memory_space<vmem>>) dst(%dma_wait3A_310 : memref<10240x128xf32, #tpu.memory_space<vmem_shared>>)
      %dma_start3A_311 = arith.constant 11 : i32
      %dma_start3A_312 = arith.constant 0 : i32
      %dma_start3A_313 = tpu.memref_slice %arg7[%dma_start3A_311, %dma_start3A_312] : memref<16x64xi32, #tpu.memory_space<vmem>> -> memref<1x64xi32, #tpu.memory_space<vmem>>
      %dma_start3A_314 = tpu.memref_squeeze %dma_start3A_313 : memref<1x64xi32, #tpu.memory_space<vmem>> -> memref<64xi32, #tpu.memory_space<vmem>>
      %dma_start3A_315 = arith.constant 0 : i32
      %dma_start3A_316 = arith.constant 0 : i32
      %dma_start3A_317 = tpu.memref_slice %arg2[%dma_start3A_315, %dma_start3A_316] : memref<20480x128xf32, #tpu.memory_space<hbm>> -> memref<20480x128xf32, #tpu.memory_space<hbm>>
      tpu.enqueue_indirect_dma source(%dma_start3A_317 : memref<20480x128xf32, #tpu.memory_space<hbm>>) target(%arg14 : memref<64x128xf32, #tpu.memory_space<vmem>>) offsets(%dma_start3A_314 : memref<64xi32, #tpu.memory_space<vmem>>) semaphore(%arg19 : memref<!tpu.dma_semaphore, #tpu.memory_space<semaphore_mem>>)
      %dma_wait3A_318 = arith.constant 0 : i32
      %dma_wait3A_319 = arith.constant 0 : i32
      %dma_wait3A_320 = tpu.memref_slice %arg7[%dma_wait3A_318, %dma_wait3A_319] : memref<16x64xi32, #tpu.memory_space<vmem>> -> memref<1x64xi32, #tpu.memory_space<vmem>>
      %dma_wait3A_321 = tpu.memref_squeeze %dma_wait3A_320 : memref<1x64xi32, #tpu.memory_space<vmem>> -> memref<64xi32, #tpu.memory_space<vmem>>
      %dma_wait3A_322 = arith.constant 0 : i32
      %dma_wait3A_323 = arith.constant 0 : i32
      %dma_wait3A_324 = tpu.memref_slice %arg2[%dma_wait3A_322, %dma_wait3A_323] : memref<20480x128xf32, #tpu.memory_space<hbm>> -> memref<20480x128xf32, #tpu.memory_space<hbm>>
      tpu.wait_indirect_dma semaphore(%arg16 : memref<!tpu.dma_semaphore, #tpu.memory_space<semaphore_mem>>) src(%dma_wait3A_324 : memref<20480x128xf32, #tpu.memory_space<hbm>>) dst(%arg11 : memref<64x128xf32, #tpu.memory_space<vmem>>)
      %dma_start3A_325 = arith.constant 8 : i32
      %dma_start3A_326 = arith.constant 0 : i32
      %dma_start3A_327 = tpu.memref_slice %arg8[%dma_start3A_325, %dma_start3A_326] : memref<16x64xi32, #tpu.memory_space<vmem>> -> memref<1x64xi32, #tpu.memory_space<vmem>>
      %dma_start3A_328 = tpu.memref_squeeze %dma_start3A_327 : memref<1x64xi32, #tpu.memory_space<vmem>> -> memref<64xi32, #tpu.memory_space<vmem>>
      %dma_start3A_329 = arith.constant 0 : i32
      %dma_start3A_330 = arith.constant 0 : i32
      %dma_start3A_331 = tpu.memref_slice %arg15[%dma_start3A_329, %dma_start3A_330] : memref<10240x128xf32, #tpu.memory_space<vmem_shared>> -> memref<10240x128xf32, #tpu.memory_space<vmem_shared>>
      tpu.enqueue_indirect_dma source(%arg11 : memref<64x128xf32, #tpu.memory_space<vmem>>) target(%dma_start3A_331 : memref<10240x128xf32, #tpu.memory_space<vmem_shared>>) offsets(%dma_start3A_328 : memref<64xi32, #tpu.memory_space<vmem>>) semaphore(%arg20 : memref<!tpu.dma_semaphore, #tpu.memory_space<semaphore_mem>>) {add = true}
      %dma_wait3A_332 = arith.constant 0 : i32
      %dma_wait3A_333 = arith.constant 0 : i32
      %dma_wait3A_334 = tpu.memref_slice %arg7[%dma_wait3A_332, %dma_wait3A_333] : memref<16x64xi32, #tpu.memory_space<vmem>> -> memref<1x64xi32, #tpu.memory_space<vmem>>
      %dma_wait3A_335 = tpu.memref_squeeze %dma_wait3A_334 : memref<1x64xi32, #tpu.memory_space<vmem>> -> memref<64xi32, #tpu.memory_space<vmem>>
      %dma_wait3A_336 = arith.constant 0 : i32
      %dma_wait3A_337 = arith.constant 0 : i32
      %dma_wait3A_338 = tpu.memref_slice %arg2[%dma_wait3A_336, %dma_wait3A_337] : memref<20480x128xf32, #tpu.memory_space<hbm>> -> memref<20480x128xf32, #tpu.memory_space<hbm>>
      tpu.wait_indirect_dma semaphore(%arg17 : memref<!tpu.dma_semaphore, #tpu.memory_space<semaphore_mem>>) src(%dma_wait3A_338 : memref<20480x128xf32, #tpu.memory_space<hbm>>) dst(%arg12 : memref<64x128xf32, #tpu.memory_space<vmem>>)
      %dma_start3A_339 = arith.constant 9 : i32
      %dma_start3A_340 = arith.constant 0 : i32
      %dma_start3A_341 = tpu.memref_slice %arg8[%dma_start3A_339, %dma_start3A_340] : memref<16x64xi32, #tpu.memory_space<vmem>> -> memref<1x64xi32, #tpu.memory_space<vmem>>
      %dma_start3A_342 = tpu.memref_squeeze %dma_start3A_341 : memref<1x64xi32, #tpu.memory_space<vmem>> -> memref<64xi32, #tpu.memory_space<vmem>>
      %dma_start3A_343 = arith.constant 0 : i32
      %dma_start3A_344 = arith.constant 0 : i32
      %dma_start3A_345 = tpu.memref_slice %arg15[%dma_start3A_343, %dma_start3A_344] : memref<10240x128xf32, #tpu.memory_space<vmem_shared>> -> memref<10240x128xf32, #tpu.memory_space<vmem_shared>>
      tpu.enqueue_indirect_dma source(%arg12 : memref<64x128xf32, #tpu.memory_space<vmem>>) target(%dma_start3A_345 : memref<10240x128xf32, #tpu.memory_space<vmem_shared>>) offsets(%dma_start3A_342 : memref<64xi32, #tpu.memory_space<vmem>>) semaphore(%arg21 : memref<!tpu.dma_semaphore, #tpu.memory_space<semaphore_mem>>) {add = true}
      %dma_wait3A_346 = arith.constant 0 : i32
      %dma_wait3A_347 = arith.constant 0 : i32
      %dma_wait3A_348 = tpu.memref_slice %arg7[%dma_wait3A_346, %dma_wait3A_347] : memref<16x64xi32, #tpu.memory_space<vmem>> -> memref<1x64xi32, #tpu.memory_space<vmem>>
      %dma_wait3A_349 = tpu.memref_squeeze %dma_wait3A_348 : memref<1x64xi32, #tpu.memory_space<vmem>> -> memref<64xi32, #tpu.memory_space<vmem>>
      %dma_wait3A_350 = arith.constant 0 : i32
      %dma_wait3A_351 = arith.constant 0 : i32
      %dma_wait3A_352 = tpu.memref_slice %arg2[%dma_wait3A_350, %dma_wait3A_351] : memref<20480x128xf32, #tpu.memory_space<hbm>> -> memref<20480x128xf32, #tpu.memory_space<hbm>>
      tpu.wait_indirect_dma semaphore(%arg18 : memref<!tpu.dma_semaphore, #tpu.memory_space<semaphore_mem>>) src(%dma_wait3A_352 : memref<20480x128xf32, #tpu.memory_space<hbm>>) dst(%arg13 : memref<64x128xf32, #tpu.memory_space<vmem>>)
      %dma_start3A_353 = arith.constant 10 : i32
      %dma_start3A_354 = arith.constant 0 : i32
      %dma_start3A_355 = tpu.memref_slice %arg8[%dma_start3A_353, %dma_start3A_354] : memref<16x64xi32, #tpu.memory_space<vmem>> -> memref<1x64xi32, #tpu.memory_space<vmem>>
      %dma_start3A_356 = tpu.memref_squeeze %dma_start3A_355 : memref<1x64xi32, #tpu.memory_space<vmem>> -> memref<64xi32, #tpu.memory_space<vmem>>
      %dma_start3A_357 = arith.constant 0 : i32
      %dma_start3A_358 = arith.constant 0 : i32
      %dma_start3A_359 = tpu.memref_slice %arg15[%dma_start3A_357, %dma_start3A_358] : memref<10240x128xf32, #tpu.memory_space<vmem_shared>> -> memref<10240x128xf32, #tpu.memory_space<vmem_shared>>
      tpu.enqueue_indirect_dma source(%arg13 : memref<64x128xf32, #tpu.memory_space<vmem>>) target(%dma_start3A_359 : memref<10240x128xf32, #tpu.memory_space<vmem_shared>>) offsets(%dma_start3A_356 : memref<64xi32, #tpu.memory_space<vmem>>) semaphore(%arg22 : memref<!tpu.dma_semaphore, #tpu.memory_space<semaphore_mem>>) {add = true}
      %dma_wait3A_360 = arith.constant 0 : i32
      %dma_wait3A_361 = arith.constant 0 : i32
      %dma_wait3A_362 = tpu.memref_slice %arg7[%dma_wait3A_360, %dma_wait3A_361] : memref<16x64xi32, #tpu.memory_space<vmem>> -> memref<1x64xi32, #tpu.memory_space<vmem>>
      %dma_wait3A_363 = tpu.memref_squeeze %dma_wait3A_362 : memref<1x64xi32, #tpu.memory_space<vmem>> -> memref<64xi32, #tpu.memory_space<vmem>>
      %dma_wait3A_364 = arith.constant 0 : i32
      %dma_wait3A_365 = arith.constant 0 : i32
      %dma_wait3A_366 = tpu.memref_slice %arg2[%dma_wait3A_364, %dma_wait3A_365] : memref<20480x128xf32, #tpu.memory_space<hbm>> -> memref<20480x128xf32, #tpu.memory_space<hbm>>
      tpu.wait_indirect_dma semaphore(%arg19 : memref<!tpu.dma_semaphore, #tpu.memory_space<semaphore_mem>>) src(%dma_wait3A_366 : memref<20480x128xf32, #tpu.memory_space<hbm>>) dst(%arg14 : memref<64x128xf32, #tpu.memory_space<vmem>>)
      %dma_start3A_367 = arith.constant 11 : i32
      %dma_start3A_368 = arith.constant 0 : i32
      %dma_start3A_369 = tpu.memref_slice %arg8[%dma_start3A_367, %dma_start3A_368] : memref<16x64xi32, #tpu.memory_space<vmem>> -> memref<1x64xi32, #tpu.memory_space<vmem>>
      %dma_start3A_370 = tpu.memref_squeeze %dma_start3A_369 : memref<1x64xi32, #tpu.memory_space<vmem>> -> memref<64xi32, #tpu.memory_space<vmem>>
      %dma_start3A_371 = arith.constant 0 : i32
      %dma_start3A_372 = arith.constant 0 : i32
      %dma_start3A_373 = tpu.memref_slice %arg15[%dma_start3A_371, %dma_start3A_372] : memref<10240x128xf32, #tpu.memory_space<vmem_shared>> -> memref<10240x128xf32, #tpu.memory_space<vmem_shared>>
      tpu.enqueue_indirect_dma source(%arg14 : memref<64x128xf32, #tpu.memory_space<vmem>>) target(%dma_start3A_373 : memref<10240x128xf32, #tpu.memory_space<vmem_shared>>) offsets(%dma_start3A_370 : memref<64xi32, #tpu.memory_space<vmem>>) semaphore(%arg23 : memref<!tpu.dma_semaphore, #tpu.memory_space<semaphore_mem>>) {add = true}
      %dma_wait3A_374 = arith.constant 0 : i32
      %dma_wait3A_375 = arith.constant 0 : i32
      %dma_wait3A_376 = tpu.memref_slice %arg8[%dma_wait3A_374, %dma_wait3A_375] : memref<16x64xi32, #tpu.memory_space<vmem>> -> memref<1x64xi32, #tpu.memory_space<vmem>>
      %dma_wait3A_377 = tpu.memref_squeeze %dma_wait3A_376 : memref<1x64xi32, #tpu.memory_space<vmem>> -> memref<64xi32, #tpu.memory_space<vmem>>
      %dma_wait3A_378 = arith.constant 0 : i32
      %dma_wait3A_379 = arith.constant 0 : i32
      %dma_wait3A_380 = tpu.memref_slice %arg15[%dma_wait3A_378, %dma_wait3A_379] : memref<10240x128xf32, #tpu.memory_space<vmem_shared>> -> memref<10240x128xf32, #tpu.memory_space<vmem_shared>>
      tpu.wait_indirect_dma semaphore(%arg20 : memref<!tpu.dma_semaphore, #tpu.memory_space<semaphore_mem>>) src(%arg11 : memref<64x128xf32, #tpu.memory_space<vmem>>) dst(%dma_wait3A_380 : memref<10240x128xf32, #tpu.memory_space<vmem_shared>>)
      %dma_start3A_381 = arith.constant 12 : i32
      %dma_start3A_382 = arith.constant 0 : i32
      %dma_start3A_383 = tpu.memref_slice %arg7[%dma_start3A_381, %dma_start3A_382] : memref<16x64xi32, #tpu.memory_space<vmem>> -> memref<1x64xi32, #tpu.memory_space<vmem>>
      %dma_start3A_384 = tpu.memref_squeeze %dma_start3A_383 : memref<1x64xi32, #tpu.memory_space<vmem>> -> memref<64xi32, #tpu.memory_space<vmem>>
      %dma_start3A_385 = arith.constant 0 : i32
      %dma_start3A_386 = arith.constant 0 : i32
      %dma_start3A_387 = tpu.memref_slice %arg2[%dma_start3A_385, %dma_start3A_386] : memref<20480x128xf32, #tpu.memory_space<hbm>> -> memref<20480x128xf32, #tpu.memory_space<hbm>>
      tpu.enqueue_indirect_dma source(%dma_start3A_387 : memref<20480x128xf32, #tpu.memory_space<hbm>>) target(%arg11 : memref<64x128xf32, #tpu.memory_space<vmem>>) offsets(%dma_start3A_384 : memref<64xi32, #tpu.memory_space<vmem>>) semaphore(%arg16 : memref<!tpu.dma_semaphore, #tpu.memory_space<semaphore_mem>>)
      %dma_wait3A_388 = arith.constant 0 : i32
      %dma_wait3A_389 = arith.constant 0 : i32
      %dma_wait3A_390 = tpu.memref_slice %arg8[%dma_wait3A_388, %dma_wait3A_389] : memref<16x64xi32, #tpu.memory_space<vmem>> -> memref<1x64xi32, #tpu.memory_space<vmem>>
      %dma_wait3A_391 = tpu.memref_squeeze %dma_wait3A_390 : memref<1x64xi32, #tpu.memory_space<vmem>> -> memref<64xi32, #tpu.memory_space<vmem>>
      %dma_wait3A_392 = arith.constant 0 : i32
      %dma_wait3A_393 = arith.constant 0 : i32
      %dma_wait3A_394 = tpu.memref_slice %arg15[%dma_wait3A_392, %dma_wait3A_393] : memref<10240x128xf32, #tpu.memory_space<vmem_shared>> -> memref<10240x128xf32, #tpu.memory_space<vmem_shared>>
      tpu.wait_indirect_dma semaphore(%arg21 : memref<!tpu.dma_semaphore, #tpu.memory_space<semaphore_mem>>) src(%arg12 : memref<64x128xf32, #tpu.memory_space<vmem>>) dst(%dma_wait3A_394 : memref<10240x128xf32, #tpu.memory_space<vmem_shared>>)
      %dma_start3A_395 = arith.constant 13 : i32
      %dma_start3A_396 = arith.constant 0 : i32
      %dma_start3A_397 = tpu.memref_slice %arg7[%dma_start3A_395, %dma_start3A_396] : memref<16x64xi32, #tpu.memory_space<vmem>> -> memref<1x64xi32, #tpu.memory_space<vmem>>
      %dma_start3A_398 = tpu.memref_squeeze %dma_start3A_397 : memref<1x64xi32, #tpu.memory_space<vmem>> -> memref<64xi32, #tpu.memory_space<vmem>>
      %dma_start3A_399 = arith.constant 0 : i32
      %dma_start3A_400 = arith.constant 0 : i32
      %dma_start3A_401 = tpu.memref_slice %arg2[%dma_start3A_399, %dma_start3A_400] : memref<20480x128xf32, #tpu.memory_space<hbm>> -> memref<20480x128xf32, #tpu.memory_space<hbm>>
      tpu.enqueue_indirect_dma source(%dma_start3A_401 : memref<20480x128xf32, #tpu.memory_space<hbm>>) target(%arg12 : memref<64x128xf32, #tpu.memory_space<vmem>>) offsets(%dma_start3A_398 : memref<64xi32, #tpu.memory_space<vmem>>) semaphore(%arg17 : memref<!tpu.dma_semaphore, #tpu.memory_space<semaphore_mem>>)
      %dma_wait3A_402 = arith.constant 0 : i32
      %dma_wait3A_403 = arith.constant 0 : i32
      %dma_wait3A_404 = tpu.memref_slice %arg8[%dma_wait3A_402, %dma_wait3A_403] : memref<16x64xi32, #tpu.memory_space<vmem>> -> memref<1x64xi32, #tpu.memory_space<vmem>>
      %dma_wait3A_405 = tpu.memref_squeeze %dma_wait3A_404 : memref<1x64xi32, #tpu.memory_space<vmem>> -> memref<64xi32, #tpu.memory_space<vmem>>
      %dma_wait3A_406 = arith.constant 0 : i32
      %dma_wait3A_407 = arith.constant 0 : i32
      %dma_wait3A_408 = tpu.memref_slice %arg15[%dma_wait3A_406, %dma_wait3A_407] : memref<10240x128xf32, #tpu.memory_space<vmem_shared>> -> memref<10240x128xf32, #tpu.memory_space<vmem_shared>>
      tpu.wait_indirect_dma semaphore(%arg22 : memref<!tpu.dma_semaphore, #tpu.memory_space<semaphore_mem>>) src(%arg13 : memref<64x128xf32, #tpu.memory_space<vmem>>) dst(%dma_wait3A_408 : memref<10240x128xf32, #tpu.memory_space<vmem_shared>>)
      %dma_start3A_409 = arith.constant 14 : i32
      %dma_start3A_410 = arith.constant 0 : i32
      %dma_start3A_411 = tpu.memref_slice %arg7[%dma_start3A_409, %dma_start3A_410] : memref<16x64xi32, #tpu.memory_space<vmem>> -> memref<1x64xi32, #tpu.memory_space<vmem>>
      %dma_start3A_412 = tpu.memref_squeeze %dma_start3A_411 : memref<1x64xi32, #tpu.memory_space<vmem>> -> memref<64xi32, #tpu.memory_space<vmem>>
      %dma_start3A_413 = arith.constant 0 : i32
      %dma_start3A_414 = arith.constant 0 : i32
      %dma_start3A_415 = tpu.memref_slice %arg2[%dma_start3A_413, %dma_start3A_414] : memref<20480x128xf32, #tpu.memory_space<hbm>> -> memref<20480x128xf32, #tpu.memory_space<hbm>>
      tpu.enqueue_indirect_dma source(%dma_start3A_415 : memref<20480x128xf32, #tpu.memory_space<hbm>>) target(%arg13 : memref<64x128xf32, #tpu.memory_space<vmem>>) offsets(%dma_start3A_412 : memref<64xi32, #tpu.memory_space<vmem>>) semaphore(%arg18 : memref<!tpu.dma_semaphore, #tpu.memory_space<semaphore_mem>>)
      %dma_wait3A_416 = arith.constant 0 : i32
      %dma_wait3A_417 = arith.constant 0 : i32
      %dma_wait3A_418 = tpu.memref_slice %arg8[%dma_wait3A_416, %dma_wait3A_417] : memref<16x64xi32, #tpu.memory_space<vmem>> -> memref<1x64xi32, #tpu.memory_space<vmem>>
      %dma_wait3A_419 = tpu.memref_squeeze %dma_wait3A_418 : memref<1x64xi32, #tpu.memory_space<vmem>> -> memref<64xi32, #tpu.memory_space<vmem>>
      %dma_wait3A_420 = arith.constant 0 : i32
      %dma_wait3A_421 = arith.constant 0 : i32
      %dma_wait3A_422 = tpu.memref_slice %arg15[%dma_wait3A_420, %dma_wait3A_421] : memref<10240x128xf32, #tpu.memory_space<vmem_shared>> -> memref<10240x128xf32, #tpu.memory_space<vmem_shared>>
      tpu.wait_indirect_dma semaphore(%arg23 : memref<!tpu.dma_semaphore, #tpu.memory_space<semaphore_mem>>) src(%arg14 : memref<64x128xf32, #tpu.memory_space<vmem>>) dst(%dma_wait3A_422 : memref<10240x128xf32, #tpu.memory_space<vmem_shared>>)
      %dma_start3A_423 = arith.constant 15 : i32
      %dma_start3A_424 = arith.constant 0 : i32
      %dma_start3A_425 = tpu.memref_slice %arg7[%dma_start3A_423, %dma_start3A_424] : memref<16x64xi32, #tpu.memory_space<vmem>> -> memref<1x64xi32, #tpu.memory_space<vmem>>
      %dma_start3A_426 = tpu.memref_squeeze %dma_start3A_425 : memref<1x64xi32, #tpu.memory_space<vmem>> -> memref<64xi32, #tpu.memory_space<vmem>>
      %dma_start3A_427 = arith.constant 0 : i32
      %dma_start3A_428 = arith.constant 0 : i32
      %dma_start3A_429 = tpu.memref_slice %arg2[%dma_start3A_427, %dma_start3A_428] : memref<20480x128xf32, #tpu.memory_space<hbm>> -> memref<20480x128xf32, #tpu.memory_space<hbm>>
      tpu.enqueue_indirect_dma source(%dma_start3A_429 : memref<20480x128xf32, #tpu.memory_space<hbm>>) target(%arg14 : memref<64x128xf32, #tpu.memory_space<vmem>>) offsets(%dma_start3A_426 : memref<64xi32, #tpu.memory_space<vmem>>) semaphore(%arg19 : memref<!tpu.dma_semaphore, #tpu.memory_space<semaphore_mem>>)
      %dma_wait3A_430 = arith.constant 0 : i32
      %dma_wait3A_431 = arith.constant 0 : i32
      %dma_wait3A_432 = tpu.memref_slice %arg7[%dma_wait3A_430, %dma_wait3A_431] : memref<16x64xi32, #tpu.memory_space<vmem>> -> memref<1x64xi32, #tpu.memory_space<vmem>>
      %dma_wait3A_433 = tpu.memref_squeeze %dma_wait3A_432 : memref<1x64xi32, #tpu.memory_space<vmem>> -> memref<64xi32, #tpu.memory_space<vmem>>
      %dma_wait3A_434 = arith.constant 0 : i32
      %dma_wait3A_435 = arith.constant 0 : i32
      %dma_wait3A_436 = tpu.memref_slice %arg2[%dma_wait3A_434, %dma_wait3A_435] : memref<20480x128xf32, #tpu.memory_space<hbm>> -> memref<20480x128xf32, #tpu.memory_space<hbm>>
      tpu.wait_indirect_dma semaphore(%arg16 : memref<!tpu.dma_semaphore, #tpu.memory_space<semaphore_mem>>) src(%dma_wait3A_436 : memref<20480x128xf32, #tpu.memory_space<hbm>>) dst(%arg11 : memref<64x128xf32, #tpu.memory_space<vmem>>)
      %dma_start3A_437 = arith.constant 12 : i32
      %dma_start3A_438 = arith.constant 0 : i32
      %dma_start3A_439 = tpu.memref_slice %arg8[%dma_start3A_437, %dma_start3A_438] : memref<16x64xi32, #tpu.memory_space<vmem>> -> memref<1x64xi32, #tpu.memory_space<vmem>>
      %dma_start3A_440 = tpu.memref_squeeze %dma_start3A_439 : memref<1x64xi32, #tpu.memory_space<vmem>> -> memref<64xi32, #tpu.memory_space<vmem>>
      %dma_start3A_441 = arith.constant 0 : i32
      %dma_start3A_442 = arith.constant 0 : i32
      %dma_start3A_443 = tpu.memref_slice %arg15[%dma_start3A_441, %dma_start3A_442] : memref<10240x128xf32, #tpu.memory_space<vmem_shared>> -> memref<10240x128xf32, #tpu.memory_space<vmem_shared>>
      tpu.enqueue_indirect_dma source(%arg11 : memref<64x128xf32, #tpu.memory_space<vmem>>) target(%dma_start3A_443 : memref<10240x128xf32, #tpu.memory_space<vmem_shared>>) offsets(%dma_start3A_440 : memref<64xi32, #tpu.memory_space<vmem>>) semaphore(%arg20 : memref<!tpu.dma_semaphore, #tpu.memory_space<semaphore_mem>>) {add = true}
      %dma_wait3A_444 = arith.constant 0 : i32
      %dma_wait3A_445 = arith.constant 0 : i32
      %dma_wait3A_446 = tpu.memref_slice %arg7[%dma_wait3A_444, %dma_wait3A_445] : memref<16x64xi32, #tpu.memory_space<vmem>> -> memref<1x64xi32, #tpu.memory_space<vmem>>
      %dma_wait3A_447 = tpu.memref_squeeze %dma_wait3A_446 : memref<1x64xi32, #tpu.memory_space<vmem>> -> memref<64xi32, #tpu.memory_space<vmem>>
      %dma_wait3A_448 = arith.constant 0 : i32
      %dma_wait3A_449 = arith.constant 0 : i32
      %dma_wait3A_450 = tpu.memref_slice %arg2[%dma_wait3A_448, %dma_wait3A_449] : memref<20480x128xf32, #tpu.memory_space<hbm>> -> memref<20480x128xf32, #tpu.memory_space<hbm>>
      tpu.wait_indirect_dma semaphore(%arg17 : memref<!tpu.dma_semaphore, #tpu.memory_space<semaphore_mem>>) src(%dma_wait3A_450 : memref<20480x128xf32, #tpu.memory_space<hbm>>) dst(%arg12 : memref<64x128xf32, #tpu.memory_space<vmem>>)
      %dma_start3A_451 = arith.constant 13 : i32
      %dma_start3A_452 = arith.constant 0 : i32
      %dma_start3A_453 = tpu.memref_slice %arg8[%dma_start3A_451, %dma_start3A_452] : memref<16x64xi32, #tpu.memory_space<vmem>> -> memref<1x64xi32, #tpu.memory_space<vmem>>
      %dma_start3A_454 = tpu.memref_squeeze %dma_start3A_453 : memref<1x64xi32, #tpu.memory_space<vmem>> -> memref<64xi32, #tpu.memory_space<vmem>>
      %dma_start3A_455 = arith.constant 0 : i32
      %dma_start3A_456 = arith.constant 0 : i32
      %dma_start3A_457 = tpu.memref_slice %arg15[%dma_start3A_455, %dma_start3A_456] : memref<10240x128xf32, #tpu.memory_space<vmem_shared>> -> memref<10240x128xf32, #tpu.memory_space<vmem_shared>>
      tpu.enqueue_indirect_dma source(%arg12 : memref<64x128xf32, #tpu.memory_space<vmem>>) target(%dma_start3A_457 : memref<10240x128xf32, #tpu.memory_space<vmem_shared>>) offsets(%dma_start3A_454 : memref<64xi32, #tpu.memory_space<vmem>>) semaphore(%arg21 : memref<!tpu.dma_semaphore, #tpu.memory_space<semaphore_mem>>) {add = true}
      %dma_wait3A_458 = arith.constant 0 : i32
      %dma_wait3A_459 = arith.constant 0 : i32
      %dma_wait3A_460 = tpu.memref_slice %arg7[%dma_wait3A_458, %dma_wait3A_459] : memref<16x64xi32, #tpu.memory_space<vmem>> -> memref<1x64xi32, #tpu.memory_space<vmem>>
      %dma_wait3A_461 = tpu.memref_squeeze %dma_wait3A_460 : memref<1x64xi32, #tpu.memory_space<vmem>> -> memref<64xi32, #tpu.memory_space<vmem>>
      %dma_wait3A_462 = arith.constant 0 : i32
      %dma_wait3A_463 = arith.constant 0 : i32
      %dma_wait3A_464 = tpu.memref_slice %arg2[%dma_wait3A_462, %dma_wait3A_463] : memref<20480x128xf32, #tpu.memory_space<hbm>> -> memref<20480x128xf32, #tpu.memory_space<hbm>>
      tpu.wait_indirect_dma semaphore(%arg18 : memref<!tpu.dma_semaphore, #tpu.memory_space<semaphore_mem>>) src(%dma_wait3A_464 : memref<20480x128xf32, #tpu.memory_space<hbm>>) dst(%arg13 : memref<64x128xf32, #tpu.memory_space<vmem>>)
      %dma_start3A_465 = arith.constant 14 : i32
      %dma_start3A_466 = arith.constant 0 : i32
      %dma_start3A_467 = tpu.memref_slice %arg8[%dma_start3A_465, %dma_start3A_466] : memref<16x64xi32, #tpu.memory_space<vmem>> -> memref<1x64xi32, #tpu.memory_space<vmem>>
      %dma_start3A_468 = tpu.memref_squeeze %dma_start3A_467 : memref<1x64xi32, #tpu.memory_space<vmem>> -> memref<64xi32, #tpu.memory_space<vmem>>
      %dma_start3A_469 = arith.constant 0 : i32
      %dma_start3A_470 = arith.constant 0 : i32
      %dma_start3A_471 = tpu.memref_slice %arg15[%dma_start3A_469, %dma_start3A_470] : memref<10240x128xf32, #tpu.memory_space<vmem_shared>> -> memref<10240x128xf32, #tpu.memory_space<vmem_shared>>
      tpu.enqueue_indirect_dma source(%arg13 : memref<64x128xf32, #tpu.memory_space<vmem>>) target(%dma_start3A_471 : memref<10240x128xf32, #tpu.memory_space<vmem_shared>>) offsets(%dma_start3A_468 : memref<64xi32, #tpu.memory_space<vmem>>) semaphore(%arg22 : memref<!tpu.dma_semaphore, #tpu.memory_space<semaphore_mem>>) {add = true}
      %dma_wait3A_472 = arith.constant 0 : i32
      %dma_wait3A_473 = arith.constant 0 : i32
      %dma_wait3A_474 = tpu.memref_slice %arg7[%dma_wait3A_472, %dma_wait3A_473] : memref<16x64xi32, #tpu.memory_space<vmem>> -> memref<1x64xi32, #tpu.memory_space<vmem>>
      %dma_wait3A_475 = tpu.memref_squeeze %dma_wait3A_474 : memref<1x64xi32, #tpu.memory_space<vmem>> -> memref<64xi32, #tpu.memory_space<vmem>>
      %dma_wait3A_476 = arith.constant 0 : i32
      %dma_wait3A_477 = arith.constant 0 : i32
      %dma_wait3A_478 = tpu.memref_slice %arg2[%dma_wait3A_476, %dma_wait3A_477] : memref<20480x128xf32, #tpu.memory_space<hbm>> -> memref<20480x128xf32, #tpu.memory_space<hbm>>
      tpu.wait_indirect_dma semaphore(%arg19 : memref<!tpu.dma_semaphore, #tpu.memory_space<semaphore_mem>>) src(%dma_wait3A_478 : memref<20480x128xf32, #tpu.memory_space<hbm>>) dst(%arg14 : memref<64x128xf32, #tpu.memory_space<vmem>>)
      %dma_start3A_479 = arith.constant 15 : i32
      %dma_start3A_480 = arith.constant 0 : i32
      %dma_start3A_481 = tpu.memref_slice %arg8[%dma_start3A_479, %dma_start3A_480] : memref<16x64xi32, #tpu.memory_space<vmem>> -> memref<1x64xi32, #tpu.memory_space<vmem>>
      %dma_start3A_482 = tpu.memref_squeeze %dma_start3A_481 : memref<1x64xi32, #tpu.memory_space<vmem>> -> memref<64xi32, #tpu.memory_space<vmem>>
      %dma_start3A_483 = arith.constant 0 : i32
      %dma_start3A_484 = arith.constant 0 : i32
      %dma_start3A_485 = tpu.memref_slice %arg15[%dma_start3A_483, %dma_start3A_484] : memref<10240x128xf32, #tpu.memory_space<vmem_shared>> -> memref<10240x128xf32, #tpu.memory_space<vmem_shared>>
      tpu.enqueue_indirect_dma source(%arg14 : memref<64x128xf32, #tpu.memory_space<vmem>>) target(%dma_start3A_485 : memref<10240x128xf32, #tpu.memory_space<vmem_shared>>) offsets(%dma_start3A_482 : memref<64xi32, #tpu.memory_space<vmem>>) semaphore(%arg23 : memref<!tpu.dma_semaphore, #tpu.memory_space<semaphore_mem>>) {add = true}
      %dma_wait3A_486 = arith.constant 0 : i32
      %dma_wait3A_487 = arith.constant 0 : i32
      %dma_wait3A_488 = tpu.memref_slice %arg3[%arg0, %arg1, %dma_wait3A_486, %dma_wait3A_487] : memref<2x16x320x64xi32, #tpu.memory_space<hbm>> -> memref<1x1x16x64xi32, #tpu.memory_space<hbm>>
      %dma_wait3A_489 = tpu.memref_squeeze %dma_wait3A_488 : memref<1x1x16x64xi32, #tpu.memory_space<hbm>> -> memref<16x64xi32, #tpu.memory_space<hbm>>
      %dma_wait3A_490 = arith.constant 0 : i32
      %dma_wait3A_491 = arith.constant 0 : i32
      %dma_wait3A_492 = tpu.memref_slice %arg3[%arg0, %arg1, %dma_wait3A_490, %dma_wait3A_491] : memref<2x16x320x64xi32, #tpu.memory_space<hbm>> -> memref<1x1x16x64xi32, #tpu.memory_space<hbm>>
      %dma_wait3A_493 = tpu.memref_squeeze %dma_wait3A_492 : memref<1x1x16x64xi32, #tpu.memory_space<hbm>> -> memref<16x64xi32, #tpu.memory_space<hbm>>
      tpu.wait_dma2 semaphore(%arg26 : memref<!tpu.dma_semaphore, #tpu.memory_space<semaphore_mem>>) src(%dma_wait3A_493 : memref<16x64xi32, #tpu.memory_space<hbm>>) dst(%arg7 : memref<16x64xi32, #tpu.memory_space<vmem>>)
      %dma_wait3A_494 = arith.constant 0 : i32
      %dma_wait3A_495 = arith.constant 0 : i32
      %dma_wait3A_496 = tpu.memref_slice %arg4[%arg1, %dma_wait3A_494, %dma_wait3A_495] : memref<16x320x64xi32, #tpu.memory_space<hbm>> -> memref<1x16x64xi32, #tpu.memory_space<hbm>>
      %dma_wait3A_497 = tpu.memref_squeeze %dma_wait3A_496 : memref<1x16x64xi32, #tpu.memory_space<hbm>> -> memref<16x64xi32, #tpu.memory_space<hbm>>
      %dma_wait3A_498 = arith.constant 0 : i32
      %dma_wait3A_499 = arith.constant 0 : i32
      %dma_wait3A_500 = tpu.memref_slice %arg4[%arg1, %dma_wait3A_498, %dma_wait3A_499] : memref<16x320x64xi32, #tpu.memory_space<hbm>> -> memref<1x16x64xi32, #tpu.memory_space<hbm>>
      %dma_wait3A_501 = tpu.memref_squeeze %dma_wait3A_500 : memref<1x16x64xi32, #tpu.memory_space<hbm>> -> memref<16x64xi32, #tpu.memory_space<hbm>>
      tpu.wait_dma2 semaphore(%arg27 : memref<!tpu.dma_semaphore, #tpu.memory_space<semaphore_mem>>) src(%dma_wait3A_501 : memref<16x64xi32, #tpu.memory_space<hbm>>) dst(%arg8 : memref<16x64xi32, #tpu.memory_space<vmem>>)
      %dma_wait3A_502 = arith.constant 0 : i32
      %dma_wait3A_503 = arith.constant 0 : i32
      %dma_wait3A_504 = tpu.memref_slice %arg8[%dma_wait3A_502, %dma_wait3A_503] : memref<16x64xi32, #tpu.memory_space<vmem>> -> memref<1x64xi32, #tpu.memory_space<vmem>>
      %dma_wait3A_505 = tpu.memref_squeeze %dma_wait3A_504 : memref<1x64xi32, #tpu.memory_space<vmem>> -> memref<64xi32, #tpu.memory_space<vmem>>
      %dma_wait3A_506 = arith.constant 0 : i32
      %dma_wait3A_507 = arith.constant 0 : i32
      %dma_wait3A_508 = tpu.memref_slice %arg15[%dma_wait3A_506, %dma_wait3A_507] : memref<10240x128xf32, #tpu.memory_space<vmem_shared>> -> memref<10240x128xf32, #tpu.memory_space<vmem_shared>>
      tpu.wait_indirect_dma semaphore(%arg20 : memref<!tpu.dma_semaphore, #tpu.memory_space<semaphore_mem>>) src(%arg11 : memref<64x128xf32, #tpu.memory_space<vmem>>) dst(%dma_wait3A_508 : memref<10240x128xf32, #tpu.memory_space<vmem_shared>>)
      %dma_start3A_509 = arith.constant 0 : i32
      %dma_start3A_510 = arith.constant 0 : i32
      %dma_start3A_511 = tpu.memref_slice %arg9[%dma_start3A_509, %dma_start3A_510] : memref<16x64xi32, #tpu.memory_space<vmem>> -> memref<1x64xi32, #tpu.memory_space<vmem>>
      %dma_start3A_512 = tpu.memref_squeeze %dma_start3A_511 : memref<1x64xi32, #tpu.memory_space<vmem>> -> memref<64xi32, #tpu.memory_space<vmem>>
      %dma_start3A_513 = arith.constant 0 : i32
      %dma_start3A_514 = arith.constant 0 : i32
      %dma_start3A_515 = tpu.memref_slice %arg2[%dma_start3A_513, %dma_start3A_514] : memref<20480x128xf32, #tpu.memory_space<hbm>> -> memref<20480x128xf32, #tpu.memory_space<hbm>>
      tpu.enqueue_indirect_dma source(%dma_start3A_515 : memref<20480x128xf32, #tpu.memory_space<hbm>>) target(%arg11 : memref<64x128xf32, #tpu.memory_space<vmem>>) offsets(%dma_start3A_512 : memref<64xi32, #tpu.memory_space<vmem>>) semaphore(%arg16 : memref<!tpu.dma_semaphore, #tpu.memory_space<semaphore_mem>>)
      %dma_wait3A_516 = arith.constant 0 : i32
      %dma_wait3A_517 = arith.constant 0 : i32
      %dma_wait3A_518 = tpu.memref_slice %arg8[%dma_wait3A_516, %dma_wait3A_517] : memref<16x64xi32, #tpu.memory_space<vmem>> -> memref<1x64xi32, #tpu.memory_space<vmem>>
      %dma_wait3A_519 = tpu.memref_squeeze %dma_wait3A_518 : memref<1x64xi32, #tpu.memory_space<vmem>> -> memref<64xi32, #tpu.memory_space<vmem>>
      %dma_wait3A_520 = arith.constant 0 : i32
      %dma_wait3A_521 = arith.constant 0 : i32
      %dma_wait3A_522 = tpu.memref_slice %arg15[%dma_wait3A_520, %dma_wait3A_521] : memref<10240x128xf32, #tpu.memory_space<vmem_shared>> -> memref<10240x128xf32, #tpu.memory_space<vmem_shared>>
      tpu.wait_indirect_dma semaphore(%arg21 : memref<!tpu.dma_semaphore, #tpu.memory_space<semaphore_mem>>) src(%arg12 : memref<64x128xf32, #tpu.memory_space<vmem>>) dst(%dma_wait3A_522 : memref<10240x128xf32, #tpu.memory_space<vmem_shared>>)
      %dma_start3A_523 = arith.constant 1 : i32
      %dma_start3A_524 = arith.constant 0 : i32
      %dma_start3A_525 = tpu.memref_slice %arg9[%dma_start3A_523, %dma_start3A_524] : memref<16x64xi32, #tpu.memory_space<vmem>> -> memref<1x64xi32, #tpu.memory_space<vmem>>
      %dma_start3A_526 = tpu.memref_squeeze %dma_start3A_525 : memref<1x64xi32, #tpu.memory_space<vmem>> -> memref<64xi32, #tpu.memory_space<vmem>>
      %dma_start3A_527 = arith.constant 0 : i32
      %dma_start3A_528 = arith.constant 0 : i32
      %dma_start3A_529 = tpu.memref_slice %arg2[%dma_start3A_527, %dma_start3A_528] : memref<20480x128xf32, #tpu.memory_space<hbm>> -> memref<20480x128xf32, #tpu.memory_space<hbm>>
      tpu.enqueue_indirect_dma source(%dma_start3A_529 : memref<20480x128xf32, #tpu.memory_space<hbm>>) target(%arg12 : memref<64x128xf32, #tpu.memory_space<vmem>>) offsets(%dma_start3A_526 : memref<64xi32, #tpu.memory_space<vmem>>) semaphore(%arg17 : memref<!tpu.dma_semaphore, #tpu.memory_space<semaphore_mem>>)
      %dma_wait3A_530 = arith.constant 0 : i32
      %dma_wait3A_531 = arith.constant 0 : i32
      %dma_wait3A_532 = tpu.memref_slice %arg8[%dma_wait3A_530, %dma_wait3A_531] : memref<16x64xi32, #tpu.memory_space<vmem>> -> memref<1x64xi32, #tpu.memory_space<vmem>>
      %dma_wait3A_533 = tpu.memref_squeeze %dma_wait3A_532 : memref<1x64xi32, #tpu.memory_space<vmem>> -> memref<64xi32, #tpu.memory_space<vmem>>
      %dma_wait3A_534 = arith.constant 0 : i32
      %dma_wait3A_535 = arith.constant 0 : i32
      %dma_wait3A_536 = tpu.memref_slice %arg15[%dma_wait3A_534, %dma_wait3A_535] : memref<10240x128xf32, #tpu.memory_space<vmem_shared>> -> memref<10240x128xf32, #tpu.memory_space<vmem_shared>>
      tpu.wait_indirect_dma semaphore(%arg22 : memref<!tpu.dma_semaphore, #tpu.memory_space<semaphore_mem>>) src(%arg13 : memref<64x128xf32, #tpu.memory_space<vmem>>) dst(%dma_wait3A_536 : memref<10240x128xf32, #tpu.memory_space<vmem_shared>>)
      %dma_start3A_537 = arith.constant 2 : i32
      %dma_start3A_538 = arith.constant 0 : i32
      %dma_start3A_539 = tpu.memref_slice %arg9[%dma_start3A_537, %dma_start3A_538] : memref<16x64xi32, #tpu.memory_space<vmem>> -> memref<1x64xi32, #tpu.memory_space<vmem>>
      %dma_start3A_540 = tpu.memref_squeeze %dma_start3A_539 : memref<1x64xi32, #tpu.memory_space<vmem>> -> memref<64xi32, #tpu.memory_space<vmem>>
      %dma_start3A_541 = arith.constant 0 : i32
      %dma_start3A_542 = arith.constant 0 : i32
      %dma_start3A_543 = tpu.memref_slice %arg2[%dma_start3A_541, %dma_start3A_542] : memref<20480x128xf32, #tpu.memory_space<hbm>> -> memref<20480x128xf32, #tpu.memory_space<hbm>>
      tpu.enqueue_indirect_dma source(%dma_start3A_543 : memref<20480x128xf32, #tpu.memory_space<hbm>>) target(%arg13 : memref<64x128xf32, #tpu.memory_space<vmem>>) offsets(%dma_start3A_540 : memref<64xi32, #tpu.memory_space<vmem>>) semaphore(%arg18 : memref<!tpu.dma_semaphore, #tpu.memory_space<semaphore_mem>>)
      %dma_wait3A_544 = arith.constant 0 : i32
      %dma_wait3A_545 = arith.constant 0 : i32
      %dma_wait3A_546 = tpu.memref_slice %arg8[%dma_wait3A_544, %dma_wait3A_545] : memref<16x64xi32, #tpu.memory_space<vmem>> -> memref<1x64xi32, #tpu.memory_space<vmem>>
      %dma_wait3A_547 = tpu.memref_squeeze %dma_wait3A_546 : memref<1x64xi32, #tpu.memory_space<vmem>> -> memref<64xi32, #tpu.memory_space<vmem>>
      %dma_wait3A_548 = arith.constant 0 : i32
      %dma_wait3A_549 = arith.constant 0 : i32
      %dma_wait3A_550 = tpu.memref_slice %arg15[%dma_wait3A_548, %dma_wait3A_549] : memref<10240x128xf32, #tpu.memory_space<vmem_shared>> -> memref<10240x128xf32, #tpu.memory_space<vmem_shared>>
      tpu.wait_indirect_dma semaphore(%arg23 : memref<!tpu.dma_semaphore, #tpu.memory_space<semaphore_mem>>) src(%arg14 : memref<64x128xf32, #tpu.memory_space<vmem>>) dst(%dma_wait3A_550 : memref<10240x128xf32, #tpu.memory_space<vmem_shared>>)
      %dma_start3A_551 = arith.constant 3 : i32
      %dma_start3A_552 = arith.constant 0 : i32
      %dma_start3A_553 = tpu.memref_slice %arg9[%dma_start3A_551, %dma_start3A_552] : memref<16x64xi32, #tpu.memory_space<vmem>> -> memref<1x64xi32, #tpu.memory_space<vmem>>
      %dma_start3A_554 = tpu.memref_squeeze %dma_start3A_553 : memref<1x64xi32, #tpu.memory_space<vmem>> -> memref<64xi32, #tpu.memory_space<vmem>>
      %dma_start3A_555 = arith.constant 0 : i32
      %dma_start3A_556 = arith.constant 0 : i32
      %dma_start3A_557 = tpu.memref_slice %arg2[%dma_start3A_555, %dma_start3A_556] : memref<20480x128xf32, #tpu.memory_space<hbm>> -> memref<20480x128xf32, #tpu.memory_space<hbm>>
      tpu.enqueue_indirect_dma source(%dma_start3A_557 : memref<20480x128xf32, #tpu.memory_space<hbm>>) target(%arg14 : memref<64x128xf32, #tpu.memory_space<vmem>>) offsets(%dma_start3A_554 : memref<64xi32, #tpu.memory_space<vmem>>) semaphore(%arg19 : memref<!tpu.dma_semaphore, #tpu.memory_space<semaphore_mem>>)
      %dma_wait3A_558 = arith.constant 0 : i32
      %dma_wait3A_559 = arith.constant 0 : i32
      %dma_wait3A_560 = tpu.memref_slice %arg7[%dma_wait3A_558, %dma_wait3A_559] : memref<16x64xi32, #tpu.memory_space<vmem>> -> memref<1x64xi32, #tpu.memory_space<vmem>>
      %dma_wait3A_561 = tpu.memref_squeeze %dma_wait3A_560 : memref<1x64xi32, #tpu.memory_space<vmem>> -> memref<64xi32, #tpu.memory_space<vmem>>
      %dma_wait3A_562 = arith.constant 0 : i32
      %dma_wait3A_563 = arith.constant 0 : i32
      %dma_wait3A_564 = tpu.memref_slice %arg2[%dma_wait3A_562, %dma_wait3A_563] : memref<20480x128xf32, #tpu.memory_space<hbm>> -> memref<20480x128xf32, #tpu.memory_space<hbm>>
      tpu.wait_indirect_dma semaphore(%arg16 : memref<!tpu.dma_semaphore, #tpu.memory_space<semaphore_mem>>) src(%dma_wait3A_564 : memref<20480x128xf32, #tpu.memory_space<hbm>>) dst(%arg11 : memref<64x128xf32, #tpu.memory_space<vmem>>)
      %dma_start3A_565 = arith.constant 0 : i32
      %dma_start3A_566 = arith.constant 0 : i32
      %dma_start3A_567 = tpu.memref_slice %arg10[%dma_start3A_565, %dma_start3A_566] : memref<16x64xi32, #tpu.memory_space<vmem>> -> memref<1x64xi32, #tpu.memory_space<vmem>>
      %dma_start3A_568 = tpu.memref_squeeze %dma_start3A_567 : memref<1x64xi32, #tpu.memory_space<vmem>> -> memref<64xi32, #tpu.memory_space<vmem>>
      %dma_start3A_569 = arith.constant 0 : i32
      %dma_start3A_570 = arith.constant 0 : i32
      %dma_start3A_571 = tpu.memref_slice %arg15[%dma_start3A_569, %dma_start3A_570] : memref<10240x128xf32, #tpu.memory_space<vmem_shared>> -> memref<10240x128xf32, #tpu.memory_space<vmem_shared>>
      tpu.enqueue_indirect_dma source(%arg11 : memref<64x128xf32, #tpu.memory_space<vmem>>) target(%dma_start3A_571 : memref<10240x128xf32, #tpu.memory_space<vmem_shared>>) offsets(%dma_start3A_568 : memref<64xi32, #tpu.memory_space<vmem>>) semaphore(%arg20 : memref<!tpu.dma_semaphore, #tpu.memory_space<semaphore_mem>>) {add = true}
      %dma_wait3A_572 = arith.constant 0 : i32
      %dma_wait3A_573 = arith.constant 0 : i32
      %dma_wait3A_574 = tpu.memref_slice %arg7[%dma_wait3A_572, %dma_wait3A_573] : memref<16x64xi32, #tpu.memory_space<vmem>> -> memref<1x64xi32, #tpu.memory_space<vmem>>
      %dma_wait3A_575 = tpu.memref_squeeze %dma_wait3A_574 : memref<1x64xi32, #tpu.memory_space<vmem>> -> memref<64xi32, #tpu.memory_space<vmem>>
      %dma_wait3A_576 = arith.constant 0 : i32
      %dma_wait3A_577 = arith.constant 0 : i32
      %dma_wait3A_578 = tpu.memref_slice %arg2[%dma_wait3A_576, %dma_wait3A_577] : memref<20480x128xf32, #tpu.memory_space<hbm>> -> memref<20480x128xf32, #tpu.memory_space<hbm>>
      tpu.wait_indirect_dma semaphore(%arg17 : memref<!tpu.dma_semaphore, #tpu.memory_space<semaphore_mem>>) src(%dma_wait3A_578 : memref<20480x128xf32, #tpu.memory_space<hbm>>) dst(%arg12 : memref<64x128xf32, #tpu.memory_space<vmem>>)
      %dma_start3A_579 = arith.constant 1 : i32
      %dma_start3A_580 = arith.constant 0 : i32
      %dma_start3A_581 = tpu.memref_slice %arg10[%dma_start3A_579, %dma_start3A_580] : memref<16x64xi32, #tpu.memory_space<vmem>> -> memref<1x64xi32, #tpu.memory_space<vmem>>
      %dma_start3A_582 = tpu.memref_squeeze %dma_start3A_581 : memref<1x64xi32, #tpu.memory_space<vmem>> -> memref<64xi32, #tpu.memory_space<vmem>>
      %dma_start3A_583 = arith.constant 0 : i32
      %dma_start3A_584 = arith.constant 0 : i32
      %dma_start3A_585 = tpu.memref_slice %arg15[%dma_start3A_583, %dma_start3A_584] : memref<10240x128xf32, #tpu.memory_space<vmem_shared>> -> memref<10240x128xf32, #tpu.memory_space<vmem_shared>>
      tpu.enqueue_indirect_dma source(%arg12 : memref<64x128xf32, #tpu.memory_space<vmem>>) target(%dma_start3A_585 : memref<10240x128xf32, #tpu.memory_space<vmem_shared>>) offsets(%dma_start3A_582 : memref<64xi32, #tpu.memory_space<vmem>>) semaphore(%arg21 : memref<!tpu.dma_semaphore, #tpu.memory_space<semaphore_mem>>) {add = true}
      %dma_wait3A_586 = arith.constant 0 : i32
      %dma_wait3A_587 = arith.constant 0 : i32
      %dma_wait3A_588 = tpu.memref_slice %arg7[%dma_wait3A_586, %dma_wait3A_587] : memref<16x64xi32, #tpu.memory_space<vmem>> -> memref<1x64xi32, #tpu.memory_space<vmem>>
      %dma_wait3A_589 = tpu.memref_squeeze %dma_wait3A_588 : memref<1x64xi32, #tpu.memory_space<vmem>> -> memref<64xi32, #tpu.memory_space<vmem>>
      %dma_wait3A_590 = arith.constant 0 : i32
      %dma_wait3A_591 = arith.constant 0 : i32
      %dma_wait3A_592 = tpu.memref_slice %arg2[%dma_wait3A_590, %dma_wait3A_591] : memref<20480x128xf32, #tpu.memory_space<hbm>> -> memref<20480x128xf32, #tpu.memory_space<hbm>>
      tpu.wait_indirect_dma semaphore(%arg18 : memref<!tpu.dma_semaphore, #tpu.memory_space<semaphore_mem>>) src(%dma_wait3A_592 : memref<20480x128xf32, #tpu.memory_space<hbm>>) dst(%arg13 : memref<64x128xf32, #tpu.memory_space<vmem>>)
      %dma_start3A_593 = arith.constant 2 : i32
      %dma_start3A_594 = arith.constant 0 : i32
      %dma_start3A_595 = tpu.memref_slice %arg10[%dma_start3A_593, %dma_start3A_594] : memref<16x64xi32, #tpu.memory_space<vmem>> -> memref<1x64xi32, #tpu.memory_space<vmem>>
      %dma_start3A_596 = tpu.memref_squeeze %dma_start3A_595 : memref<1x64xi32, #tpu.memory_space<vmem>> -> memref<64xi32, #tpu.memory_space<vmem>>
      %dma_start3A_597 = arith.constant 0 : i32
      %dma_start3A_598 = arith.constant 0 : i32
      %dma_start3A_599 = tpu.memref_slice %arg15[%dma_start3A_597, %dma_start3A_598] : memref<10240x128xf32, #tpu.memory_space<vmem_shared>> -> memref<10240x128xf32, #tpu.memory_space<vmem_shared>>
      tpu.enqueue_indirect_dma source(%arg13 : memref<64x128xf32, #tpu.memory_space<vmem>>) target(%dma_start3A_599 : memref<10240x128xf32, #tpu.memory_space<vmem_shared>>) offsets(%dma_start3A_596 : memref<64xi32, #tpu.memory_space<vmem>>) semaphore(%arg22 : memref<!tpu.dma_semaphore, #tpu.memory_space<semaphore_mem>>) {add = true}
      %dma_wait3A_600 = arith.constant 0 : i32
      %dma_wait3A_601 = arith.constant 0 : i32
      %dma_wait3A_602 = tpu.memref_slice %arg7[%dma_wait3A_600, %dma_wait3A_601] : memref<16x64xi32, #tpu.memory_space<vmem>> -> memref<1x64xi32, #tpu.memory_space<vmem>>
      %dma_wait3A_603 = tpu.memref_squeeze %dma_wait3A_602 : memref<1x64xi32, #tpu.memory_space<vmem>> -> memref<64xi32, #tpu.memory_space<vmem>>
      %dma_wait3A_604 = arith.constant 0 : i32
      %dma_wait3A_605 = arith.constant 0 : i32
      %dma_wait3A_606 = tpu.memref_slice %arg2[%dma_wait3A_604, %dma_wait3A_605] : memref<20480x128xf32, #tpu.memory_space<hbm>> -> memref<20480x128xf32, #tpu.memory_space<hbm>>
      tpu.wait_indirect_dma semaphore(%arg19 : memref<!tpu.dma_semaphore, #tpu.memory_space<semaphore_mem>>) src(%dma_wait3A_606 : memref<20480x128xf32, #tpu.memory_space<hbm>>) dst(%arg14 : memref<64x128xf32, #tpu.memory_space<vmem>>)
      %dma_start3A_607 = arith.constant 3 : i32
      %dma_start3A_608 = arith.constant 0 : i32
      %dma_start3A_609 = tpu.memref_slice %arg10[%dma_start3A_607, %dma_start3A_608] : memref<16x64xi32, #tpu.memory_space<vmem>> -> memref<1x64xi32, #tpu.memory_space<vmem>>
      %dma_start3A_610 = tpu.memref_squeeze %dma_start3A_609 : memref<1x64xi32, #tpu.memory_space<vmem>> -> memref<64xi32, #tpu.memory_space<vmem>>
      %dma_start3A_611 = arith.constant 0 : i32
      %dma_start3A_612 = arith.constant 0 : i32
      %dma_start3A_613 = tpu.memref_slice %arg15[%dma_start3A_611, %dma_start3A_612] : memref<10240x128xf32, #tpu.memory_space<vmem_shared>> -> memref<10240x128xf32, #tpu.memory_space<vmem_shared>>
      tpu.enqueue_indirect_dma source(%arg14 : memref<64x128xf32, #tpu.memory_space<vmem>>) target(%dma_start3A_613 : memref<10240x128xf32, #tpu.memory_space<vmem_shared>>) offsets(%dma_start3A_610 : memref<64xi32, #tpu.memory_space<vmem>>) semaphore(%arg23 : memref<!tpu.dma_semaphore, #tpu.memory_space<semaphore_mem>>) {add = true}
      %mul3A_614 = arith.constant 2 : i32
      %mul3A_615 = arith.muli %mul3A_614, %scan3A_93 : i32
      %add3A = arith.constant 2 : i32
      %add3A_616 = arith.addi %mul3A_615, %add3A : i32
      %min3A = arith.constant 18 : i32
      %min3A_617 = arith.minsi %add3A_616, %min3A : i32
      %mul3A_618 = arith.constant 16 : i32
      %mul3A_619 = arith.muli %min3A_617, %mul3A_618 : i32
      %dma_start3A_620 = arith.constant 0 : i32
      %dma_start3A_621 = tpu.memref_slice %arg3[%arg0, %arg1, %mul3A_619, %dma_start3A_620] : memref<2x16x320x64xi32, #tpu.memory_space<hbm>> -> memref<1x1x16x64xi32, #tpu.memory_space<hbm>>
      %dma_start3A_622 = tpu.memref_squeeze %dma_start3A_621 : memref<1x1x16x64xi32, #tpu.memory_space<hbm>> -> memref<16x64xi32, #tpu.memory_space<hbm>>
      %dma_start3A_623 = arith.constant 0 : i32
      %dma_start3A_624 = tpu.memref_slice %arg3[%arg0, %arg1, %mul3A_619, %dma_start3A_623] : memref<2x16x320x64xi32, #tpu.memory_space<hbm>> -> memref<1x1x16x64xi32, #tpu.memory_space<hbm>>
      %dma_start3A_625 = tpu.memref_squeeze %dma_start3A_624 : memref<1x1x16x64xi32, #tpu.memory_space<hbm>> -> memref<16x64xi32, #tpu.memory_space<hbm>>
      tpu.enqueue_dma source(%dma_start3A_625 : memref<16x64xi32, #tpu.memory_space<hbm>>) target(%arg7 : memref<16x64xi32, #tpu.memory_space<vmem>>) target_semaphore(%arg24 : memref<!tpu.dma_semaphore, #tpu.memory_space<semaphore_mem>>)
      %mul3A_626 = arith.constant 16 : i32
      %mul3A_627 = arith.muli %min3A_617, %mul3A_626 : i32
      %dma_start3A_628 = arith.constant 0 : i32
      %dma_start3A_629 = tpu.memref_slice %arg4[%arg1, %mul3A_627, %dma_start3A_628] : memref<16x320x64xi32, #tpu.memory_space<hbm>> -> memref<1x16x64xi32, #tpu.memory_space<hbm>>
      %dma_start3A_630 = tpu.memref_squeeze %dma_start3A_629 : memref<1x16x64xi32, #tpu.memory_space<hbm>> -> memref<16x64xi32, #tpu.memory_space<hbm>>
      %dma_start3A_631 = arith.constant 0 : i32
      %dma_start3A_632 = tpu.memref_slice %arg4[%arg1, %mul3A_627, %dma_start3A_631] : memref<16x320x64xi32, #tpu.memory_space<hbm>> -> memref<1x16x64xi32, #tpu.memory_space<hbm>>
      %dma_start3A_633 = tpu.memref_squeeze %dma_start3A_632 : memref<1x16x64xi32, #tpu.memory_space<hbm>> -> memref<16x64xi32, #tpu.memory_space<hbm>>
      tpu.enqueue_dma source(%dma_start3A_633 : memref<16x64xi32, #tpu.memory_space<hbm>>) target(%arg8 : memref<16x64xi32, #tpu.memory_space<vmem>>) target_semaphore(%arg25 : memref<!tpu.dma_semaphore, #tpu.memory_space<semaphore_mem>>)
      %dma_wait3A_634 = arith.constant 0 : i32
      %dma_wait3A_635 = arith.constant 0 : i32
      %dma_wait3A_636 = tpu.memref_slice %arg8[%dma_wait3A_634, %dma_wait3A_635] : memref<16x64xi32, #tpu.memory_space<vmem>> -> memref<1x64xi32, #tpu.memory_space<vmem>>
      %dma_wait3A_637 = tpu.memref_squeeze %dma_wait3A_636 : memref<1x64xi32, #tpu.memory_space<vmem>> -> memref<64xi32, #tpu.memory_space<vmem>>
      %dma_wait3A_638 = arith.constant 0 : i32
      %dma_wait3A_639 = arith.constant 0 : i32
      %dma_wait3A_640 = tpu.memref_slice %arg15[%dma_wait3A_638, %dma_wait3A_639] : memref<10240x128xf32, #tpu.memory_space<vmem_shared>> -> memref<10240x128xf32, #tpu.memory_space<vmem_shared>>
      tpu.wait_indirect_dma semaphore(%arg20 : memref<!tpu.dma_semaphore, #tpu.memory_space<semaphore_mem>>) src(%arg11 : memref<64x128xf32, #tpu.memory_space<vmem>>) dst(%dma_wait3A_640 : memref<10240x128xf32, #tpu.memory_space<vmem_shared>>)
      %dma_start3A_641 = arith.constant 4 : i32
      %dma_start3A_642 = arith.constant 0 : i32
      %dma_start3A_643 = tpu.memref_slice %arg9[%dma_start3A_641, %dma_start3A_642] : memref<16x64xi32, #tpu.memory_space<vmem>> -> memref<1x64xi32, #tpu.memory_space<vmem>>
      %dma_start3A_644 = tpu.memref_squeeze %dma_start3A_643 : memref<1x64xi32, #tpu.memory_space<vmem>> -> memref<64xi32, #tpu.memory_space<vmem>>
      %dma_start3A_645 = arith.constant 0 : i32
      %dma_start3A_646 = arith.constant 0 : i32
      %dma_start3A_647 = tpu.memref_slice %arg2[%dma_start3A_645, %dma_start3A_646] : memref<20480x128xf32, #tpu.memory_space<hbm>> -> memref<20480x128xf32, #tpu.memory_space<hbm>>
      tpu.enqueue_indirect_dma source(%dma_start3A_647 : memref<20480x128xf32, #tpu.memory_space<hbm>>) target(%arg11 : memref<64x128xf32, #tpu.memory_space<vmem>>) offsets(%dma_start3A_644 : memref<64xi32, #tpu.memory_space<vmem>>) semaphore(%arg16 : memref<!tpu.dma_semaphore, #tpu.memory_space<semaphore_mem>>)
      %dma_wait3A_648 = arith.constant 0 : i32
      %dma_wait3A_649 = arith.constant 0 : i32
      %dma_wait3A_650 = tpu.memref_slice %arg8[%dma_wait3A_648, %dma_wait3A_649] : memref<16x64xi32, #tpu.memory_space<vmem>> -> memref<1x64xi32, #tpu.memory_space<vmem>>
      %dma_wait3A_651 = tpu.memref_squeeze %dma_wait3A_650 : memref<1x64xi32, #tpu.memory_space<vmem>> -> memref<64xi32, #tpu.memory_space<vmem>>
      %dma_wait3A_652 = arith.constant 0 : i32
      %dma_wait3A_653 = arith.constant 0 : i32
      %dma_wait3A_654 = tpu.memref_slice %arg15[%dma_wait3A_652, %dma_wait3A_653] : memref<10240x128xf32, #tpu.memory_space<vmem_shared>> -> memref<10240x128xf32, #tpu.memory_space<vmem_shared>>
      tpu.wait_indirect_dma semaphore(%arg21 : memref<!tpu.dma_semaphore, #tpu.memory_space<semaphore_mem>>) src(%arg12 : memref<64x128xf32, #tpu.memory_space<vmem>>) dst(%dma_wait3A_654 : memref<10240x128xf32, #tpu.memory_space<vmem_shared>>)
      %dma_start3A_655 = arith.constant 5 : i32
      %dma_start3A_656 = arith.constant 0 : i32
      %dma_start3A_657 = tpu.memref_slice %arg9[%dma_start3A_655, %dma_start3A_656] : memref<16x64xi32, #tpu.memory_space<vmem>> -> memref<1x64xi32, #tpu.memory_space<vmem>>
      %dma_start3A_658 = tpu.memref_squeeze %dma_start3A_657 : memref<1x64xi32, #tpu.memory_space<vmem>> -> memref<64xi32, #tpu.memory_space<vmem>>
      %dma_start3A_659 = arith.constant 0 : i32
      %dma_start3A_660 = arith.constant 0 : i32
      %dma_start3A_661 = tpu.memref_slice %arg2[%dma_start3A_659, %dma_start3A_660] : memref<20480x128xf32, #tpu.memory_space<hbm>> -> memref<20480x128xf32, #tpu.memory_space<hbm>>
      tpu.enqueue_indirect_dma source(%dma_start3A_661 : memref<20480x128xf32, #tpu.memory_space<hbm>>) target(%arg12 : memref<64x128xf32, #tpu.memory_space<vmem>>) offsets(%dma_start3A_658 : memref<64xi32, #tpu.memory_space<vmem>>) semaphore(%arg17 : memref<!tpu.dma_semaphore, #tpu.memory_space<semaphore_mem>>)
      %dma_wait3A_662 = arith.constant 0 : i32
      %dma_wait3A_663 = arith.constant 0 : i32
      %dma_wait3A_664 = tpu.memref_slice %arg8[%dma_wait3A_662, %dma_wait3A_663] : memref<16x64xi32, #tpu.memory_space<vmem>> -> memref<1x64xi32, #tpu.memory_space<vmem>>
      %dma_wait3A_665 = tpu.memref_squeeze %dma_wait3A_664 : memref<1x64xi32, #tpu.memory_space<vmem>> -> memref<64xi32, #tpu.memory_space<vmem>>
      %dma_wait3A_666 = arith.constant 0 : i32
      %dma_wait3A_667 = arith.constant 0 : i32
      %dma_wait3A_668 = tpu.memref_slice %arg15[%dma_wait3A_666, %dma_wait3A_667] : memref<10240x128xf32, #tpu.memory_space<vmem_shared>> -> memref<10240x128xf32, #tpu.memory_space<vmem_shared>>
      tpu.wait_indirect_dma semaphore(%arg22 : memref<!tpu.dma_semaphore, #tpu.memory_space<semaphore_mem>>) src(%arg13 : memref<64x128xf32, #tpu.memory_space<vmem>>) dst(%dma_wait3A_668 : memref<10240x128xf32, #tpu.memory_space<vmem_shared>>)
      %dma_start3A_669 = arith.constant 6 : i32
      %dma_start3A_670 = arith.constant 0 : i32
      %dma_start3A_671 = tpu.memref_slice %arg9[%dma_start3A_669, %dma_start3A_670] : memref<16x64xi32, #tpu.memory_space<vmem>> -> memref<1x64xi32, #tpu.memory_space<vmem>>
      %dma_start3A_672 = tpu.memref_squeeze %dma_start3A_671 : memref<1x64xi32, #tpu.memory_space<vmem>> -> memref<64xi32, #tpu.memory_space<vmem>>
      %dma_start3A_673 = arith.constant 0 : i32
      %dma_start3A_674 = arith.constant 0 : i32
      %dma_start3A_675 = tpu.memref_slice %arg2[%dma_start3A_673, %dma_start3A_674] : memref<20480x128xf32, #tpu.memory_space<hbm>> -> memref<20480x128xf32, #tpu.memory_space<hbm>>
      tpu.enqueue_indirect_dma source(%dma_start3A_675 : memref<20480x128xf32, #tpu.memory_space<hbm>>) target(%arg13 : memref<64x128xf32, #tpu.memory_space<vmem>>) offsets(%dma_start3A_672 : memref<64xi32, #tpu.memory_space<vmem>>) semaphore(%arg18 : memref<!tpu.dma_semaphore, #tpu.memory_space<semaphore_mem>>)
      %dma_wait3A_676 = arith.constant 0 : i32
      %dma_wait3A_677 = arith.constant 0 : i32
      %dma_wait3A_678 = tpu.memref_slice %arg8[%dma_wait3A_676, %dma_wait3A_677] : memref<16x64xi32, #tpu.memory_space<vmem>> -> memref<1x64xi32, #tpu.memory_space<vmem>>
      %dma_wait3A_679 = tpu.memref_squeeze %dma_wait3A_678 : memref<1x64xi32, #tpu.memory_space<vmem>> -> memref<64xi32, #tpu.memory_space<vmem>>
      %dma_wait3A_680 = arith.constant 0 : i32
      %dma_wait3A_681 = arith.constant 0 : i32
      %dma_wait3A_682 = tpu.memref_slice %arg15[%dma_wait3A_680, %dma_wait3A_681] : memref<10240x128xf32, #tpu.memory_space<vmem_shared>> -> memref<10240x128xf32, #tpu.memory_space<vmem_shared>>
      tpu.wait_indirect_dma semaphore(%arg23 : memref<!tpu.dma_semaphore, #tpu.memory_space<semaphore_mem>>) src(%arg14 : memref<64x128xf32, #tpu.memory_space<vmem>>) dst(%dma_wait3A_682 : memref<10240x128xf32, #tpu.memory_space<vmem_shared>>)
      %dma_start3A_683 = arith.constant 7 : i32
      %dma_start3A_684 = arith.constant 0 : i32
      %dma_start3A_685 = tpu.memref_slice %arg9[%dma_start3A_683, %dma_start3A_684] : memref<16x64xi32, #tpu.memory_space<vmem>> -> memref<1x64xi32, #tpu.memory_space<vmem>>
      %dma_start3A_686 = tpu.memref_squeeze %dma_start3A_685 : memref<1x64xi32, #tpu.memory_space<vmem>> -> memref<64xi32, #tpu.memory_space<vmem>>
      %dma_start3A_687 = arith.constant 0 : i32
      %dma_start3A_688 = arith.constant 0 : i32
      %dma_start3A_689 = tpu.memref_slice %arg2[%dma_start3A_687, %dma_start3A_688] : memref<20480x128xf32, #tpu.memory_space<hbm>> -> memref<20480x128xf32, #tpu.memory_space<hbm>>
      tpu.enqueue_indirect_dma source(%dma_start3A_689 : memref<20480x128xf32, #tpu.memory_space<hbm>>) target(%arg14 : memref<64x128xf32, #tpu.memory_space<vmem>>) offsets(%dma_start3A_686 : memref<64xi32, #tpu.memory_space<vmem>>) semaphore(%arg19 : memref<!tpu.dma_semaphore, #tpu.memory_space<semaphore_mem>>)
      %dma_wait3A_690 = arith.constant 0 : i32
      %dma_wait3A_691 = arith.constant 0 : i32
      %dma_wait3A_692 = tpu.memref_slice %arg7[%dma_wait3A_690, %dma_wait3A_691] : memref<16x64xi32, #tpu.memory_space<vmem>> -> memref<1x64xi32, #tpu.memory_space<vmem>>
      %dma_wait3A_693 = tpu.memref_squeeze %dma_wait3A_692 : memref<1x64xi32, #tpu.memory_space<vmem>> -> memref<64xi32, #tpu.memory_space<vmem>>
      %dma_wait3A_694 = arith.constant 0 : i32
      %dma_wait3A_695 = arith.constant 0 : i32
      %dma_wait3A_696 = tpu.memref_slice %arg2[%dma_wait3A_694, %dma_wait3A_695] : memref<20480x128xf32, #tpu.memory_space<hbm>> -> memref<20480x128xf32, #tpu.memory_space<hbm>>
      tpu.wait_indirect_dma semaphore(%arg16 : memref<!tpu.dma_semaphore, #tpu.memory_space<semaphore_mem>>) src(%dma_wait3A_696 : memref<20480x128xf32, #tpu.memory_space<hbm>>) dst(%arg11 : memref<64x128xf32, #tpu.memory_space<vmem>>)
      %dma_start3A_697 = arith.constant 4 : i32
      %dma_start3A_698 = arith.constant 0 : i32
      %dma_start3A_699 = tpu.memref_slice %arg10[%dma_start3A_697, %dma_start3A_698] : memref<16x64xi32, #tpu.memory_space<vmem>> -> memref<1x64xi32, #tpu.memory_space<vmem>>
      %dma_start3A_700 = tpu.memref_squeeze %dma_start3A_699 : memref<1x64xi32, #tpu.memory_space<vmem>> -> memref<64xi32, #tpu.memory_space<vmem>>
      %dma_start3A_701 = arith.constant 0 : i32
      %dma_start3A_702 = arith.constant 0 : i32
      %dma_start3A_703 = tpu.memref_slice %arg15[%dma_start3A_701, %dma_start3A_702] : memref<10240x128xf32, #tpu.memory_space<vmem_shared>> -> memref<10240x128xf32, #tpu.memory_space<vmem_shared>>
      tpu.enqueue_indirect_dma source(%arg11 : memref<64x128xf32, #tpu.memory_space<vmem>>) target(%dma_start3A_703 : memref<10240x128xf32, #tpu.memory_space<vmem_shared>>) offsets(%dma_start3A_700 : memref<64xi32, #tpu.memory_space<vmem>>) semaphore(%arg20 : memref<!tpu.dma_semaphore, #tpu.memory_space<semaphore_mem>>) {add = true}
      %dma_wait3A_704 = arith.constant 0 : i32
      %dma_wait3A_705 = arith.constant 0 : i32
      %dma_wait3A_706 = tpu.memref_slice %arg7[%dma_wait3A_704, %dma_wait3A_705] : memref<16x64xi32, #tpu.memory_space<vmem>> -> memref<1x64xi32, #tpu.memory_space<vmem>>
      %dma_wait3A_707 = tpu.memref_squeeze %dma_wait3A_706 : memref<1x64xi32, #tpu.memory_space<vmem>> -> memref<64xi32, #tpu.memory_space<vmem>>
      %dma_wait3A_708 = arith.constant 0 : i32
      %dma_wait3A_709 = arith.constant 0 : i32
      %dma_wait3A_710 = tpu.memref_slice %arg2[%dma_wait3A_708, %dma_wait3A_709] : memref<20480x128xf32, #tpu.memory_space<hbm>> -> memref<20480x128xf32, #tpu.memory_space<hbm>>
      tpu.wait_indirect_dma semaphore(%arg17 : memref<!tpu.dma_semaphore, #tpu.memory_space<semaphore_mem>>) src(%dma_wait3A_710 : memref<20480x128xf32, #tpu.memory_space<hbm>>) dst(%arg12 : memref<64x128xf32, #tpu.memory_space<vmem>>)
      %dma_start3A_711 = arith.constant 5 : i32
      %dma_start3A_712 = arith.constant 0 : i32
      %dma_start3A_713 = tpu.memref_slice %arg10[%dma_start3A_711, %dma_start3A_712] : memref<16x64xi32, #tpu.memory_space<vmem>> -> memref<1x64xi32, #tpu.memory_space<vmem>>
      %dma_start3A_714 = tpu.memref_squeeze %dma_start3A_713 : memref<1x64xi32, #tpu.memory_space<vmem>> -> memref<64xi32, #tpu.memory_space<vmem>>
      %dma_start3A_715 = arith.constant 0 : i32
      %dma_start3A_716 = arith.constant 0 : i32
      %dma_start3A_717 = tpu.memref_slice %arg15[%dma_start3A_715, %dma_start3A_716] : memref<10240x128xf32, #tpu.memory_space<vmem_shared>> -> memref<10240x128xf32, #tpu.memory_space<vmem_shared>>
      tpu.enqueue_indirect_dma source(%arg12 : memref<64x128xf32, #tpu.memory_space<vmem>>) target(%dma_start3A_717 : memref<10240x128xf32, #tpu.memory_space<vmem_shared>>) offsets(%dma_start3A_714 : memref<64xi32, #tpu.memory_space<vmem>>) semaphore(%arg21 : memref<!tpu.dma_semaphore, #tpu.memory_space<semaphore_mem>>) {add = true}
      %dma_wait3A_718 = arith.constant 0 : i32
      %dma_wait3A_719 = arith.constant 0 : i32
      %dma_wait3A_720 = tpu.memref_slice %arg7[%dma_wait3A_718, %dma_wait3A_719] : memref<16x64xi32, #tpu.memory_space<vmem>> -> memref<1x64xi32, #tpu.memory_space<vmem>>
      %dma_wait3A_721 = tpu.memref_squeeze %dma_wait3A_720 : memref<1x64xi32, #tpu.memory_space<vmem>> -> memref<64xi32, #tpu.memory_space<vmem>>
      %dma_wait3A_722 = arith.constant 0 : i32
      %dma_wait3A_723 = arith.constant 0 : i32
      %dma_wait3A_724 = tpu.memref_slice %arg2[%dma_wait3A_722, %dma_wait3A_723] : memref<20480x128xf32, #tpu.memory_space<hbm>> -> memref<20480x128xf32, #tpu.memory_space<hbm>>
      tpu.wait_indirect_dma semaphore(%arg18 : memref<!tpu.dma_semaphore, #tpu.memory_space<semaphore_mem>>) src(%dma_wait3A_724 : memref<20480x128xf32, #tpu.memory_space<hbm>>) dst(%arg13 : memref<64x128xf32, #tpu.memory_space<vmem>>)
      %dma_start3A_725 = arith.constant 6 : i32
      %dma_start3A_726 = arith.constant 0 : i32
      %dma_start3A_727 = tpu.memref_slice %arg10[%dma_start3A_725, %dma_start3A_726] : memref<16x64xi32, #tpu.memory_space<vmem>> -> memref<1x64xi32, #tpu.memory_space<vmem>>
      %dma_start3A_728 = tpu.memref_squeeze %dma_start3A_727 : memref<1x64xi32, #tpu.memory_space<vmem>> -> memref<64xi32, #tpu.memory_space<vmem>>
      %dma_start3A_729 = arith.constant 0 : i32
      %dma_start3A_730 = arith.constant 0 : i32
      %dma_start3A_731 = tpu.memref_slice %arg15[%dma_start3A_729, %dma_start3A_730] : memref<10240x128xf32, #tpu.memory_space<vmem_shared>> -> memref<10240x128xf32, #tpu.memory_space<vmem_shared>>
      tpu.enqueue_indirect_dma source(%arg13 : memref<64x128xf32, #tpu.memory_space<vmem>>) target(%dma_start3A_731 : memref<10240x128xf32, #tpu.memory_space<vmem_shared>>) offsets(%dma_start3A_728 : memref<64xi32, #tpu.memory_space<vmem>>) semaphore(%arg22 : memref<!tpu.dma_semaphore, #tpu.memory_space<semaphore_mem>>) {add = true}
      %dma_wait3A_732 = arith.constant 0 : i32
      %dma_wait3A_733 = arith.constant 0 : i32
      %dma_wait3A_734 = tpu.memref_slice %arg7[%dma_wait3A_732, %dma_wait3A_733] : memref<16x64xi32, #tpu.memory_space<vmem>> -> memref<1x64xi32, #tpu.memory_space<vmem>>
      %dma_wait3A_735 = tpu.memref_squeeze %dma_wait3A_734 : memref<1x64xi32, #tpu.memory_space<vmem>> -> memref<64xi32, #tpu.memory_space<vmem>>
      %dma_wait3A_736 = arith.constant 0 : i32
      %dma_wait3A_737 = arith.constant 0 : i32
      %dma_wait3A_738 = tpu.memref_slice %arg2[%dma_wait3A_736, %dma_wait3A_737] : memref<20480x128xf32, #tpu.memory_space<hbm>> -> memref<20480x128xf32, #tpu.memory_space<hbm>>
      tpu.wait_indirect_dma semaphore(%arg19 : memref<!tpu.dma_semaphore, #tpu.memory_space<semaphore_mem>>) src(%dma_wait3A_738 : memref<20480x128xf32, #tpu.memory_space<hbm>>) dst(%arg14 : memref<64x128xf32, #tpu.memory_space<vmem>>)
      %dma_start3A_739 = arith.constant 7 : i32
      %dma_start3A_740 = arith.constant 0 : i32
      %dma_start3A_741 = tpu.memref_slice %arg10[%dma_start3A_739, %dma_start3A_740] : memref<16x64xi32, #tpu.memory_space<vmem>> -> memref<1x64xi32, #tpu.memory_space<vmem>>
      %dma_start3A_742 = tpu.memref_squeeze %dma_start3A_741 : memref<1x64xi32, #tpu.memory_space<vmem>> -> memref<64xi32, #tpu.memory_space<vmem>>
      %dma_start3A_743 = arith.constant 0 : i32
      %dma_start3A_744 = arith.constant 0 : i32
      %dma_start3A_745 = tpu.memref_slice %arg15[%dma_start3A_743, %dma_start3A_744] : memref<10240x128xf32, #tpu.memory_space<vmem_shared>> -> memref<10240x128xf32, #tpu.memory_space<vmem_shared>>
      tpu.enqueue_indirect_dma source(%arg14 : memref<64x128xf32, #tpu.memory_space<vmem>>) target(%dma_start3A_745 : memref<10240x128xf32, #tpu.memory_space<vmem_shared>>) offsets(%dma_start3A_742 : memref<64xi32, #tpu.memory_space<vmem>>) semaphore(%arg23 : memref<!tpu.dma_semaphore, #tpu.memory_space<semaphore_mem>>) {add = true}
      %dma_wait3A_746 = arith.constant 0 : i32
      %dma_wait3A_747 = arith.constant 0 : i32
      %dma_wait3A_748 = tpu.memref_slice %arg8[%dma_wait3A_746, %dma_wait3A_747] : memref<16x64xi32, #tpu.memory_space<vmem>> -> memref<1x64xi32, #tpu.memory_space<vmem>>
      %dma_wait3A_749 = tpu.memref_squeeze %dma_wait3A_748 : memref<1x64xi32, #tpu.memory_space<vmem>> -> memref<64xi32, #tpu.memory_space<vmem>>
      %dma_wait3A_750 = arith.constant 0 : i32
      %dma_wait3A_751 = arith.constant 0 : i32
      %dma_wait3A_752 = tpu.memref_slice %arg15[%dma_wait3A_750, %dma_wait3A_751] : memref<10240x128xf32, #tpu.memory_space<vmem_shared>> -> memref<10240x128xf32, #tpu.memory_space<vmem_shared>>
      tpu.wait_indirect_dma semaphore(%arg20 : memref<!tpu.dma_semaphore, #tpu.memory_space<semaphore_mem>>) src(%arg11 : memref<64x128xf32, #tpu.memory_space<vmem>>) dst(%dma_wait3A_752 : memref<10240x128xf32, #tpu.memory_space<vmem_shared>>)
      %dma_start3A_753 = arith.constant 8 : i32
      %dma_start3A_754 = arith.constant 0 : i32
      %dma_start3A_755 = tpu.memref_slice %arg9[%dma_start3A_753, %dma_start3A_754] : memref<16x64xi32, #tpu.memory_space<vmem>> -> memref<1x64xi32, #tpu.memory_space<vmem>>
      %dma_start3A_756 = tpu.memref_squeeze %dma_start3A_755 : memref<1x64xi32, #tpu.memory_space<vmem>> -> memref<64xi32, #tpu.memory_space<vmem>>
      %dma_start3A_757 = arith.constant 0 : i32
      %dma_start3A_758 = arith.constant 0 : i32
      %dma_start3A_759 = tpu.memref_slice %arg2[%dma_start3A_757, %dma_start3A_758] : memref<20480x128xf32, #tpu.memory_space<hbm>> -> memref<20480x128xf32, #tpu.memory_space<hbm>>
      tpu.enqueue_indirect_dma source(%dma_start3A_759 : memref<20480x128xf32, #tpu.memory_space<hbm>>) target(%arg11 : memref<64x128xf32, #tpu.memory_space<vmem>>) offsets(%dma_start3A_756 : memref<64xi32, #tpu.memory_space<vmem>>) semaphore(%arg16 : memref<!tpu.dma_semaphore, #tpu.memory_space<semaphore_mem>>)
      %dma_wait3A_760 = arith.constant 0 : i32
      %dma_wait3A_761 = arith.constant 0 : i32
      %dma_wait3A_762 = tpu.memref_slice %arg8[%dma_wait3A_760, %dma_wait3A_761] : memref<16x64xi32, #tpu.memory_space<vmem>> -> memref<1x64xi32, #tpu.memory_space<vmem>>
      %dma_wait3A_763 = tpu.memref_squeeze %dma_wait3A_762 : memref<1x64xi32, #tpu.memory_space<vmem>> -> memref<64xi32, #tpu.memory_space<vmem>>
      %dma_wait3A_764 = arith.constant 0 : i32
      %dma_wait3A_765 = arith.constant 0 : i32
      %dma_wait3A_766 = tpu.memref_slice %arg15[%dma_wait3A_764, %dma_wait3A_765] : memref<10240x128xf32, #tpu.memory_space<vmem_shared>> -> memref<10240x128xf32, #tpu.memory_space<vmem_shared>>
      tpu.wait_indirect_dma semaphore(%arg21 : memref<!tpu.dma_semaphore, #tpu.memory_space<semaphore_mem>>) src(%arg12 : memref<64x128xf32, #tpu.memory_space<vmem>>) dst(%dma_wait3A_766 : memref<10240x128xf32, #tpu.memory_space<vmem_shared>>)
      %dma_start3A_767 = arith.constant 9 : i32
      %dma_start3A_768 = arith.constant 0 : i32
      %dma_start3A_769 = tpu.memref_slice %arg9[%dma_start3A_767, %dma_start3A_768] : memref<16x64xi32, #tpu.memory_space<vmem>> -> memref<1x64xi32, #tpu.memory_space<vmem>>
      %dma_start3A_770 = tpu.memref_squeeze %dma_start3A_769 : memref<1x64xi32, #tpu.memory_space<vmem>> -> memref<64xi32, #tpu.memory_space<vmem>>
      %dma_start3A_771 = arith.constant 0 : i32
      %dma_start3A_772 = arith.constant 0 : i32
      %dma_start3A_773 = tpu.memref_slice %arg2[%dma_start3A_771, %dma_start3A_772] : memref<20480x128xf32, #tpu.memory_space<hbm>> -> memref<20480x128xf32, #tpu.memory_space<hbm>>
      tpu.enqueue_indirect_dma source(%dma_start3A_773 : memref<20480x128xf32, #tpu.memory_space<hbm>>) target(%arg12 : memref<64x128xf32, #tpu.memory_space<vmem>>) offsets(%dma_start3A_770 : memref<64xi32, #tpu.memory_space<vmem>>) semaphore(%arg17 : memref<!tpu.dma_semaphore, #tpu.memory_space<semaphore_mem>>)
      %dma_wait3A_774 = arith.constant 0 : i32
      %dma_wait3A_775 = arith.constant 0 : i32
      %dma_wait3A_776 = tpu.memref_slice %arg8[%dma_wait3A_774, %dma_wait3A_775] : memref<16x64xi32, #tpu.memory_space<vmem>> -> memref<1x64xi32, #tpu.memory_space<vmem>>
      %dma_wait3A_777 = tpu.memref_squeeze %dma_wait3A_776 : memref<1x64xi32, #tpu.memory_space<vmem>> -> memref<64xi32, #tpu.memory_space<vmem>>
      %dma_wait3A_778 = arith.constant 0 : i32
      %dma_wait3A_779 = arith.constant 0 : i32
      %dma_wait3A_780 = tpu.memref_slice %arg15[%dma_wait3A_778, %dma_wait3A_779] : memref<10240x128xf32, #tpu.memory_space<vmem_shared>> -> memref<10240x128xf32, #tpu.memory_space<vmem_shared>>
      tpu.wait_indirect_dma semaphore(%arg22 : memref<!tpu.dma_semaphore, #tpu.memory_space<semaphore_mem>>) src(%arg13 : memref<64x128xf32, #tpu.memory_space<vmem>>) dst(%dma_wait3A_780 : memref<10240x128xf32, #tpu.memory_space<vmem_shared>>)
      %dma_start3A_781 = arith.constant 10 : i32
      %dma_start3A_782 = arith.constant 0 : i32
      %dma_start3A_783 = tpu.memref_slice %arg9[%dma_start3A_781, %dma_start3A_782] : memref<16x64xi32, #tpu.memory_space<vmem>> -> memref<1x64xi32, #tpu.memory_space<vmem>>
      %dma_start3A_784 = tpu.memref_squeeze %dma_start3A_783 : memref<1x64xi32, #tpu.memory_space<vmem>> -> memref<64xi32, #tpu.memory_space<vmem>>
      %dma_start3A_785 = arith.constant 0 : i32
      %dma_start3A_786 = arith.constant 0 : i32
      %dma_start3A_787 = tpu.memref_slice %arg2[%dma_start3A_785, %dma_start3A_786] : memref<20480x128xf32, #tpu.memory_space<hbm>> -> memref<20480x128xf32, #tpu.memory_space<hbm>>
      tpu.enqueue_indirect_dma source(%dma_start3A_787 : memref<20480x128xf32, #tpu.memory_space<hbm>>) target(%arg13 : memref<64x128xf32, #tpu.memory_space<vmem>>) offsets(%dma_start3A_784 : memref<64xi32, #tpu.memory_space<vmem>>) semaphore(%arg18 : memref<!tpu.dma_semaphore, #tpu.memory_space<semaphore_mem>>)
      %dma_wait3A_788 = arith.constant 0 : i32
      %dma_wait3A_789 = arith.constant 0 : i32
      %dma_wait3A_790 = tpu.memref_slice %arg8[%dma_wait3A_788, %dma_wait3A_789] : memref<16x64xi32, #tpu.memory_space<vmem>> -> memref<1x64xi32, #tpu.memory_space<vmem>>
      %dma_wait3A_791 = tpu.memref_squeeze %dma_wait3A_790 : memref<1x64xi32, #tpu.memory_space<vmem>> -> memref<64xi32, #tpu.memory_space<vmem>>
      %dma_wait3A_792 = arith.constant 0 : i32
      %dma_wait3A_793 = arith.constant 0 : i32
      %dma_wait3A_794 = tpu.memref_slice %arg15[%dma_wait3A_792, %dma_wait3A_793] : memref<10240x128xf32, #tpu.memory_space<vmem_shared>> -> memref<10240x128xf32, #tpu.memory_space<vmem_shared>>
      tpu.wait_indirect_dma semaphore(%arg23 : memref<!tpu.dma_semaphore, #tpu.memory_space<semaphore_mem>>) src(%arg14 : memref<64x128xf32, #tpu.memory_space<vmem>>) dst(%dma_wait3A_794 : memref<10240x128xf32, #tpu.memory_space<vmem_shared>>)
      %dma_start3A_795 = arith.constant 11 : i32
      %dma_start3A_796 = arith.constant 0 : i32
      %dma_start3A_797 = tpu.memref_slice %arg9[%dma_start3A_795, %dma_start3A_796] : memref<16x64xi32, #tpu.memory_space<vmem>> -> memref<1x64xi32, #tpu.memory_space<vmem>>
      %dma_start3A_798 = tpu.memref_squeeze %dma_start3A_797 : memref<1x64xi32, #tpu.memory_space<vmem>> -> memref<64xi32, #tpu.memory_space<vmem>>
      %dma_start3A_799 = arith.constant 0 : i32
      %dma_start3A_800 = arith.constant 0 : i32
      %dma_start3A_801 = tpu.memref_slice %arg2[%dma_start3A_799, %dma_start3A_800] : memref<20480x128xf32, #tpu.memory_space<hbm>> -> memref<20480x128xf32, #tpu.memory_space<hbm>>
      tpu.enqueue_indirect_dma source(%dma_start3A_801 : memref<20480x128xf32, #tpu.memory_space<hbm>>) target(%arg14 : memref<64x128xf32, #tpu.memory_space<vmem>>) offsets(%dma_start3A_798 : memref<64xi32, #tpu.memory_space<vmem>>) semaphore(%arg19 : memref<!tpu.dma_semaphore, #tpu.memory_space<semaphore_mem>>)
      %dma_wait3A_802 = arith.constant 0 : i32
      %dma_wait3A_803 = arith.constant 0 : i32
      %dma_wait3A_804 = tpu.memref_slice %arg7[%dma_wait3A_802, %dma_wait3A_803] : memref<16x64xi32, #tpu.memory_space<vmem>> -> memref<1x64xi32, #tpu.memory_space<vmem>>
      %dma_wait3A_805 = tpu.memref_squeeze %dma_wait3A_804 : memref<1x64xi32, #tpu.memory_space<vmem>> -> memref<64xi32, #tpu.memory_space<vmem>>
      %dma_wait3A_806 = arith.constant 0 : i32
      %dma_wait3A_807 = arith.constant 0 : i32
      %dma_wait3A_808 = tpu.memref_slice %arg2[%dma_wait3A_806, %dma_wait3A_807] : memref<20480x128xf32, #tpu.memory_space<hbm>> -> memref<20480x128xf32, #tpu.memory_space<hbm>>
      tpu.wait_indirect_dma semaphore(%arg16 : memref<!tpu.dma_semaphore, #tpu.memory_space<semaphore_mem>>) src(%dma_wait3A_808 : memref<20480x128xf32, #tpu.memory_space<hbm>>) dst(%arg11 : memref<64x128xf32, #tpu.memory_space<vmem>>)
      %dma_start3A_809 = arith.constant 8 : i32
      %dma_start3A_810 = arith.constant 0 : i32
      %dma_start3A_811 = tpu.memref_slice %arg10[%dma_start3A_809, %dma_start3A_810] : memref<16x64xi32, #tpu.memory_space<vmem>> -> memref<1x64xi32, #tpu.memory_space<vmem>>
      %dma_start3A_812 = tpu.memref_squeeze %dma_start3A_811 : memref<1x64xi32, #tpu.memory_space<vmem>> -> memref<64xi32, #tpu.memory_space<vmem>>
      %dma_start3A_813 = arith.constant 0 : i32
      %dma_start3A_814 = arith.constant 0 : i32
      %dma_start3A_815 = tpu.memref_slice %arg15[%dma_start3A_813, %dma_start3A_814] : memref<10240x128xf32, #tpu.memory_space<vmem_shared>> -> memref<10240x128xf32, #tpu.memory_space<vmem_shared>>
      tpu.enqueue_indirect_dma source(%arg11 : memref<64x128xf32, #tpu.memory_space<vmem>>) target(%dma_start3A_815 : memref<10240x128xf32, #tpu.memory_space<vmem_shared>>) offsets(%dma_start3A_812 : memref<64xi32, #tpu.memory_space<vmem>>) semaphore(%arg20 : memref<!tpu.dma_semaphore, #tpu.memory_space<semaphore_mem>>) {add = true}
      %dma_wait3A_816 = arith.constant 0 : i32
      %dma_wait3A_817 = arith.constant 0 : i32
      %dma_wait3A_818 = tpu.memref_slice %arg7[%dma_wait3A_816, %dma_wait3A_817] : memref<16x64xi32, #tpu.memory_space<vmem>> -> memref<1x64xi32, #tpu.memory_space<vmem>>
      %dma_wait3A_819 = tpu.memref_squeeze %dma_wait3A_818 : memref<1x64xi32, #tpu.memory_space<vmem>> -> memref<64xi32, #tpu.memory_space<vmem>>
      %dma_wait3A_820 = arith.constant 0 : i32
      %dma_wait3A_821 = arith.constant 0 : i32
      %dma_wait3A_822 = tpu.memref_slice %arg2[%dma_wait3A_820, %dma_wait3A_821] : memref<20480x128xf32, #tpu.memory_space<hbm>> -> memref<20480x128xf32, #tpu.memory_space<hbm>>
      tpu.wait_indirect_dma semaphore(%arg17 : memref<!tpu.dma_semaphore, #tpu.memory_space<semaphore_mem>>) src(%dma_wait3A_822 : memref<20480x128xf32, #tpu.memory_space<hbm>>) dst(%arg12 : memref<64x128xf32, #tpu.memory_space<vmem>>)
      %dma_start3A_823 = arith.constant 9 : i32
      %dma_start3A_824 = arith.constant 0 : i32
      %dma_start3A_825 = tpu.memref_slice %arg10[%dma_start3A_823, %dma_start3A_824] : memref<16x64xi32, #tpu.memory_space<vmem>> -> memref<1x64xi32, #tpu.memory_space<vmem>>
      %dma_start3A_826 = tpu.memref_squeeze %dma_start3A_825 : memref<1x64xi32, #tpu.memory_space<vmem>> -> memref<64xi32, #tpu.memory_space<vmem>>
      %dma_start3A_827 = arith.constant 0 : i32
      %dma_start3A_828 = arith.constant 0 : i32
      %dma_start3A_829 = tpu.memref_slice %arg15[%dma_start3A_827, %dma_start3A_828] : memref<10240x128xf32, #tpu.memory_space<vmem_shared>> -> memref<10240x128xf32, #tpu.memory_space<vmem_shared>>
      tpu.enqueue_indirect_dma source(%arg12 : memref<64x128xf32, #tpu.memory_space<vmem>>) target(%dma_start3A_829 : memref<10240x128xf32, #tpu.memory_space<vmem_shared>>) offsets(%dma_start3A_826 : memref<64xi32, #tpu.memory_space<vmem>>) semaphore(%arg21 : memref<!tpu.dma_semaphore, #tpu.memory_space<semaphore_mem>>) {add = true}
      %dma_wait3A_830 = arith.constant 0 : i32
      %dma_wait3A_831 = arith.constant 0 : i32
      %dma_wait3A_832 = tpu.memref_slice %arg7[%dma_wait3A_830, %dma_wait3A_831] : memref<16x64xi32, #tpu.memory_space<vmem>> -> memref<1x64xi32, #tpu.memory_space<vmem>>
      %dma_wait3A_833 = tpu.memref_squeeze %dma_wait3A_832 : memref<1x64xi32, #tpu.memory_space<vmem>> -> memref<64xi32, #tpu.memory_space<vmem>>
      %dma_wait3A_834 = arith.constant 0 : i32
      %dma_wait3A_835 = arith.constant 0 : i32
      %dma_wait3A_836 = tpu.memref_slice %arg2[%dma_wait3A_834, %dma_wait3A_835] : memref<20480x128xf32, #tpu.memory_space<hbm>> -> memref<20480x128xf32, #tpu.memory_space<hbm>>
      tpu.wait_indirect_dma semaphore(%arg18 : memref<!tpu.dma_semaphore, #tpu.memory_space<semaphore_mem>>) src(%dma_wait3A_836 : memref<20480x128xf32, #tpu.memory_space<hbm>>) dst(%arg13 : memref<64x128xf32, #tpu.memory_space<vmem>>)
      %dma_start3A_837 = arith.constant 10 : i32
      %dma_start3A_838 = arith.constant 0 : i32
      %dma_start3A_839 = tpu.memref_slice %arg10[%dma_start3A_837, %dma_start3A_838] : memref<16x64xi32, #tpu.memory_space<vmem>> -> memref<1x64xi32, #tpu.memory_space<vmem>>
      %dma_start3A_840 = tpu.memref_squeeze %dma_start3A_839 : memref<1x64xi32, #tpu.memory_space<vmem>> -> memref<64xi32, #tpu.memory_space<vmem>>
      %dma_start3A_841 = arith.constant 0 : i32
      %dma_start3A_842 = arith.constant 0 : i32
      %dma_start3A_843 = tpu.memref_slice %arg15[%dma_start3A_841, %dma_start3A_842] : memref<10240x128xf32, #tpu.memory_space<vmem_shared>> -> memref<10240x128xf32, #tpu.memory_space<vmem_shared>>
      tpu.enqueue_indirect_dma source(%arg13 : memref<64x128xf32, #tpu.memory_space<vmem>>) target(%dma_start3A_843 : memref<10240x128xf32, #tpu.memory_space<vmem_shared>>) offsets(%dma_start3A_840 : memref<64xi32, #tpu.memory_space<vmem>>) semaphore(%arg22 : memref<!tpu.dma_semaphore, #tpu.memory_space<semaphore_mem>>) {add = true}
      %dma_wait3A_844 = arith.constant 0 : i32
      %dma_wait3A_845 = arith.constant 0 : i32
      %dma_wait3A_846 = tpu.memref_slice %arg7[%dma_wait3A_844, %dma_wait3A_845] : memref<16x64xi32, #tpu.memory_space<vmem>> -> memref<1x64xi32, #tpu.memory_space<vmem>>
      %dma_wait3A_847 = tpu.memref_squeeze %dma_wait3A_846 : memref<1x64xi32, #tpu.memory_space<vmem>> -> memref<64xi32, #tpu.memory_space<vmem>>
      %dma_wait3A_848 = arith.constant 0 : i32
      %dma_wait3A_849 = arith.constant 0 : i32
      %dma_wait3A_850 = tpu.memref_slice %arg2[%dma_wait3A_848, %dma_wait3A_849] : memref<20480x128xf32, #tpu.memory_space<hbm>> -> memref<20480x128xf32, #tpu.memory_space<hbm>>
      tpu.wait_indirect_dma semaphore(%arg19 : memref<!tpu.dma_semaphore, #tpu.memory_space<semaphore_mem>>) src(%dma_wait3A_850 : memref<20480x128xf32, #tpu.memory_space<hbm>>) dst(%arg14 : memref<64x128xf32, #tpu.memory_space<vmem>>)
      %dma_start3A_851 = arith.constant 11 : i32
      %dma_start3A_852 = arith.constant 0 : i32
      %dma_start3A_853 = tpu.memref_slice %arg10[%dma_start3A_851, %dma_start3A_852] : memref<16x64xi32, #tpu.memory_space<vmem>> -> memref<1x64xi32, #tpu.memory_space<vmem>>
      %dma_start3A_854 = tpu.memref_squeeze %dma_start3A_853 : memref<1x64xi32, #tpu.memory_space<vmem>> -> memref<64xi32, #tpu.memory_space<vmem>>
      %dma_start3A_855 = arith.constant 0 : i32
      %dma_start3A_856 = arith.constant 0 : i32
      %dma_start3A_857 = tpu.memref_slice %arg15[%dma_start3A_855, %dma_start3A_856] : memref<10240x128xf32, #tpu.memory_space<vmem_shared>> -> memref<10240x128xf32, #tpu.memory_space<vmem_shared>>
      tpu.enqueue_indirect_dma source(%arg14 : memref<64x128xf32, #tpu.memory_space<vmem>>) target(%dma_start3A_857 : memref<10240x128xf32, #tpu.memory_space<vmem_shared>>) offsets(%dma_start3A_854 : memref<64xi32, #tpu.memory_space<vmem>>) semaphore(%arg23 : memref<!tpu.dma_semaphore, #tpu.memory_space<semaphore_mem>>) {add = true}
      %dma_wait3A_858 = arith.constant 0 : i32
      %dma_wait3A_859 = arith.constant 0 : i32
      %dma_wait3A_860 = tpu.memref_slice %arg8[%dma_wait3A_858, %dma_wait3A_859] : memref<16x64xi32, #tpu.memory_space<vmem>> -> memref<1x64xi32, #tpu.memory_space<vmem>>
      %dma_wait3A_861 = tpu.memref_squeeze %dma_wait3A_860 : memref<1x64xi32, #tpu.memory_space<vmem>> -> memref<64xi32, #tpu.memory_space<vmem>>
      %dma_wait3A_862 = arith.constant 0 : i32
      %dma_wait3A_863 = arith.constant 0 : i32
      %dma_wait3A_864 = tpu.memref_slice %arg15[%dma_wait3A_862, %dma_wait3A_863] : memref<10240x128xf32, #tpu.memory_space<vmem_shared>> -> memref<10240x128xf32, #tpu.memory_space<vmem_shared>>
      tpu.wait_indirect_dma semaphore(%arg20 : memref<!tpu.dma_semaphore, #tpu.memory_space<semaphore_mem>>) src(%arg11 : memref<64x128xf32, #tpu.memory_space<vmem>>) dst(%dma_wait3A_864 : memref<10240x128xf32, #tpu.memory_space<vmem_shared>>)
      %dma_start3A_865 = arith.constant 12 : i32
      %dma_start3A_866 = arith.constant 0 : i32
      %dma_start3A_867 = tpu.memref_slice %arg9[%dma_start3A_865, %dma_start3A_866] : memref<16x64xi32, #tpu.memory_space<vmem>> -> memref<1x64xi32, #tpu.memory_space<vmem>>
      %dma_start3A_868 = tpu.memref_squeeze %dma_start3A_867 : memref<1x64xi32, #tpu.memory_space<vmem>> -> memref<64xi32, #tpu.memory_space<vmem>>
      %dma_start3A_869 = arith.constant 0 : i32
      %dma_start3A_870 = arith.constant 0 : i32
      %dma_start3A_871 = tpu.memref_slice %arg2[%dma_start3A_869, %dma_start3A_870] : memref<20480x128xf32, #tpu.memory_space<hbm>> -> memref<20480x128xf32, #tpu.memory_space<hbm>>
      tpu.enqueue_indirect_dma source(%dma_start3A_871 : memref<20480x128xf32, #tpu.memory_space<hbm>>) target(%arg11 : memref<64x128xf32, #tpu.memory_space<vmem>>) offsets(%dma_start3A_868 : memref<64xi32, #tpu.memory_space<vmem>>) semaphore(%arg16 : memref<!tpu.dma_semaphore, #tpu.memory_space<semaphore_mem>>)
      %dma_wait3A_872 = arith.constant 0 : i32
      %dma_wait3A_873 = arith.constant 0 : i32
      %dma_wait3A_874 = tpu.memref_slice %arg8[%dma_wait3A_872, %dma_wait3A_873] : memref<16x64xi32, #tpu.memory_space<vmem>> -> memref<1x64xi32, #tpu.memory_space<vmem>>
      %dma_wait3A_875 = tpu.memref_squeeze %dma_wait3A_874 : memref<1x64xi32, #tpu.memory_space<vmem>> -> memref<64xi32, #tpu.memory_space<vmem>>
      %dma_wait3A_876 = arith.constant 0 : i32
      %dma_wait3A_877 = arith.constant 0 : i32
      %dma_wait3A_878 = tpu.memref_slice %arg15[%dma_wait3A_876, %dma_wait3A_877] : memref<10240x128xf32, #tpu.memory_space<vmem_shared>> -> memref<10240x128xf32, #tpu.memory_space<vmem_shared>>
      tpu.wait_indirect_dma semaphore(%arg21 : memref<!tpu.dma_semaphore, #tpu.memory_space<semaphore_mem>>) src(%arg12 : memref<64x128xf32, #tpu.memory_space<vmem>>) dst(%dma_wait3A_878 : memref<10240x128xf32, #tpu.memory_space<vmem_shared>>)
      %dma_start3A_879 = arith.constant 13 : i32
      %dma_start3A_880 = arith.constant 0 : i32
      %dma_start3A_881 = tpu.memref_slice %arg9[%dma_start3A_879, %dma_start3A_880] : memref<16x64xi32, #tpu.memory_space<vmem>> -> memref<1x64xi32, #tpu.memory_space<vmem>>
      %dma_start3A_882 = tpu.memref_squeeze %dma_start3A_881 : memref<1x64xi32, #tpu.memory_space<vmem>> -> memref<64xi32, #tpu.memory_space<vmem>>
      %dma_start3A_883 = arith.constant 0 : i32
      %dma_start3A_884 = arith.constant 0 : i32
      %dma_start3A_885 = tpu.memref_slice %arg2[%dma_start3A_883, %dma_start3A_884] : memref<20480x128xf32, #tpu.memory_space<hbm>> -> memref<20480x128xf32, #tpu.memory_space<hbm>>
      tpu.enqueue_indirect_dma source(%dma_start3A_885 : memref<20480x128xf32, #tpu.memory_space<hbm>>) target(%arg12 : memref<64x128xf32, #tpu.memory_space<vmem>>) offsets(%dma_start3A_882 : memref<64xi32, #tpu.memory_space<vmem>>) semaphore(%arg17 : memref<!tpu.dma_semaphore, #tpu.memory_space<semaphore_mem>>)
      %dma_wait3A_886 = arith.constant 0 : i32
      %dma_wait3A_887 = arith.constant 0 : i32
      %dma_wait3A_888 = tpu.memref_slice %arg8[%dma_wait3A_886, %dma_wait3A_887] : memref<16x64xi32, #tpu.memory_space<vmem>> -> memref<1x64xi32, #tpu.memory_space<vmem>>
      %dma_wait3A_889 = tpu.memref_squeeze %dma_wait3A_888 : memref<1x64xi32, #tpu.memory_space<vmem>> -> memref<64xi32, #tpu.memory_space<vmem>>
      %dma_wait3A_890 = arith.constant 0 : i32
      %dma_wait3A_891 = arith.constant 0 : i32
      %dma_wait3A_892 = tpu.memref_slice %arg15[%dma_wait3A_890, %dma_wait3A_891] : memref<10240x128xf32, #tpu.memory_space<vmem_shared>> -> memref<10240x128xf32, #tpu.memory_space<vmem_shared>>
      tpu.wait_indirect_dma semaphore(%arg22 : memref<!tpu.dma_semaphore, #tpu.memory_space<semaphore_mem>>) src(%arg13 : memref<64x128xf32, #tpu.memory_space<vmem>>) dst(%dma_wait3A_892 : memref<10240x128xf32, #tpu.memory_space<vmem_shared>>)
      %dma_start3A_893 = arith.constant 14 : i32
      %dma_start3A_894 = arith.constant 0 : i32
      %dma_start3A_895 = tpu.memref_slice %arg9[%dma_start3A_893, %dma_start3A_894] : memref<16x64xi32, #tpu.memory_space<vmem>> -> memref<1x64xi32, #tpu.memory_space<vmem>>
      %dma_start3A_896 = tpu.memref_squeeze %dma_start3A_895 : memref<1x64xi32, #tpu.memory_space<vmem>> -> memref<64xi32, #tpu.memory_space<vmem>>
      %dma_start3A_897 = arith.constant 0 : i32
      %dma_start3A_898 = arith.constant 0 : i32
      %dma_start3A_899 = tpu.memref_slice %arg2[%dma_start3A_897, %dma_start3A_898] : memref<20480x128xf32, #tpu.memory_space<hbm>> -> memref<20480x128xf32, #tpu.memory_space<hbm>>
      tpu.enqueue_indirect_dma source(%dma_start3A_899 : memref<20480x128xf32, #tpu.memory_space<hbm>>) target(%arg13 : memref<64x128xf32, #tpu.memory_space<vmem>>) offsets(%dma_start3A_896 : memref<64xi32, #tpu.memory_space<vmem>>) semaphore(%arg18 : memref<!tpu.dma_semaphore, #tpu.memory_space<semaphore_mem>>)
      %dma_wait3A_900 = arith.constant 0 : i32
      %dma_wait3A_901 = arith.constant 0 : i32
      %dma_wait3A_902 = tpu.memref_slice %arg8[%dma_wait3A_900, %dma_wait3A_901] : memref<16x64xi32, #tpu.memory_space<vmem>> -> memref<1x64xi32, #tpu.memory_space<vmem>>
      %dma_wait3A_903 = tpu.memref_squeeze %dma_wait3A_902 : memref<1x64xi32, #tpu.memory_space<vmem>> -> memref<64xi32, #tpu.memory_space<vmem>>
      %dma_wait3A_904 = arith.constant 0 : i32
      %dma_wait3A_905 = arith.constant 0 : i32
      %dma_wait3A_906 = tpu.memref_slice %arg15[%dma_wait3A_904, %dma_wait3A_905] : memref<10240x128xf32, #tpu.memory_space<vmem_shared>> -> memref<10240x128xf32, #tpu.memory_space<vmem_shared>>
      tpu.wait_indirect_dma semaphore(%arg23 : memref<!tpu.dma_semaphore, #tpu.memory_space<semaphore_mem>>) src(%arg14 : memref<64x128xf32, #tpu.memory_space<vmem>>) dst(%dma_wait3A_906 : memref<10240x128xf32, #tpu.memory_space<vmem_shared>>)
      %dma_start3A_907 = arith.constant 15 : i32
      %dma_start3A_908 = arith.constant 0 : i32
      %dma_start3A_909 = tpu.memref_slice %arg9[%dma_start3A_907, %dma_start3A_908] : memref<16x64xi32, #tpu.memory_space<vmem>> -> memref<1x64xi32, #tpu.memory_space<vmem>>
      %dma_start3A_910 = tpu.memref_squeeze %dma_start3A_909 : memref<1x64xi32, #tpu.memory_space<vmem>> -> memref<64xi32, #tpu.memory_space<vmem>>
      %dma_start3A_911 = arith.constant 0 : i32
      %dma_start3A_912 = arith.constant 0 : i32
      %dma_start3A_913 = tpu.memref_slice %arg2[%dma_start3A_911, %dma_start3A_912] : memref<20480x128xf32, #tpu.memory_space<hbm>> -> memref<20480x128xf32, #tpu.memory_space<hbm>>
      tpu.enqueue_indirect_dma source(%dma_start3A_913 : memref<20480x128xf32, #tpu.memory_space<hbm>>) target(%arg14 : memref<64x128xf32, #tpu.memory_space<vmem>>) offsets(%dma_start3A_910 : memref<64xi32, #tpu.memory_space<vmem>>) semaphore(%arg19 : memref<!tpu.dma_semaphore, #tpu.memory_space<semaphore_mem>>)
      %dma_wait3A_914 = arith.constant 0 : i32
      %dma_wait3A_915 = arith.constant 0 : i32
      %dma_wait3A_916 = tpu.memref_slice %arg7[%dma_wait3A_914, %dma_wait3A_915] : memref<16x64xi32, #tpu.memory_space<vmem>> -> memref<1x64xi32, #tpu.memory_space<vmem>>
      %dma_wait3A_917 = tpu.memref_squeeze %dma_wait3A_916 : memref<1x64xi32, #tpu.memory_space<vmem>> -> memref<64xi32, #tpu.memory_space<vmem>>
      %dma_wait3A_918 = arith.constant 0 : i32
      %dma_wait3A_919 = arith.constant 0 : i32
      %dma_wait3A_920 = tpu.memref_slice %arg2[%dma_wait3A_918, %dma_wait3A_919] : memref<20480x128xf32, #tpu.memory_space<hbm>> -> memref<20480x128xf32, #tpu.memory_space<hbm>>
      tpu.wait_indirect_dma semaphore(%arg16 : memref<!tpu.dma_semaphore, #tpu.memory_space<semaphore_mem>>) src(%dma_wait3A_920 : memref<20480x128xf32, #tpu.memory_space<hbm>>) dst(%arg11 : memref<64x128xf32, #tpu.memory_space<vmem>>)
      %dma_start3A_921 = arith.constant 12 : i32
      %dma_start3A_922 = arith.constant 0 : i32
      %dma_start3A_923 = tpu.memref_slice %arg10[%dma_start3A_921, %dma_start3A_922] : memref<16x64xi32, #tpu.memory_space<vmem>> -> memref<1x64xi32, #tpu.memory_space<vmem>>
      %dma_start3A_924 = tpu.memref_squeeze %dma_start3A_923 : memref<1x64xi32, #tpu.memory_space<vmem>> -> memref<64xi32, #tpu.memory_space<vmem>>
      %dma_start3A_925 = arith.constant 0 : i32
      %dma_start3A_926 = arith.constant 0 : i32
      %dma_start3A_927 = tpu.memref_slice %arg15[%dma_start3A_925, %dma_start3A_926] : memref<10240x128xf32, #tpu.memory_space<vmem_shared>> -> memref<10240x128xf32, #tpu.memory_space<vmem_shared>>
      tpu.enqueue_indirect_dma source(%arg11 : memref<64x128xf32, #tpu.memory_space<vmem>>) target(%dma_start3A_927 : memref<10240x128xf32, #tpu.memory_space<vmem_shared>>) offsets(%dma_start3A_924 : memref<64xi32, #tpu.memory_space<vmem>>) semaphore(%arg20 : memref<!tpu.dma_semaphore, #tpu.memory_space<semaphore_mem>>) {add = true}
      %dma_wait3A_928 = arith.constant 0 : i32
      %dma_wait3A_929 = arith.constant 0 : i32
      %dma_wait3A_930 = tpu.memref_slice %arg7[%dma_wait3A_928, %dma_wait3A_929] : memref<16x64xi32, #tpu.memory_space<vmem>> -> memref<1x64xi32, #tpu.memory_space<vmem>>
      %dma_wait3A_931 = tpu.memref_squeeze %dma_wait3A_930 : memref<1x64xi32, #tpu.memory_space<vmem>> -> memref<64xi32, #tpu.memory_space<vmem>>
      %dma_wait3A_932 = arith.constant 0 : i32
      %dma_wait3A_933 = arith.constant 0 : i32
      %dma_wait3A_934 = tpu.memref_slice %arg2[%dma_wait3A_932, %dma_wait3A_933] : memref<20480x128xf32, #tpu.memory_space<hbm>> -> memref<20480x128xf32, #tpu.memory_space<hbm>>
      tpu.wait_indirect_dma semaphore(%arg17 : memref<!tpu.dma_semaphore, #tpu.memory_space<semaphore_mem>>) src(%dma_wait3A_934 : memref<20480x128xf32, #tpu.memory_space<hbm>>) dst(%arg12 : memref<64x128xf32, #tpu.memory_space<vmem>>)
      %dma_start3A_935 = arith.constant 13 : i32
      %dma_start3A_936 = arith.constant 0 : i32
      %dma_start3A_937 = tpu.memref_slice %arg10[%dma_start3A_935, %dma_start3A_936] : memref<16x64xi32, #tpu.memory_space<vmem>> -> memref<1x64xi32, #tpu.memory_space<vmem>>
      %dma_start3A_938 = tpu.memref_squeeze %dma_start3A_937 : memref<1x64xi32, #tpu.memory_space<vmem>> -> memref<64xi32, #tpu.memory_space<vmem>>
      %dma_start3A_939 = arith.constant 0 : i32
      %dma_start3A_940 = arith.constant 0 : i32
      %dma_start3A_941 = tpu.memref_slice %arg15[%dma_start3A_939, %dma_start3A_940] : memref<10240x128xf32, #tpu.memory_space<vmem_shared>> -> memref<10240x128xf32, #tpu.memory_space<vmem_shared>>
      tpu.enqueue_indirect_dma source(%arg12 : memref<64x128xf32, #tpu.memory_space<vmem>>) target(%dma_start3A_941 : memref<10240x128xf32, #tpu.memory_space<vmem_shared>>) offsets(%dma_start3A_938 : memref<64xi32, #tpu.memory_space<vmem>>) semaphore(%arg21 : memref<!tpu.dma_semaphore, #tpu.memory_space<semaphore_mem>>) {add = true}
      %dma_wait3A_942 = arith.constant 0 : i32
      %dma_wait3A_943 = arith.constant 0 : i32
      %dma_wait3A_944 = tpu.memref_slice %arg7[%dma_wait3A_942, %dma_wait3A_943] : memref<16x64xi32, #tpu.memory_space<vmem>> -> memref<1x64xi32, #tpu.memory_space<vmem>>
      %dma_wait3A_945 = tpu.memref_squeeze %dma_wait3A_944 : memref<1x64xi32, #tpu.memory_space<vmem>> -> memref<64xi32, #tpu.memory_space<vmem>>
      %dma_wait3A_946 = arith.constant 0 : i32
      %dma_wait3A_947 = arith.constant 0 : i32
      %dma_wait3A_948 = tpu.memref_slice %arg2[%dma_wait3A_946, %dma_wait3A_947] : memref<20480x128xf32, #tpu.memory_space<hbm>> -> memref<20480x128xf32, #tpu.memory_space<hbm>>
      tpu.wait_indirect_dma semaphore(%arg18 : memref<!tpu.dma_semaphore, #tpu.memory_space<semaphore_mem>>) src(%dma_wait3A_948 : memref<20480x128xf32, #tpu.memory_space<hbm>>) dst(%arg13 : memref<64x128xf32, #tpu.memory_space<vmem>>)
      %dma_start3A_949 = arith.constant 14 : i32
      %dma_start3A_950 = arith.constant 0 : i32
      %dma_start3A_951 = tpu.memref_slice %arg10[%dma_start3A_949, %dma_start3A_950] : memref<16x64xi32, #tpu.memory_space<vmem>> -> memref<1x64xi32, #tpu.memory_space<vmem>>
      %dma_start3A_952 = tpu.memref_squeeze %dma_start3A_951 : memref<1x64xi32, #tpu.memory_space<vmem>> -> memref<64xi32, #tpu.memory_space<vmem>>
      %dma_start3A_953 = arith.constant 0 : i32
      %dma_start3A_954 = arith.constant 0 : i32
      %dma_start3A_955 = tpu.memref_slice %arg15[%dma_start3A_953, %dma_start3A_954] : memref<10240x128xf32, #tpu.memory_space<vmem_shared>> -> memref<10240x128xf32, #tpu.memory_space<vmem_shared>>
      tpu.enqueue_indirect_dma source(%arg13 : memref<64x128xf32, #tpu.memory_space<vmem>>) target(%dma_start3A_955 : memref<10240x128xf32, #tpu.memory_space<vmem_shared>>) offsets(%dma_start3A_952 : memref<64xi32, #tpu.memory_space<vmem>>) semaphore(%arg22 : memref<!tpu.dma_semaphore, #tpu.memory_space<semaphore_mem>>) {add = true}
      %dma_wait3A_956 = arith.constant 0 : i32
      %dma_wait3A_957 = arith.constant 0 : i32
      %dma_wait3A_958 = tpu.memref_slice %arg7[%dma_wait3A_956, %dma_wait3A_957] : memref<16x64xi32, #tpu.memory_space<vmem>> -> memref<1x64xi32, #tpu.memory_space<vmem>>
      %dma_wait3A_959 = tpu.memref_squeeze %dma_wait3A_958 : memref<1x64xi32, #tpu.memory_space<vmem>> -> memref<64xi32, #tpu.memory_space<vmem>>
      %dma_wait3A_960 = arith.constant 0 : i32
      %dma_wait3A_961 = arith.constant 0 : i32
      %dma_wait3A_962 = tpu.memref_slice %arg2[%dma_wait3A_960, %dma_wait3A_961] : memref<20480x128xf32, #tpu.memory_space<hbm>> -> memref<20480x128xf32, #tpu.memory_space<hbm>>
      tpu.wait_indirect_dma semaphore(%arg19 : memref<!tpu.dma_semaphore, #tpu.memory_space<semaphore_mem>>) src(%dma_wait3A_962 : memref<20480x128xf32, #tpu.memory_space<hbm>>) dst(%arg14 : memref<64x128xf32, #tpu.memory_space<vmem>>)
      %dma_start3A_963 = arith.constant 15 : i32
      %dma_start3A_964 = arith.constant 0 : i32
      %dma_start3A_965 = tpu.memref_slice %arg10[%dma_start3A_963, %dma_start3A_964] : memref<16x64xi32, #tpu.memory_space<vmem>> -> memref<1x64xi32, #tpu.memory_space<vmem>>
      %dma_start3A_966 = tpu.memref_squeeze %dma_start3A_965 : memref<1x64xi32, #tpu.memory_space<vmem>> -> memref<64xi32, #tpu.memory_space<vmem>>
      %dma_start3A_967 = arith.constant 0 : i32
      %dma_start3A_968 = arith.constant 0 : i32
      %dma_start3A_969 = tpu.memref_slice %arg15[%dma_start3A_967, %dma_start3A_968] : memref<10240x128xf32, #tpu.memory_space<vmem_shared>> -> memref<10240x128xf32, #tpu.memory_space<vmem_shared>>
      tpu.enqueue_indirect_dma source(%arg14 : memref<64x128xf32, #tpu.memory_space<vmem>>) target(%dma_start3A_969 : memref<10240x128xf32, #tpu.memory_space<vmem_shared>>) offsets(%dma_start3A_966 : memref<64xi32, #tpu.memory_space<vmem>>) semaphore(%arg23 : memref<!tpu.dma_semaphore, #tpu.memory_space<semaphore_mem>>) {add = true}
      %dma_wait3A_970 = arith.constant 0 : i32
      %dma_wait3A_971 = arith.constant 0 : i32
      %dma_wait3A_972 = tpu.memref_slice %arg3[%arg0, %arg1, %dma_wait3A_970, %dma_wait3A_971] : memref<2x16x320x64xi32, #tpu.memory_space<hbm>> -> memref<1x1x16x64xi32, #tpu.memory_space<hbm>>
      %dma_wait3A_973 = tpu.memref_squeeze %dma_wait3A_972 : memref<1x1x16x64xi32, #tpu.memory_space<hbm>> -> memref<16x64xi32, #tpu.memory_space<hbm>>
      %dma_wait3A_974 = arith.constant 0 : i32
      %dma_wait3A_975 = arith.constant 0 : i32
      %dma_wait3A_976 = tpu.memref_slice %arg3[%arg0, %arg1, %dma_wait3A_974, %dma_wait3A_975] : memref<2x16x320x64xi32, #tpu.memory_space<hbm>> -> memref<1x1x16x64xi32, #tpu.memory_space<hbm>>
      %dma_wait3A_977 = tpu.memref_squeeze %dma_wait3A_976 : memref<1x1x16x64xi32, #tpu.memory_space<hbm>> -> memref<16x64xi32, #tpu.memory_space<hbm>>
      tpu.wait_dma2 semaphore(%arg24 : memref<!tpu.dma_semaphore, #tpu.memory_space<semaphore_mem>>) src(%dma_wait3A_977 : memref<16x64xi32, #tpu.memory_space<hbm>>) dst(%arg7 : memref<16x64xi32, #tpu.memory_space<vmem>>)
      %dma_wait3A_978 = arith.constant 0 : i32
      %dma_wait3A_979 = arith.constant 0 : i32
      %dma_wait3A_980 = tpu.memref_slice %arg4[%arg1, %dma_wait3A_978, %dma_wait3A_979] : memref<16x320x64xi32, #tpu.memory_space<hbm>> -> memref<1x16x64xi32, #tpu.memory_space<hbm>>
      %dma_wait3A_981 = tpu.memref_squeeze %dma_wait3A_980 : memref<1x16x64xi32, #tpu.memory_space<hbm>> -> memref<16x64xi32, #tpu.memory_space<hbm>>
      %dma_wait3A_982 = arith.constant 0 : i32
      %dma_wait3A_983 = arith.constant 0 : i32
      %dma_wait3A_984 = tpu.memref_slice %arg4[%arg1, %dma_wait3A_982, %dma_wait3A_983] : memref<16x320x64xi32, #tpu.memory_space<hbm>> -> memref<1x16x64xi32, #tpu.memory_space<hbm>>
      %dma_wait3A_985 = tpu.memref_squeeze %dma_wait3A_984 : memref<1x16x64xi32, #tpu.memory_space<hbm>> -> memref<16x64xi32, #tpu.memory_space<hbm>>
      tpu.wait_dma2 semaphore(%arg25 : memref<!tpu.dma_semaphore, #tpu.memory_space<semaphore_mem>>) src(%dma_wait3A_985 : memref<16x64xi32, #tpu.memory_space<hbm>>) dst(%arg8 : memref<16x64xi32, #tpu.memory_space<vmem>>)
      %dma_wait3A_986 = arith.constant 0 : i32
      %dma_wait3A_987 = arith.constant 0 : i32
      %dma_wait3A_988 = tpu.memref_slice %arg8[%dma_wait3A_986, %dma_wait3A_987] : memref<16x64xi32, #tpu.memory_space<vmem>> -> memref<1x64xi32, #tpu.memory_space<vmem>>
      %dma_wait3A_989 = tpu.memref_squeeze %dma_wait3A_988 : memref<1x64xi32, #tpu.memory_space<vmem>> -> memref<64xi32, #tpu.memory_space<vmem>>
      %dma_wait3A_990 = arith.constant 0 : i32
      %dma_wait3A_991 = arith.constant 0 : i32
      %dma_wait3A_992 = tpu.memref_slice %arg15[%dma_wait3A_990, %dma_wait3A_991] : memref<10240x128xf32, #tpu.memory_space<vmem_shared>> -> memref<10240x128xf32, #tpu.memory_space<vmem_shared>>
      tpu.wait_indirect_dma semaphore(%arg20 : memref<!tpu.dma_semaphore, #tpu.memory_space<semaphore_mem>>) src(%arg11 : memref<64x128xf32, #tpu.memory_space<vmem>>) dst(%dma_wait3A_992 : memref<10240x128xf32, #tpu.memory_space<vmem_shared>>)
      %dma_start3A_993 = arith.constant 0 : i32
      %dma_start3A_994 = arith.constant 0 : i32
      %dma_start3A_995 = tpu.memref_slice %arg7[%dma_start3A_993, %dma_start3A_994] : memref<16x64xi32, #tpu.memory_space<vmem>> -> memref<1x64xi32, #tpu.memory_space<vmem>>
      %dma_start3A_996 = tpu.memref_squeeze %dma_start3A_995 : memref<1x64xi32, #tpu.memory_space<vmem>> -> memref<64xi32, #tpu.memory_space<vmem>>
      %dma_start3A_997 = arith.constant 0 : i32
      %dma_start3A_998 = arith.constant 0 : i32
      %dma_start3A_999 = tpu.memref_slice %arg2[%dma_start3A_997, %dma_start3A_998] : memref<20480x128xf32, #tpu.memory_space<hbm>> -> memref<20480x128xf32, #tpu.memory_space<hbm>>
      tpu.enqueue_indirect_dma source(%dma_start3A_999 : memref<20480x128xf32, #tpu.memory_space<hbm>>) target(%arg11 : memref<64x128xf32, #tpu.memory_space<vmem>>) offsets(%dma_start3A_996 : memref<64xi32, #tpu.memory_space<vmem>>) semaphore(%arg16 : memref<!tpu.dma_semaphore, #tpu.memory_space<semaphore_mem>>)
      %dma_wait3A_1000 = arith.constant 0 : i32
      %dma_wait3A_1001 = arith.constant 0 : i32
      %dma_wait3A_1002 = tpu.memref_slice %arg8[%dma_wait3A_1000, %dma_wait3A_1001] : memref<16x64xi32, #tpu.memory_space<vmem>> -> memref<1x64xi32, #tpu.memory_space<vmem>>
      %dma_wait3A_1003 = tpu.memref_squeeze %dma_wait3A_1002 : memref<1x64xi32, #tpu.memory_space<vmem>> -> memref<64xi32, #tpu.memory_space<vmem>>
      %dma_wait3A_1004 = arith.constant 0 : i32
      %dma_wait3A_1005 = arith.constant 0 : i32
      %dma_wait3A_1006 = tpu.memref_slice %arg15[%dma_wait3A_1004, %dma_wait3A_1005] : memref<10240x128xf32, #tpu.memory_space<vmem_shared>> -> memref<10240x128xf32, #tpu.memory_space<vmem_shared>>
      tpu.wait_indirect_dma semaphore(%arg21 : memref<!tpu.dma_semaphore, #tpu.memory_space<semaphore_mem>>) src(%arg12 : memref<64x128xf32, #tpu.memory_space<vmem>>) dst(%dma_wait3A_1006 : memref<10240x128xf32, #tpu.memory_space<vmem_shared>>)
      %dma_start3A_1007 = arith.constant 1 : i32
      %dma_start3A_1008 = arith.constant 0 : i32
      %dma_start3A_1009 = tpu.memref_slice %arg7[%dma_start3A_1007, %dma_start3A_1008] : memref<16x64xi32, #tpu.memory_space<vmem>> -> memref<1x64xi32, #tpu.memory_space<vmem>>
      %dma_start3A_1010 = tpu.memref_squeeze %dma_start3A_1009 : memref<1x64xi32, #tpu.memory_space<vmem>> -> memref<64xi32, #tpu.memory_space<vmem>>
      %dma_start3A_1011 = arith.constant 0 : i32
      %dma_start3A_1012 = arith.constant 0 : i32
      %dma_start3A_1013 = tpu.memref_slice %arg2[%dma_start3A_1011, %dma_start3A_1012] : memref<20480x128xf32, #tpu.memory_space<hbm>> -> memref<20480x128xf32, #tpu.memory_space<hbm>>
      tpu.enqueue_indirect_dma source(%dma_start3A_1013 : memref<20480x128xf32, #tpu.memory_space<hbm>>) target(%arg12 : memref<64x128xf32, #tpu.memory_space<vmem>>) offsets(%dma_start3A_1010 : memref<64xi32, #tpu.memory_space<vmem>>) semaphore(%arg17 : memref<!tpu.dma_semaphore, #tpu.memory_space<semaphore_mem>>)
      %dma_wait3A_1014 = arith.constant 0 : i32
      %dma_wait3A_1015 = arith.constant 0 : i32
      %dma_wait3A_1016 = tpu.memref_slice %arg8[%dma_wait3A_1014, %dma_wait3A_1015] : memref<16x64xi32, #tpu.memory_space<vmem>> -> memref<1x64xi32, #tpu.memory_space<vmem>>
      %dma_wait3A_1017 = tpu.memref_squeeze %dma_wait3A_1016 : memref<1x64xi32, #tpu.memory_space<vmem>> -> memref<64xi32, #tpu.memory_space<vmem>>
      %dma_wait3A_1018 = arith.constant 0 : i32
      %dma_wait3A_1019 = arith.constant 0 : i32
      %dma_wait3A_1020 = tpu.memref_slice %arg15[%dma_wait3A_1018, %dma_wait3A_1019] : memref<10240x128xf32, #tpu.memory_space<vmem_shared>> -> memref<10240x128xf32, #tpu.memory_space<vmem_shared>>
      tpu.wait_indirect_dma semaphore(%arg22 : memref<!tpu.dma_semaphore, #tpu.memory_space<semaphore_mem>>) src(%arg13 : memref<64x128xf32, #tpu.memory_space<vmem>>) dst(%dma_wait3A_1020 : memref<10240x128xf32, #tpu.memory_space<vmem_shared>>)
      %dma_start3A_1021 = arith.constant 2 : i32
      %dma_start3A_1022 = arith.constant 0 : i32
      %dma_start3A_1023 = tpu.memref_slice %arg7[%dma_start3A_1021, %dma_start3A_1022] : memref<16x64xi32, #tpu.memory_space<vmem>> -> memref<1x64xi32, #tpu.memory_space<vmem>>
      %dma_start3A_1024 = tpu.memref_squeeze %dma_start3A_1023 : memref<1x64xi32, #tpu.memory_space<vmem>> -> memref<64xi32, #tpu.memory_space<vmem>>
      %dma_start3A_1025 = arith.constant 0 : i32
      %dma_start3A_1026 = arith.constant 0 : i32
      %dma_start3A_1027 = tpu.memref_slice %arg2[%dma_start3A_1025, %dma_start3A_1026] : memref<20480x128xf32, #tpu.memory_space<hbm>> -> memref<20480x128xf32, #tpu.memory_space<hbm>>
      tpu.enqueue_indirect_dma source(%dma_start3A_1027 : memref<20480x128xf32, #tpu.memory_space<hbm>>) target(%arg13 : memref<64x128xf32, #tpu.memory_space<vmem>>) offsets(%dma_start3A_1024 : memref<64xi32, #tpu.memory_space<vmem>>) semaphore(%arg18 : memref<!tpu.dma_semaphore, #tpu.memory_space<semaphore_mem>>)
      %dma_wait3A_1028 = arith.constant 0 : i32
      %dma_wait3A_1029 = arith.constant 0 : i32
      %dma_wait3A_1030 = tpu.memref_slice %arg8[%dma_wait3A_1028, %dma_wait3A_1029] : memref<16x64xi32, #tpu.memory_space<vmem>> -> memref<1x64xi32, #tpu.memory_space<vmem>>
      %dma_wait3A_1031 = tpu.memref_squeeze %dma_wait3A_1030 : memref<1x64xi32, #tpu.memory_space<vmem>> -> memref<64xi32, #tpu.memory_space<vmem>>
      %dma_wait3A_1032 = arith.constant 0 : i32
      %dma_wait3A_1033 = arith.constant 0 : i32
      %dma_wait3A_1034 = tpu.memref_slice %arg15[%dma_wait3A_1032, %dma_wait3A_1033] : memref<10240x128xf32, #tpu.memory_space<vmem_shared>> -> memref<10240x128xf32, #tpu.memory_space<vmem_shared>>
      tpu.wait_indirect_dma semaphore(%arg23 : memref<!tpu.dma_semaphore, #tpu.memory_space<semaphore_mem>>) src(%arg14 : memref<64x128xf32, #tpu.memory_space<vmem>>) dst(%dma_wait3A_1034 : memref<10240x128xf32, #tpu.memory_space<vmem_shared>>)
      %dma_start3A_1035 = arith.constant 3 : i32
      %dma_start3A_1036 = arith.constant 0 : i32
      %dma_start3A_1037 = tpu.memref_slice %arg7[%dma_start3A_1035, %dma_start3A_1036] : memref<16x64xi32, #tpu.memory_space<vmem>> -> memref<1x64xi32, #tpu.memory_space<vmem>>
      %dma_start3A_1038 = tpu.memref_squeeze %dma_start3A_1037 : memref<1x64xi32, #tpu.memory_space<vmem>> -> memref<64xi32, #tpu.memory_space<vmem>>
      %dma_start3A_1039 = arith.constant 0 : i32
      %dma_start3A_1040 = arith.constant 0 : i32
      %dma_start3A_1041 = tpu.memref_slice %arg2[%dma_start3A_1039, %dma_start3A_1040] : memref<20480x128xf32, #tpu.memory_space<hbm>> -> memref<20480x128xf32, #tpu.memory_space<hbm>>
      tpu.enqueue_indirect_dma source(%dma_start3A_1041 : memref<20480x128xf32, #tpu.memory_space<hbm>>) target(%arg14 : memref<64x128xf32, #tpu.memory_space<vmem>>) offsets(%dma_start3A_1038 : memref<64xi32, #tpu.memory_space<vmem>>) semaphore(%arg19 : memref<!tpu.dma_semaphore, #tpu.memory_space<semaphore_mem>>)
      %mul3A_1042 = arith.constant 2 : i32
      %mul3A_1043 = arith.muli %mul3A_1042, %scan3A_93 : i32
      %add3A_1044 = arith.constant 3 : i32
      %add3A_1045 = arith.addi %mul3A_1043, %add3A_1044 : i32
      %min3A_1046 = arith.constant 19 : i32
      %min3A_1047 = arith.minsi %add3A_1045, %min3A_1046 : i32
      %mul3A_1048 = arith.constant 16 : i32
      %mul3A_1049 = arith.muli %min3A_1047, %mul3A_1048 : i32
      %dma_start3A_1050 = arith.constant 0 : i32
      %dma_start3A_1051 = tpu.memref_slice %arg3[%arg0, %arg1, %mul3A_1049, %dma_start3A_1050] : memref<2x16x320x64xi32, #tpu.memory_space<hbm>> -> memref<1x1x16x64xi32, #tpu.memory_space<hbm>>
      %dma_start3A_1052 = tpu.memref_squeeze %dma_start3A_1051 : memref<1x1x16x64xi32, #tpu.memory_space<hbm>> -> memref<16x64xi32, #tpu.memory_space<hbm>>
      %dma_start3A_1053 = arith.constant 0 : i32
      %dma_start3A_1054 = tpu.memref_slice %arg3[%arg0, %arg1, %mul3A_1049, %dma_start3A_1053] : memref<2x16x320x64xi32, #tpu.memory_space<hbm>> -> memref<1x1x16x64xi32, #tpu.memory_space<hbm>>
      %dma_start3A_1055 = tpu.memref_squeeze %dma_start3A_1054 : memref<1x1x16x64xi32, #tpu.memory_space<hbm>> -> memref<16x64xi32, #tpu.memory_space<hbm>>
      tpu.enqueue_dma source(%dma_start3A_1055 : memref<16x64xi32, #tpu.memory_space<hbm>>) target(%arg9 : memref<16x64xi32, #tpu.memory_space<vmem>>) target_semaphore(%arg26 : memref<!tpu.dma_semaphore, #tpu.memory_space<semaphore_mem>>)
      %mul3A_1056 = arith.constant 16 : i32
      %mul3A_1057 = arith.muli %min3A_1047, %mul3A_1056 : i32
      %dma_start3A_1058 = arith.constant 0 : i32
      %dma_start3A_1059 = tpu.memref_slice %arg4[%arg1, %mul3A_1057, %dma_start3A_1058] : memref<16x320x64xi32, #tpu.memory_space<hbm>> -> memref<1x16x64xi32, #tpu.memory_space<hbm>>
      %dma_start3A_1060 = tpu.memref_squeeze %dma_start3A_1059 : memref<1x16x64xi32, #tpu.memory_space<hbm>> -> memref<16x64xi32, #tpu.memory_space<hbm>>
      %dma_start3A_1061 = arith.constant 0 : i32
      %dma_start3A_1062 = tpu.memref_slice %arg4[%arg1, %mul3A_1057, %dma_start3A_1061] : memref<16x320x64xi32, #tpu.memory_space<hbm>> -> memref<1x16x64xi32, #tpu.memory_space<hbm>>
      %dma_start3A_1063 = tpu.memref_squeeze %dma_start3A_1062 : memref<1x16x64xi32, #tpu.memory_space<hbm>> -> memref<16x64xi32, #tpu.memory_space<hbm>>
      tpu.enqueue_dma source(%dma_start3A_1063 : memref<16x64xi32, #tpu.memory_space<hbm>>) target(%arg10 : memref<16x64xi32, #tpu.memory_space<vmem>>) target_semaphore(%arg27 : memref<!tpu.dma_semaphore, #tpu.memory_space<semaphore_mem>>)
    }
    %scan3A_48 = arith.constant 10 : i32
    %dma_wait3A = arith.constant 0 : i32
    %dma_wait3A_49 = arith.constant 0 : i32
    %dma_wait3A_50 = tpu.memref_slice %arg7[%dma_wait3A, %dma_wait3A_49] : memref<16x64xi32, #tpu.memory_space<vmem>> -> memref<1x64xi32, #tpu.memory_space<vmem>>
    %dma_wait3A_51 = tpu.memref_squeeze %dma_wait3A_50 : memref<1x64xi32, #tpu.memory_space<vmem>> -> memref<64xi32, #tpu.memory_space<vmem>>
    %dma_wait3A_52 = arith.constant 0 : i32
    %dma_wait3A_53 = arith.constant 0 : i32
    %dma_wait3A_54 = tpu.memref_slice %arg2[%dma_wait3A_52, %dma_wait3A_53] : memref<20480x128xf32, #tpu.memory_space<hbm>> -> memref<20480x128xf32, #tpu.memory_space<hbm>>
    tpu.wait_indirect_dma semaphore(%arg16 : memref<!tpu.dma_semaphore, #tpu.memory_space<semaphore_mem>>) src(%dma_wait3A_54 : memref<20480x128xf32, #tpu.memory_space<hbm>>) dst(%arg11 : memref<64x128xf32, #tpu.memory_space<vmem>>)
    %dma_wait3A_55 = arith.constant 0 : i32
    %dma_wait3A_56 = arith.constant 0 : i32
    %dma_wait3A_57 = tpu.memref_slice %arg7[%dma_wait3A_55, %dma_wait3A_56] : memref<16x64xi32, #tpu.memory_space<vmem>> -> memref<1x64xi32, #tpu.memory_space<vmem>>
    %dma_wait3A_58 = tpu.memref_squeeze %dma_wait3A_57 : memref<1x64xi32, #tpu.memory_space<vmem>> -> memref<64xi32, #tpu.memory_space<vmem>>
    %dma_wait3A_59 = arith.constant 0 : i32
    %dma_wait3A_60 = arith.constant 0 : i32
    %dma_wait3A_61 = tpu.memref_slice %arg2[%dma_wait3A_59, %dma_wait3A_60] : memref<20480x128xf32, #tpu.memory_space<hbm>> -> memref<20480x128xf32, #tpu.memory_space<hbm>>
    tpu.wait_indirect_dma semaphore(%arg17 : memref<!tpu.dma_semaphore, #tpu.memory_space<semaphore_mem>>) src(%dma_wait3A_61 : memref<20480x128xf32, #tpu.memory_space<hbm>>) dst(%arg12 : memref<64x128xf32, #tpu.memory_space<vmem>>)
    %dma_wait3A_62 = arith.constant 0 : i32
    %dma_wait3A_63 = arith.constant 0 : i32
    %dma_wait3A_64 = tpu.memref_slice %arg7[%dma_wait3A_62, %dma_wait3A_63] : memref<16x64xi32, #tpu.memory_space<vmem>> -> memref<1x64xi32, #tpu.memory_space<vmem>>
    %dma_wait3A_65 = tpu.memref_squeeze %dma_wait3A_64 : memref<1x64xi32, #tpu.memory_space<vmem>> -> memref<64xi32, #tpu.memory_space<vmem>>
    %dma_wait3A_66 = arith.constant 0 : i32
    %dma_wait3A_67 = arith.constant 0 : i32
    %dma_wait3A_68 = tpu.memref_slice %arg2[%dma_wait3A_66, %dma_wait3A_67] : memref<20480x128xf32, #tpu.memory_space<hbm>> -> memref<20480x128xf32, #tpu.memory_space<hbm>>
    tpu.wait_indirect_dma semaphore(%arg18 : memref<!tpu.dma_semaphore, #tpu.memory_space<semaphore_mem>>) src(%dma_wait3A_68 : memref<20480x128xf32, #tpu.memory_space<hbm>>) dst(%arg13 : memref<64x128xf32, #tpu.memory_space<vmem>>)
    %dma_wait3A_69 = arith.constant 0 : i32
    %dma_wait3A_70 = arith.constant 0 : i32
    %dma_wait3A_71 = tpu.memref_slice %arg7[%dma_wait3A_69, %dma_wait3A_70] : memref<16x64xi32, #tpu.memory_space<vmem>> -> memref<1x64xi32, #tpu.memory_space<vmem>>
    %dma_wait3A_72 = tpu.memref_squeeze %dma_wait3A_71 : memref<1x64xi32, #tpu.memory_space<vmem>> -> memref<64xi32, #tpu.memory_space<vmem>>
    %dma_wait3A_73 = arith.constant 0 : i32
    %dma_wait3A_74 = arith.constant 0 : i32
    %dma_wait3A_75 = tpu.memref_slice %arg2[%dma_wait3A_73, %dma_wait3A_74] : memref<20480x128xf32, #tpu.memory_space<hbm>> -> memref<20480x128xf32, #tpu.memory_space<hbm>>
    tpu.wait_indirect_dma semaphore(%arg19 : memref<!tpu.dma_semaphore, #tpu.memory_space<semaphore_mem>>) src(%dma_wait3A_75 : memref<20480x128xf32, #tpu.memory_space<hbm>>) dst(%arg14 : memref<64x128xf32, #tpu.memory_space<vmem>>)
    %dma_wait3A_76 = arith.constant 0 : i32
    %dma_wait3A_77 = arith.constant 0 : i32
    %dma_wait3A_78 = tpu.memref_slice %arg3[%arg0, %arg1, %dma_wait3A_76, %dma_wait3A_77] : memref<2x16x320x64xi32, #tpu.memory_space<hbm>> -> memref<1x1x16x64xi32, #tpu.memory_space<hbm>>
    %dma_wait3A_79 = tpu.memref_squeeze %dma_wait3A_78 : memref<1x1x16x64xi32, #tpu.memory_space<hbm>> -> memref<16x64xi32, #tpu.memory_space<hbm>>
    %dma_wait3A_80 = arith.constant 0 : i32
    %dma_wait3A_81 = arith.constant 0 : i32
    %dma_wait3A_82 = tpu.memref_slice %arg3[%arg0, %arg1, %dma_wait3A_80, %dma_wait3A_81] : memref<2x16x320x64xi32, #tpu.memory_space<hbm>> -> memref<1x1x16x64xi32, #tpu.memory_space<hbm>>
    %dma_wait3A_83 = tpu.memref_squeeze %dma_wait3A_82 : memref<1x1x16x64xi32, #tpu.memory_space<hbm>> -> memref<16x64xi32, #tpu.memory_space<hbm>>
    tpu.wait_dma2 semaphore(%arg26 : memref<!tpu.dma_semaphore, #tpu.memory_space<semaphore_mem>>) src(%dma_wait3A_83 : memref<16x64xi32, #tpu.memory_space<hbm>>) dst(%arg7 : memref<16x64xi32, #tpu.memory_space<vmem>>)
    %dma_wait3A_84 = arith.constant 0 : i32
    %dma_wait3A_85 = arith.constant 0 : i32
    %dma_wait3A_86 = tpu.memref_slice %arg4[%arg1, %dma_wait3A_84, %dma_wait3A_85] : memref<16x320x64xi32, #tpu.memory_space<hbm>> -> memref<1x16x64xi32, #tpu.memory_space<hbm>>
    %dma_wait3A_87 = tpu.memref_squeeze %dma_wait3A_86 : memref<1x16x64xi32, #tpu.memory_space<hbm>> -> memref<16x64xi32, #tpu.memory_space<hbm>>
    %dma_wait3A_88 = arith.constant 0 : i32
    %dma_wait3A_89 = arith.constant 0 : i32
    %dma_wait3A_90 = tpu.memref_slice %arg4[%arg1, %dma_wait3A_88, %dma_wait3A_89] : memref<16x320x64xi32, #tpu.memory_space<hbm>> -> memref<1x16x64xi32, #tpu.memory_space<hbm>>
    %dma_wait3A_91 = tpu.memref_squeeze %dma_wait3A_90 : memref<1x16x64xi32, #tpu.memory_space<hbm>> -> memref<16x64xi32, #tpu.memory_space<hbm>>
    tpu.wait_dma2 semaphore(%arg27 : memref<!tpu.dma_semaphore, #tpu.memory_space<semaphore_mem>>) src(%dma_wait3A_91 : memref<16x64xi32, #tpu.memory_space<hbm>>) dst(%arg8 : memref<16x64xi32, #tpu.memory_space<vmem>>)
    %barrier3A_92 = arith.constant 0 : index
    tpu.barrier barrier_id(%barrier3A_92)
    "tpu.region"() ({
      %run_scoped3A = tpu.sem_alloc : memref<!tpu.dma_semaphore, #tpu.memory_space<semaphore_mem>>
      %dma_start3A_93 = arith.constant 0 : i32
      %dma_start3A_94 = tpu.memref_slice %arg6[%arg0, %mul3A_0, %dma_start3A_93] : memref<2x10240x128xf32, #tpu.memory_space<hbm>> -> memref<1x640x128xf32, #tpu.memory_space<hbm>>
      %dma_start3A_95 = tpu.memref_squeeze %dma_start3A_94 : memref<1x640x128xf32, #tpu.memory_space<hbm>> -> memref<640x128xf32, #tpu.memory_space<hbm>>
      %dma_start3A_96 = arith.constant 0 : i32
      %dma_start3A_97 = tpu.memref_slice %arg15[%mul3A_0, %dma_start3A_96] : memref<10240x128xf32, #tpu.memory_space<vmem_shared>> -> memref<640x128xf32, #tpu.memory_space<vmem_shared>>
      tpu.enqueue_dma source(%dma_start3A_97 : memref<640x128xf32, #tpu.memory_space<vmem_shared>>) target(%dma_start3A_95 : memref<640x128xf32, #tpu.memory_space<hbm>>) target_semaphore(%run_scoped3A : memref<!tpu.dma_semaphore, #tpu.memory_space<semaphore_mem>>)
      %dma_wait3A_98 = arith.constant 0 : i32
      %dma_wait3A_99 = tpu.memref_slice %arg6[%arg0, %mul3A_0, %dma_wait3A_98] : memref<2x10240x128xf32, #tpu.memory_space<hbm>> -> memref<1x640x128xf32, #tpu.memory_space<hbm>>
      %dma_wait3A_100 = tpu.memref_squeeze %dma_wait3A_99 : memref<1x640x128xf32, #tpu.memory_space<hbm>> -> memref<640x128xf32, #tpu.memory_space<hbm>>
      %dma_wait3A_101 = arith.constant 0 : i32
      %dma_wait3A_102 = tpu.memref_slice %arg15[%mul3A_0, %dma_wait3A_101] : memref<10240x128xf32, #tpu.memory_space<vmem_shared>> -> memref<640x128xf32, #tpu.memory_space<vmem_shared>>
      tpu.wait_dma2 semaphore(%run_scoped3A : memref<!tpu.dma_semaphore, #tpu.memory_space<semaphore_mem>>) src(%dma_wait3A_102 : memref<640x128xf32, #tpu.memory_space<vmem_shared>>) dst(%dma_wait3A_100 : memref<640x128xf32, #tpu.memory_space<hbm>>)
      tpu.yield
    }) : () -> ()
    return
  }
}

module attributes {stable_mosaic.version = 14 : i64} {
  func.func @_pre_body(%arg0: i32, %arg1: memref<256x128xf32, #tpu.memory_space<vmem>>, %arg2: memref<256x16xf32, #tpu.memory_space<vmem>>, %arg3: memref<128x128xf32, #tpu.memory_space<vmem>>, %arg4: memref<1x128xf32, #tpu.memory_space<vmem>>, %arg5: memref<128x128xf32, #tpu.memory_space<vmem>>, %arg6: memref<1x128xf32, #tpu.memory_space<vmem>>, %arg7: memref<16x128xf32, #tpu.memory_space<vmem>>, %arg8: memref<256x2x128xf32, #tpu.memory_space<vmem>>, %arg9: memref<256x128xf32, #tpu.memory_space<vmem>>, %arg10: memref<256x128xf32, #tpu.memory_space<vmem>>) attributes {dimension_semantics = [#tpu.dimension_semantics<arbitrary>], iteration_bounds = array<i64: 40>, scalar_prefetch = 0 : i64, scratch_operands = 0 : i64, tpu.core_type = #tpu.core_type<tc>, window_params = [{transform_indices = @transform_0, window_bounds = array<i64: 256, 128>}, {transform_indices = @transform_1, window_bounds = array<i64: 256, 16>}, {pipeline_mode = #tpu.pipeline_mode<synchronous>, transform_indices = @transform_2, window_bounds = array<i64: 128, 128>}, {pipeline_mode = #tpu.pipeline_mode<synchronous>, transform_indices = @transform_3, window_bounds = array<i64: 1, 128>}, {pipeline_mode = #tpu.pipeline_mode<synchronous>, transform_indices = @transform_4, window_bounds = array<i64: 128, 128>}, {pipeline_mode = #tpu.pipeline_mode<synchronous>, transform_indices = @transform_5, window_bounds = array<i64: 1, 128>}, {pipeline_mode = #tpu.pipeline_mode<synchronous>, transform_indices = @transform_6, window_bounds = array<i64: 16, 128>}, {transform_indices = @transform_7, window_bounds = array<i64: 256, 2, 128>}, {transform_indices = @transform_8, window_bounds = array<i64: 256, 128>}, {transform_indices = @transform_9, window_bounds = array<i64: 256, 128>}]} {
    %get3A = arith.constant 0 : index
    %get3A_0 = arith.constant 0 : index
    %get3A_1 = vector.load %arg1[%get3A, %get3A_0] : memref<256x128xf32, #tpu.memory_space<vmem>>, vector<256x128xf32>
    %get3A_2 = arith.constant 0 : index
    %get3A_3 = arith.constant 0 : index
    %get3A_4 = vector.load %arg3[%get3A_2, %get3A_3] : memref<128x128xf32, #tpu.memory_space<vmem>>, vector<128x128xf32>
    %dot_general3A = arith.constant dense<0.000000e+00> : vector<256x128xf32>
    %dot_general3A_5 = tpu.matmul %get3A_1, %get3A_4, %dot_general3A {dimension_numbers = #tpu.dot_dimension_numbers<[1], [0], [0], [1], [0, 0, 1, 1], [], []>, transpose_lhs_hint = false} : vector<256x128xf32>, vector<128x128xf32>, vector<256x128xf32> -> vector<256x128xf32>
    %get3A_6 = arith.constant 0 : index
    %get3A_7 = arith.constant 0 : index
    %get3A_8 = vector.load %arg4[%get3A_6, %get3A_7] : memref<1x128xf32, #tpu.memory_space<vmem>>, vector<1x128xf32>
    %add3A = vector.broadcast %get3A_8 : vector<1x128xf32> to vector<256x128xf32>
    %add3A_9 = arith.addf %dot_general3A_5, %add3A : vector<256x128xf32>
    %max3A = arith.constant 0.000000e+00 : f32
    %max3A_10 = vector.broadcast %max3A : f32 to vector<256x128xf32>
    %max3A_11 = arith.maximumf %add3A_9, %max3A_10 : vector<256x128xf32>
    %get3A_12 = arith.constant 0 : index
    %get3A_13 = arith.constant 0 : index
    %get3A_14 = vector.load %arg2[%get3A_12, %get3A_13] : memref<256x16xf32, #tpu.memory_space<vmem>>, vector<256x16xf32>
    %get3A_15 = arith.constant 0 : index
    %get3A_16 = arith.constant 0 : index
    %get3A_17 = vector.load %arg7[%get3A_15, %get3A_16] : memref<16x128xf32, #tpu.memory_space<vmem>>, vector<16x128xf32>
    %dot_general3A_18 = arith.constant dense<0.000000e+00> : vector<256x128xf32>
    %dot_general3A_19 = tpu.matmul %get3A_14, %get3A_17, %dot_general3A_18 {dimension_numbers = #tpu.dot_dimension_numbers<[1], [0], [0], [1], [0, 0, 1, 1], [], []>, transpose_lhs_hint = false} : vector<256x16xf32>, vector<16x128xf32>, vector<256x128xf32> -> vector<256x128xf32>
    %mul3A = arith.constant 256 : i32
    %mul3A_20 = arith.muli %arg0, %mul3A : i32
    %iota3A = tpu.iota {dimensions = array<i32: 0>} : vector<256x128xi32>
    %add3A_21 = vector.broadcast %mul3A_20 : i32 to vector<256x128xi32>
    %add3A_22 = arith.addi %add3A_21, %iota3A : vector<256x128xi32>
    %lt3A = arith.constant 10000 : i32
    %lt3A_23 = vector.broadcast %lt3A : i32 to vector<256x128xi32>
    %lt3A_24 = arith.cmpi slt, %add3A_22, %lt3A_23 : vector<256x128xi32>
    %jit3A = arith.constant 0.000000e+00 : f32
    %broadcast_in_dim3A = vector.broadcast %jit3A : f32 to vector<256x128xf32>
    %select_n3A = arith.select %lt3A_24, %max3A_11, %broadcast_in_dim3A : vector<256x128xi1>, vector<256x128xf32>
    %mul3A_25 = arith.mulf %dot_general3A_19, %select_n3A : vector<256x128xf32>
    %jit3A_26 = arith.constant 0.000000e+00 : f32
    %broadcast_in_dim3A_27 = vector.broadcast %jit3A_26 : f32 to vector<256x128xf32>
    %select_n3A_28 = arith.select %lt3A_24, %mul3A_25, %broadcast_in_dim3A_27 : vector<256x128xi1>, vector<256x128xf32>
    %swap3A = arith.constant 0 : index
    %swap3A_29 = arith.constant 0 : index
    %swap3A_30 = arith.constant 0 : index
    %swap3A_31 = vector.load %arg8[%swap3A, %swap3A_29, %swap3A_30] : memref<256x2x128xf32, #tpu.memory_space<vmem>>, vector<256x1x128xf32>
    %swap3A_32 = vector.shape_cast %swap3A_31 : vector<256x1x128xf32> to vector<256x128xf32>
    %swap3A_33 = vector.shape_cast %select_n3A_28 : vector<256x128xf32> to vector<256x1x128xf32>
    tpu.vector_store %arg8[%swap3A, %swap3A_29, %swap3A_30], %swap3A_33 {strides = array<i32>} : memref<256x2x128xf32, #tpu.memory_space<vmem>>, vector<256x1x128xf32>,
    %swap3A_34 = arith.constant 0 : index
    %swap3A_35 = arith.constant 1 : index
    %swap3A_36 = arith.constant 0 : index
    %swap3A_37 = vector.load %arg8[%swap3A_34, %swap3A_35, %swap3A_36] : memref<256x2x128xf32, #tpu.memory_space<vmem>>, vector<256x1x128xf32>
    %swap3A_38 = vector.shape_cast %swap3A_37 : vector<256x1x128xf32> to vector<256x128xf32>
    %swap3A_39 = vector.shape_cast %select_n3A : vector<256x128xf32> to vector<256x1x128xf32>
    tpu.vector_store %arg8[%swap3A_34, %swap3A_35, %swap3A_36], %swap3A_39 {strides = array<i32>} : memref<256x2x128xf32, #tpu.memory_space<vmem>>, vector<256x1x128xf32>,
    %swap3A_40 = arith.constant 0 : index
    %swap3A_41 = arith.constant 0 : index
    %swap3A_42 = vector.load %arg9[%swap3A_40, %swap3A_41] : memref<256x128xf32, #tpu.memory_space<vmem>>, vector<256x128xf32>
    tpu.vector_store %arg9[%swap3A_40, %swap3A_41], %dot_general3A_19 {strides = array<i32>} : memref<256x128xf32, #tpu.memory_space<vmem>>, vector<256x128xf32>,
    %get3A_43 = arith.constant 0 : index
    %get3A_44 = arith.constant 0 : index
    %get3A_45 = vector.load %arg5[%get3A_43, %get3A_44] : memref<128x128xf32, #tpu.memory_space<vmem>>, vector<128x128xf32>
    %dot_general3A_46 = arith.constant dense<0.000000e+00> : vector<256x128xf32>
    %dot_general3A_47 = tpu.matmul %get3A_1, %get3A_45, %dot_general3A_46 {dimension_numbers = #tpu.dot_dimension_numbers<[1], [0], [0], [1], [0, 0, 1, 1], [], []>, transpose_lhs_hint = false} : vector<256x128xf32>, vector<128x128xf32>, vector<256x128xf32> -> vector<256x128xf32>
    %get3A_48 = arith.constant 0 : index
    %get3A_49 = arith.constant 0 : index
    %get3A_50 = vector.load %arg6[%get3A_48, %get3A_49] : memref<1x128xf32, #tpu.memory_space<vmem>>, vector<1x128xf32>
    %add3A_51 = vector.broadcast %get3A_50 : vector<1x128xf32> to vector<256x128xf32>
    %add3A_52 = arith.addf %dot_general3A_47, %add3A_51 : vector<256x128xf32>
    %swap3A_53 = arith.constant 0 : index
    %swap3A_54 = arith.constant 0 : index
    %swap3A_55 = vector.load %arg10[%swap3A_53, %swap3A_54] : memref<256x128xf32, #tpu.memory_space<vmem>>, vector<256x128xf32>
    tpu.vector_store %arg10[%swap3A_53, %swap3A_54], %add3A_52 {strides = array<i32>} : memref<256x128xf32, #tpu.memory_space<vmem>>, vector<256x128xf32>,
    return
  }
  func.func @transform_0(%arg0: i32) -> (i32, i32) {
    %c0_i32 = arith.constant 0 : i32
    %c0_i32_0 = arith.constant 0 : i32
    return %arg0, %c0_i32 : i32, i32
  }
  func.func @transform_1(%arg0: i32) -> (i32, i32) {
    %c0_i32 = arith.constant 0 : i32
    %c0_i32_0 = arith.constant 0 : i32
    return %arg0, %c0_i32 : i32, i32
  }
  func.func @transform_2(%arg0: i32) -> (i32, i32) {
    %c0_i32 = arith.constant 0 : i32
    %c0_i32_0 = arith.constant 0 : i32
    %c0_i32_1 = arith.constant 0 : i32
    return %c0_i32, %c0_i32_0 : i32, i32
  }
  func.func @transform_3(%arg0: i32) -> (i32, i32) {
    %c0_i32 = arith.constant 0 : i32
    %c0_i32_0 = arith.constant 0 : i32
    %c0_i32_1 = arith.constant 0 : i32
    return %c0_i32, %c0_i32_0 : i32, i32
  }
  func.func @transform_4(%arg0: i32) -> (i32, i32) {
    %c0_i32 = arith.constant 0 : i32
    %c0_i32_0 = arith.constant 0 : i32
    %c0_i32_1 = arith.constant 0 : i32
    return %c0_i32, %c0_i32_0 : i32, i32
  }
  func.func @transform_5(%arg0: i32) -> (i32, i32) {
    %c0_i32 = arith.constant 0 : i32
    %c0_i32_0 = arith.constant 0 : i32
    %c0_i32_1 = arith.constant 0 : i32
    return %c0_i32, %c0_i32_0 : i32, i32
  }
  func.func @transform_6(%arg0: i32) -> (i32, i32) {
    %c0_i32 = arith.constant 0 : i32
    %c0_i32_0 = arith.constant 0 : i32
    %c0_i32_1 = arith.constant 0 : i32
    return %c0_i32, %c0_i32_0 : i32, i32
  }
  func.func @transform_7(%arg0: i32) -> (i32, i32, i32) {
    %c0_i32 = arith.constant 0 : i32
    %c0_i32_0 = arith.constant 0 : i32
    %c0_i32_1 = arith.constant 0 : i32
    return %arg0, %c0_i32, %c0_i32_0 : i32, i32, i32
  }
  func.func @transform_8(%arg0: i32) -> (i32, i32) {
    %c0_i32 = arith.constant 0 : i32
    %c0_i32_0 = arith.constant 0 : i32
    return %arg0, %c0_i32 : i32, i32
  }
  func.func @transform_9(%arg0: i32) -> (i32, i32) {
    %c0_i32 = arith.constant 0 : i32
    %c0_i32_0 = arith.constant 0 : i32
    return %arg0, %c0_i32 : i32, i32
  }
}

module attributes {stable_mosaic.version = 14 : i64} {
  func.func @_comb_body(%arg0: i32, %arg1: memref<1x256x128xf32, #tpu.memory_space<vmem>>, %arg2: memref<1x256x128xf32, #tpu.memory_space<vmem>>, %arg3: memref<256x128xf32, #tpu.memory_space<vmem>>, %arg4: memref<256x128xf32, #tpu.memory_space<vmem>>, %arg5: memref<256x128xf32, #tpu.memory_space<vmem>>, %arg6: memref<8x128xf32, #tpu.memory_space<vmem>>) attributes {dimension_semantics = [#tpu.dimension_semantics<arbitrary>], iteration_bounds = array<i64: 40>, scalar_prefetch = 0 : i64, scratch_operands = 0 : i64, tpu.core_type = #tpu.core_type<tc>, window_params = [{transform_indices = @transform_0, window_bounds = array<i64: 1, 256, 128>}, {transform_indices = @transform_1, window_bounds = array<i64: 1, 256, 128>}, {transform_indices = @transform_2, window_bounds = array<i64: 256, 128>}, {transform_indices = @transform_3, window_bounds = array<i64: 256, 128>}, {transform_indices = @transform_4, window_bounds = array<i64: 256, 128>}, {pipeline_mode = #tpu.pipeline_mode<synchronous>, transform_indices = @transform_5, window_bounds = array<i64: 8, 128>}]} {
    %get3A = arith.constant 0 : index
    %get3A_0 = arith.constant 0 : index
    %get3A_1 = arith.constant 0 : index
    %get3A_2 = vector.load %arg1[%get3A, %get3A_0, %get3A_1] : memref<1x256x128xf32, #tpu.memory_space<vmem>>, vector<1x256x128xf32>
    %get3A_3 = vector.shape_cast %get3A_2 : vector<1x256x128xf32> to vector<256x128xf32>
    %get3A_4 = arith.constant 0 : index
    %get3A_5 = arith.constant 0 : index
    %get3A_6 = vector.load %arg3[%get3A_4, %get3A_5] : memref<256x128xf32, #tpu.memory_space<vmem>>, vector<256x128xf32>
    %get3A_7 = arith.constant 0 : index
    %get3A_8 = arith.constant 0 : index
    %get3A_9 = arith.constant 0 : index
    %get3A_10 = vector.load %arg2[%get3A_7, %get3A_8, %get3A_9] : memref<1x256x128xf32, #tpu.memory_space<vmem>>, vector<1x256x128xf32>
    %get3A_11 = vector.shape_cast %get3A_10 : vector<1x256x128xf32> to vector<256x128xf32>
    %mul3A = arith.mulf %get3A_6, %get3A_11 : vector<256x128xf32>
    %sub3A = arith.subf %get3A_3, %mul3A : vector<256x128xf32>
    %get3A_12 = arith.constant 0 : index
    %get3A_13 = arith.constant 0 : index
    %get3A_14 = vector.load %arg4[%get3A_12, %get3A_13] : memref<256x128xf32, #tpu.memory_space<vmem>>, vector<256x128xf32>
    %add3A = arith.addf %sub3A, %get3A_14 : vector<256x128xf32>
    %max3A = arith.constant 0.000000e+00 : f32
    %max3A_15 = vector.broadcast %max3A : f32 to vector<256x128xf32>
    %max3A_16 = arith.maximumf %add3A, %max3A_15 : vector<256x128xf32>
    %mul3A_17 = arith.constant 256 : i32
    %mul3A_18 = arith.muli %arg0, %mul3A_17 : i32
    %iota3A = tpu.iota {dimensions = array<i32: 0>} : vector<256x128xi32>
    %add3A_19 = vector.broadcast %mul3A_18 : i32 to vector<256x128xi32>
    %add3A_20 = arith.addi %add3A_19, %iota3A : vector<256x128xi32>
    %lt3A = arith.constant 10000 : i32
    %lt3A_21 = vector.broadcast %lt3A : i32 to vector<256x128xi32>
    %lt3A_22 = arith.cmpi slt, %add3A_20, %lt3A_21 : vector<256x128xi32>
    %jit3A = arith.constant 0.000000e+00 : f32
    %broadcast_in_dim3A = vector.broadcast %jit3A : f32 to vector<256x128xf32>
    %select_n3A = arith.select %lt3A_22, %max3A_16, %broadcast_in_dim3A : vector<256x128xi1>, vector<256x128xf32>
    %swap3A = arith.constant 0 : index
    %swap3A_23 = arith.constant 0 : index
    %swap3A_24 = vector.load %arg5[%swap3A, %swap3A_23] : memref<256x128xf32, #tpu.memory_space<vmem>>, vector<256x128xf32>
    tpu.vector_store %arg5[%swap3A, %swap3A_23], %select_n3A {strides = array<i32>} : memref<256x128xf32, #tpu.memory_space<vmem>>, vector<256x128xf32>,
    %reduce_sum3A = arith.constant dense<0.000000e+00> : vector<128xf32>
    %reduce_sum3A_25 = vector.multi_reduction <add>, %select_n3A, %reduce_sum3A [0] : vector<256x128xf32> to vector<128xf32>
    %broadcast_in_dim3A_26 = vector.shape_cast %reduce_sum3A_25 : vector<128xf32> to vector<1x128xf32>
    %mul3A_27 = arith.mulf %select_n3A, %select_n3A : vector<256x128xf32>
    %reduce_sum3A_28 = arith.constant dense<0.000000e+00> : vector<128xf32>
    %reduce_sum3A_29 = vector.multi_reduction <add>, %mul3A_27, %reduce_sum3A_28 [0] : vector<256x128xf32> to vector<128xf32>
    %broadcast_in_dim3A_30 = vector.shape_cast %reduce_sum3A_29 : vector<128xf32> to vector<1x128xf32>
    %broadcast_in_dim3A_31 = arith.constant 0.000000e+00 : f32
    %broadcast_in_dim3A_32 = vector.broadcast %broadcast_in_dim3A_31 : f32 to vector<6x128xf32>
    %concatenate3A = tpu.concatenate %broadcast_in_dim3A_26, %broadcast_in_dim3A_30, %broadcast_in_dim3A_32 in 0 : vector<1x128xf32>, vector<1x128xf32>, vector<6x128xf32> -> vector<8x128xf32>
    %eq3A = arith.constant 0 : i32
    %eq3A_33 = arith.cmpi eq, %arg0, %eq3A : i32
    %convert_element_type3A = arith.extui %eq3A_33 : i1 to i32
    %cond3A = arith.constant 0 : i32
    %cond3A_34 = arith.cmpi ne, %convert_element_type3A, %cond3A : i32
    scf.if %cond3A_34 {
      %broadcast_in_dim3A_42 = arith.constant 0.000000e+00 : f32
      %broadcast_in_dim3A_43 = vector.broadcast %broadcast_in_dim3A_42 : f32 to vector<8x128xf32>
      %swap3A_44 = arith.constant 0 : index
      %swap3A_45 = arith.constant 0 : index
      %swap3A_46 = vector.load %arg6[%swap3A_44, %swap3A_45] : memref<8x128xf32, #tpu.memory_space<vmem>>, vector<8x128xf32>
      tpu.vector_store %arg6[%swap3A_44, %swap3A_45], %broadcast_in_dim3A_43 {strides = array<i32>} : memref<8x128xf32, #tpu.memory_space<vmem>>, vector<8x128xf32>,
    } else {
    }
    %get3A_35 = arith.constant 0 : index
    %get3A_36 = arith.constant 0 : index
    %get3A_37 = vector.load %arg6[%get3A_35, %get3A_36] : memref<8x128xf32, #tpu.memory_space<vmem>>, vector<8x128xf32>
    %add3A_38 = arith.addf %get3A_37, %concatenate3A : vector<8x128xf32>
    %swap3A_39 = arith.constant 0 : index
    %swap3A_40 = arith.constant 0 : index
    %swap3A_41 = vector.load %arg6[%swap3A_39, %swap3A_40] : memref<8x128xf32, #tpu.memory_space<vmem>>, vector<8x128xf32>
    tpu.vector_store %arg6[%swap3A_39, %swap3A_40], %add3A_38 {strides = array<i32>} : memref<8x128xf32, #tpu.memory_space<vmem>>, vector<8x128xf32>,
    return
  }
  func.func @transform_0(%arg0: i32) -> (i32, i32, i32) {
    %c0_i32 = arith.constant 0 : i32
    %c0_i32_0 = arith.constant 0 : i32
    %c0_i32_1 = arith.constant 0 : i32
    return %c0_i32, %arg0, %c0_i32_0 : i32, i32, i32
  }
  func.func @transform_1(%arg0: i32) -> (i32, i32, i32) {
    %c1_i32 = arith.constant 1 : i32
    %c0_i32 = arith.constant 0 : i32
    %c0_i32_0 = arith.constant 0 : i32
    return %c1_i32, %arg0, %c0_i32 : i32, i32, i32
  }
  func.func @transform_2(%arg0: i32) -> (i32, i32) {
    %c0_i32 = arith.constant 0 : i32
    %c0_i32_0 = arith.constant 0 : i32
    return %arg0, %c0_i32 : i32, i32
  }
  func.func @transform_3(%arg0: i32) -> (i32, i32) {
    %c0_i32 = arith.constant 0 : i32
    %c0_i32_0 = arith.constant 0 : i32
    return %arg0, %c0_i32 : i32, i32
  }
  func.func @transform_4(%arg0: i32) -> (i32, i32) {
    %c0_i32 = arith.constant 0 : i32
    %c0_i32_0 = arith.constant 0 : i32
    return %arg0, %c0_i32 : i32, i32
  }
  func.func @transform_5(%arg0: i32) -> (i32, i32) {
    %c0_i32 = arith.constant 0 : i32
    %c0_i32_0 = arith.constant 0 : i32
    %c0_i32_1 = arith.constant 0 : i32
    return %c0_i32, %c0_i32_0 : i32, i32
  }
}

module attributes {stable_mosaic.version = 14 : i64} {
  func.func @_norm_body(%arg0: i32, %arg1: memref<256x128xf32, #tpu.memory_space<vmem>>, %arg2: memref<8x128xf32, #tpu.memory_space<vmem>>, %arg3: memref<1x128xf32, #tpu.memory_space<vmem>>, %arg4: memref<1x128xf32, #tpu.memory_space<vmem>>, %arg5: memref<256x128xf32, #tpu.memory_space<vmem>>) attributes {dimension_semantics = [#tpu.dimension_semantics<arbitrary>], iteration_bounds = array<i64: 40>, scalar_prefetch = 0 : i64, scratch_operands = 0 : i64, tpu.core_type = #tpu.core_type<tc>, window_params = [{transform_indices = @transform_0, window_bounds = array<i64: 256, 128>}, {pipeline_mode = #tpu.pipeline_mode<synchronous>, transform_indices = @transform_1, window_bounds = array<i64: 8, 128>}, {pipeline_mode = #tpu.pipeline_mode<synchronous>, transform_indices = @transform_2, window_bounds = array<i64: 1, 128>}, {pipeline_mode = #tpu.pipeline_mode<synchronous>, transform_indices = @transform_3, window_bounds = array<i64: 1, 128>}, {transform_indices = @transform_4, window_bounds = array<i64: 256, 128>}]} {
    %get3A = arith.constant 0 : index
    %get3A_0 = arith.constant 0 : index
    %get3A_1 = vector.load %arg2[%get3A, %get3A_0] : memref<8x128xf32, #tpu.memory_space<vmem>>, vector<1x128xf32>
    %mul3A = arith.constant 9.99999974E-5 : f32
    %mul3A_2 = vector.broadcast %mul3A : f32 to vector<1x128xf32>
    %mul3A_3 = arith.mulf %get3A_1, %mul3A_2 : vector<1x128xf32>
    %get3A_4 = arith.constant 1 : index
    %get3A_5 = arith.constant 0 : index
    %get3A_6 = vector.load %arg2[%get3A_4, %get3A_5] : memref<8x128xf32, #tpu.memory_space<vmem>>, vector<1x128xf32>
    %mul3A_7 = arith.constant 9.99999974E-5 : f32
    %mul3A_8 = vector.broadcast %mul3A_7 : f32 to vector<1x128xf32>
    %mul3A_9 = arith.mulf %get3A_6, %mul3A_8 : vector<1x128xf32>
    %mul3A_10 = arith.mulf %mul3A_3, %mul3A_3 : vector<1x128xf32>
    %sub3A = arith.subf %mul3A_9, %mul3A_10 : vector<1x128xf32>
    %get3A_11 = arith.constant 0 : index
    %get3A_12 = arith.constant 0 : index
    %get3A_13 = vector.load %arg3[%get3A_11, %get3A_12] : memref<1x128xf32, #tpu.memory_space<vmem>>, vector<1x128xf32>
    %add3A = arith.constant 9.99999974E-6 : f32
    %add3A_14 = vector.broadcast %add3A : f32 to vector<1x128xf32>
    %add3A_15 = arith.addf %sub3A, %add3A_14 : vector<1x128xf32>
    %rsqrt3A = math.rsqrt %add3A_15 : vector<1x128xf32>
    %mul3A_16 = arith.mulf %get3A_13, %rsqrt3A : vector<1x128xf32>
    %get3A_17 = arith.constant 0 : index
    %get3A_18 = arith.constant 0 : index
    %get3A_19 = vector.load %arg1[%get3A_17, %get3A_18] : memref<256x128xf32, #tpu.memory_space<vmem>>, vector<256x128xf32>
    %sub3A_20 = vector.broadcast %mul3A_3 : vector<1x128xf32> to vector<256x128xf32>
    %sub3A_21 = arith.subf %get3A_19, %sub3A_20 : vector<256x128xf32>
    %mul3A_22 = vector.broadcast %mul3A_16 : vector<1x128xf32> to vector<256x128xf32>
    %mul3A_23 = arith.mulf %sub3A_21, %mul3A_22 : vector<256x128xf32>
    %get3A_24 = arith.constant 0 : index
    %get3A_25 = arith.constant 0 : index
    %get3A_26 = vector.load %arg4[%get3A_24, %get3A_25] : memref<1x128xf32, #tpu.memory_space<vmem>>, vector<1x128xf32>
    %add3A_27 = vector.broadcast %get3A_26 : vector<1x128xf32> to vector<256x128xf32>
    %add3A_28 = arith.addf %mul3A_23, %add3A_27 : vector<256x128xf32>
    %swap3A = arith.constant 0 : index
    %swap3A_29 = arith.constant 0 : index
    %swap3A_30 = vector.load %arg5[%swap3A, %swap3A_29] : memref<256x128xf32, #tpu.memory_space<vmem>>, vector<256x128xf32>
    tpu.vector_store %arg5[%swap3A, %swap3A_29], %add3A_28 {strides = array<i32>} : memref<256x128xf32, #tpu.memory_space<vmem>>, vector<256x128xf32>,
    return
  }
  func.func @transform_0(%arg0: i32) -> (i32, i32) {
    %c0_i32 = arith.constant 0 : i32
    %c0_i32_0 = arith.constant 0 : i32
    return %arg0, %c0_i32 : i32, i32
  }
  func.func @transform_1(%arg0: i32) -> (i32, i32) {
    %c0_i32 = arith.constant 0 : i32
    %c0_i32_0 = arith.constant 0 : i32
    %c0_i32_1 = arith.constant 0 : i32
    return %c0_i32, %c0_i32_0 : i32, i32
  }
  func.func @transform_2(%arg0: i32) -> (i32, i32) {
    %c0_i32 = arith.constant 0 : i32
    %c0_i32_0 = arith.constant 0 : i32
    %c0_i32_1 = arith.constant 0 : i32
    return %c0_i32, %c0_i32_0 : i32, i32
  }
  func.func @transform_3(%arg0: i32) -> (i32, i32) {
    %c0_i32 = arith.constant 0 : i32
    %c0_i32_0 = arith.constant 0 : i32
    %c0_i32_1 = arith.constant 0 : i32
    return %c0_i32, %c0_i32_0 : i32, i32
  }
  func.func @transform_4(%arg0: i32) -> (i32, i32) {
    %c0_i32 = arith.constant 0 : i32
    %c0_i32_0 = arith.constant 0 : i32
    return %arg0, %c0_i32 : i32, i32
  }
}

</mosaic_0001>

<sc_bundles>
// kernel: kernel.6.cloned.1.call-start
scs
__scs_entry_jumppad:
0x0: {  	(pc) =	sbr.rel $0x88, $3  }
0x1: {  	(tag) =	ssettag $0x0;
	lr =	simm.s32 $0x1  }
0x2: {  	[smem:$0x3F97] =	sst lr;
	_ =	strace $0xD0000000  }
0x3: {  	_ = 	snop  }
0x4: {  	_ = 	snop  }
0x5: {  	_ = 	snop  }
0x6: {  	_ = 	snop  }
0x7: {  	_ = 	snop  }
__scs_overlays_trampoline_lowered:
0x8: {  	[smem:$0x3FA6] =	sst s0  }
0x9: {  	[smem:$0x3FA7] =	sst s1  }
0xa: {  	[smem:$0x3FA8] =	sst s2  }
0xb: {  	[smem:$0x3FA9] =	sst s3  }
0xc: {  	[smem:$0x3FAA] =	sst s4  }
0xd: {  	[smem:$0x3FAB] =	sst s5  }
0xe: {  	[smem:$0x3FAC] =	sst s6  }
0xf: {  	[smem:$0x3FAD] =	sst s7  }
0x10: {  	[smem:$0x3FAE] =	sst s8  }
0x11: {  	[smem:$0x3FAF] =	sst s9;
	s0 =	simm.s32 @!p0 $0x0  }
0x12: {  	s1 =	sld [smem:$0x3F95];
	s0 =	simm.s32 @p0 $0x1  }
0x13: {  	[smem:$0x3FB0] =	sst s0;
	s0 =	simm.s32 @!p1 $0x0  }
0x14: {  	s2 =	sld [smem:$0x3F94];
	s0 =	simm.s32 @p1 $0x1  }
0x15: {  	[smem:$0x3FB1] =	sst s0;
	s0 =	simm.s32 @!p2 $0x0  }
0x16: {  	s3 =	sld [smem:$0x3FDB];
	s0 =	simm.s32 @p2 $0x1  }
0x17: {  	s4 =	simm.s32 $0x1BF5;
	[smem:$0x3FB3] =	sst s0  }
0x18: {  	s0 =	sld [smem:$0x3F96];
	_ =	swait.ge [sflag:s4], $0x0  }
0x19: {  	s7 =	sld [smem:$0x3F97]  }
0x1a: {  	s8 =	sadd.s32 $0xFFFFE003, lr  }
0x1b: {  	s9 =	sadd.s32 $0xFFFFFEF7, lr;
	s5 =	simm.s32 $0xFFFFFFFF;
	p2 =	slt.u32 s8, $0xFFFFF086  }
0x1c: {  	p1 =	slt.u32 s9, $0xF7A;
	s5 =	simm.s32 @!p2 $0x0  }
0x1d: {  	s5 =	simm.s32 @p1 $0x1;
	p0 =	seq.s32 s7, s2  }
0x1e: {  	s7 =	smul.u32 @!p0 $0xF7A, s2;
	p2 =	seq.s32 @!p0 s5, $0x0  }
0x1f: {  	s9 =	smul.u32 $0xF7A, s1;
	s8 =	simm.s32 @!p0 $0x1BF5;
	p2 =	por !p2, p0  }
0x20: {  	[sflag:s8] =	ssyncset.s32 @!p0 $0xFFFFF086;
	s6 =	sadd.s32 @!p0 s3, s7;
	s7 =	simm.s32 @!p0 $0x108  }
0x21: {  	s3 =	sadd.s32 s3, s9;
	s6 =	sadd.s32 @!p0 $0x88, s6;
	s7 =	simm.s32 @p2 $0x1082  }
0x22: {  	[simem:s7], [sflag:s8] =	dma.local @!p0 [hbm:s6], $0xF7A  }
0x23: {  	s9 =	sor.u32 $0xD0000000, s2;
	s6 =	simm.s32 $0x108;
	_ =	swait.ge @!p0 [sflag:s8], $0x0  }
0x24: {  	s3 =	sadd.s32 $0x88, s3;
	s6 =	simm.s32 @!p1 $0x1082;
	[sflag:s4] =	ssyncset.s32 $0xFFFFF086  }
0x25: {  	[simem:s6], [sflag:s4] =	dma.local [hbm:s3], $0xF7A  }
0x26: {  	[smem:$0x3F97] =	sst s1;
	(tag) =	ssettag s2;
	_ =	strace s9  }
0x27: {  	s1 =	sld [smem:$0x3FA7]  }
0x28: {  	s2 =	sld [smem:$0x3FA8]  }
0x29: {  	s4 =	sld [smem:$0x3FAA]  }
0x2a: {  	p0 =	seq.s32 s5, $0x0;
	s5 =	sld [smem:$0x3FAB]  }
0x2b: {  	s6 =	sld [smem:$0x3FAC]  }
0x2c: {  	s7 =	sld [smem:$0x3FAD]  }
0x2d: {  	s3 =	simm.s32 $0x108;
	s8 =	sld [smem:$0x3FAE]  }
0x2e: {  	s3 =	simm.s32 @!p0 $0x1082;
	s9 =	sld [smem:$0x3FAF]  }
0x2f: {  	lr =	sadd.s32 s0, s3;
	s0 =	sld [smem:$0x3FA6]  }
0x30: {  	s3 =	sld [smem:$0x3FA9]  }
0x31: {  	[smem:$0x3FB2] =	sst s10  }
0x32: {  	s10 =	sld [smem:$0x3FB0];
	_ =	sdelay $0x3  }
0x33: {  	p0 =	seq.s32 s10, $0x1;
	s10 =	sld [smem:$0x3FB2];
	_ =	sdelay $0x3  }
0x34: {  	[smem:$0x3FB2] =	sst s10  }
0x35: {  	s10 =	sld [smem:$0x3FB1];
	_ =	sdelay $0x3  }
0x36: {  	p1 =	seq.s32 s10, $0x1;
	s10 =	sld [smem:$0x3FB2];
	_ =	sdelay $0x3  }
0x37: {  	[smem:$0x3FB2] =	sst s10  }
0x38: {  	s10 =	sld [smem:$0x3FB3]  }
0x39: {  	_ = 	snop;
	(pc) =	sbr.ind lr, $3  }
0x3a: {  	_ = 	snop  }
0x3b: {  	_ = 	snop  }
0x3c: {  	p2 =	seq.s32 s10, $0x1;
	s10 =	sld [smem:$0x3FB2]  }
0x3d: {  	_ =	shalt  }
0x3e: {  	_ =	shalt  }
0x3f: {  	_ =	shalt  }
0x40: {  	_ =	shalt  }
0x41: {  	_ =	shalt  }
0x42: {  	_ =	shalt  }
0x43: {  	_ =	shalt  }
0x44: {  	_ =	shalt  }
0x45: {  	_ =	shalt  }
0x46: {  	_ =	shalt  }
0x47: {  	_ =	shalt  }
0x48: {  	_ =	shalt  }
0x49: {  	_ =	shalt  }
0x4a: {  	_ =	shalt  }
0x4b: {  	_ =	shalt  }
0x4c: {  	_ =	shalt  }
0x4d: {  	_ =	shalt  }
0x4e: {  	_ =	shalt  }
0x4f: {  	_ =	shalt  }
0x50: {  	_ =	shalt  }
0x51: {  	_ =	shalt  }
0x52: {  	_ =	shalt  }
0x53: {  	_ =	shalt  }
0x54: {  	_ =	shalt  }
0x55: {  	_ =	shalt  }
0x56: {  	_ =	shalt  }
0x57: {  	_ =	shalt  }
0x58: {  	_ =	shalt  }
0x59: {  	_ =	shalt  }
0x5a: {  	_ =	shalt  }
0x5b: {  	_ =	shalt  }
0x5c: {  	_ =	shalt  }
0x5d: {  	_ =	shalt  }
0x5e: {  	_ =	shalt  }
0x5f: {  	_ =	shalt  }
0x60: {  	_ =	shalt  }
0x61: {  	_ =	shalt  }
0x62: {  	_ =	shalt  }
0x63: {  	_ =	shalt  }
0x64: {  	_ =	shalt  }
0x65: {  	_ =	shalt  }
0x66: {  	_ =	shalt  }
0x67: {  	_ =	shalt  }
0x68: {  	_ =	shalt  }
0x69: {  	_ =	shalt  }
0x6a: {  	_ =	shalt  }
0x6b: {  	_ =	shalt  }
0x6c: {  	_ =	shalt  }
0x6d: {  	_ =	shalt  }
0x6e: {  	_ =	shalt  }
0x6f: {  	_ =	shalt  }
0x70: {  	_ =	shalt  }
0x71: {  	_ =	shalt  }
0x72: {  	_ =	shalt  }
0x73: {  	_ =	shalt  }
0x74: {  	_ =	shalt  }
0x75: {  	_ =	shalt  }
0x76: {  	_ =	shalt  }
0x77: {  	_ =	shalt  }
0x78: {  	_ =	shalt  }
0x79: {  	_ =	shalt  }
0x7a: {  	_ =	shalt  }
0x7b: {  	_ =	shalt  }
0x7c: {  	_ =	shalt  }
0x7d: {  	_ =	shalt  }
0x7e: {  	_ =	shalt  }
0x7f: {  	_ =	shalt  }
0x80: {  	_ =	shalt  }
0x81: {  	_ =	shalt  }
0x82: {  	_ =	shalt  }
0x83: {  	_ =	shalt  }
0x84: {  	_ =	shalt  }
0x85: {  	_ =	shalt  }
0x86: {  	_ =	shalt  }
0x87: {  	_ =	shalt  }
.Lfunc_end0:
.L_simem_size_0:
called_computation_lowered:
.L_overlay_start_0:
0x88: {  	s2 =	sld [smem:$0x3FD9]  }
0x89: {  	s3 =	sld [smem:$0x3FFE];
	_ =	sdelay $0x1  }
0x8a: {  	s1 =	srdreg.scid  }
0x8b: {  	s0 =	sand.u32 $0x1, s1  }
0x8c: {  	s17 =	sshll.u32 s0, $0xA;
	s2 =	sadd.s32 s3, s2  }
0x8d: {  	s2 =	sadd.s32 s2, s17  }
0x8e: {  	[smem:$0x3FBE] =	sst s2  }
0x8f: {  	_ = 	snop  }
0x90: {  	s2 =	sld [smem:$0x3FD0];
	(tm) =	ssettm $0x1  }
0x91: {  	s18 =	sld [smem:$0x3FFB];
	_ =	sdelay $0x3  }
0x92: {  	_ =	strace s18  }
0x93: {  	s3 =	sld [smem:$0x3FFC];
	_ =	sdelay $0x3  }
0x94: {  	_ =	strace s3  }
0x95: {  	s3 =	sld [smem:$0x3FFD];
	_ =	sdelay $0x3  }
0x96: {  	_ =	strace s3  }
0x97: {  	_ =	strace $0x8FFFFFFF  }
0x98: {  	s19 =	sld [smem:$0x3FDB];
	_ =	sdelay $0x1  }
0x99: {  	s4 =	simm.s32 $_scs_section_size  }
0x9a: {  	s5 =	simm.s32 $_size__tile_overlayer_lowered;
	s6 =	simm.s32 $_tile_overlayer_lowered  }
0x9b: {  	s22 =	simm.s32 $0x1BFF;
	s21 =	sshll.u32 s6, $0x1;
	s3 =	sadd.s32 s4, s19  }
0x9c: {  	s7 =	simm.s32 $0x0;
	s20 =	sshll.u32 s5, $0x1;
	s5 =	sadd.s32 s21, s3  }
0x9d: {  	[timem:s7], [sflag:s22] =	dma.local [hbm:s5], s20  }
0x9e: {  	_ =	swait.ge [sflag:s22], s20  }
0x9f: {  	s4 =	ssub.s32 $0x0, s20;
	[sflag:s22] =	ssyncset.done $0x0  }
0xa0: {  	[sflag:s22] =	ssyncadd.s32 s4;
	_ =	sdelay $0x1  }
0xa1: {  	s23 =	simm.s32 $0x1B8B  }
0xa2: {  	_ =	swait.ge [sflag:s23], $0x1  }
0xa3: {  	[sflag:s23] =	ssyncset.done $0x0  }
0xa4: {  	s25 =	simm.s32 $0x1B8E;
	s24 =	sld [smem:$0x3FFE];
	[sflag:s23] =	ssyncadd.s32 $0xFFFFFFFF  }
0xa5: {  	s26 =	simm.s32 $execute0_lowered;
	[smem:$0x3FD2] =	sst s25  }
0xa6: {  	s5 =	sshll.u32 s26, $0x1;
	_ =	strace $0x80000046;
	[dreg:$0x1] =	wrdreg $0xFFFFFFFF  }
0xa7: {  	s28 =	simm.s32 $_size_execute0_lowered;
	s3 =	sadd.s32 s3, s5;
	[dreg:$0x0] =	wrdreg $0x0  }
0xa8: {  	s5 =	sshll.u32 s28, $0x1;
	[dreg:$0x2] =	wrdreg s3  }
0xa9: {  	[dreg:$0x3] =	wrdreg s5  }
0xaa: {  	[dreg:$0x4] =	wrdreg $0xC0  }
0xab: {  	_ =	task [dreg:s7], $0x5FFFF  }
0xac: {  	[dreg:$0x1] =	wrdreg $0xFFFFFFFF  }
0xad: {  	[dreg:$0x0] =	wrdreg $0x60  }
0xae: {  	[dreg:$0x2] =	wrdreg s24  }
0xaf: {  	[dreg:$0x3] =	wrdreg s2  }
0xb0: {  	[dreg:$0x4] =	wrdreg $0xA0000  }
0xb1: {  	[dreg:$0x5] =	wrdreg $0x9  }
0xb2: {  	_ =	task.clear_ibuf [dreg:s7], $0x6FFFF;
	_ =	strace $0x90000046  }
0xb3: {  	s29 =	simm.s32 $0x9;
	_ =	strace $0x80000048  }
0xb4: {  	_ =	swait.ge [sflag:s29], $0x1  }
0xb5: {  	[sflag:s29] =	ssyncadd.s32 $0xFFFFFFFF  }
0xb6: {  	_ =	strace $0x90000048  }
0xb7: {  	_ =	sfence  }
0xb8: {  	s30 =	sld [smem:$0x0];
	_ =	sdelay $0x2  }
0xb9: {  	s31 =	sshll.u32 s1, $0xD;
	s1 =	sshrl.u32 s1, $0x2  }
0xba: {  	s3 =	sand.u32 $0x4000, s31;
	s1 =	sadd.s32 s1, s30  }
0xbb: {  	s0 =	sor.u32 s3, s0;
	s1 =	sshll.u32 s1, $0x11  }
0xbc: {  	s0 =	sor.u32 s1, s0  }
0xbd: {  	s0 =	sadd.s32 $0x8F2B, s0  }
0xbe: {  	[sflag:s0] =	ssyncadd.remote.s32 $0x1  }
0xbf: {  	_ =	sfence.sel $0xFFFF  }
0xc0: {  	[dreg:$0x0] =	wrdreg $0xFFFFFFFF;
	(pc) =	sbr.abs _section_cstart, $3  }
0xc1: {  	[dreg:$0x1] =	wrdreg $0xFFFFFFFF  }
0xc2: {  	_ =	task.clear_ibuf [dreg:s7], $0x2FFFF;
	_ =	strace $0x9FFFFFFF  }
0xc3: {  	(tm) =	ssettm $0x7FFFFFFF  }
tec
execute0_lowered:
.L_overlay_start_1:
0x0: {  	(tag) =	ssettag $0x1  }
0x1: {  	s0 =	rddreg [dreg:$0x0]  }
0x2: {  	s29 =	rddreg [dreg:$0x1]  }
0x3: {  	s2 =	rddreg [dreg:$0x2];
	s3 =	simm.s32 $0x0  }
0x4: {  	s4 =	simm.s32 $0x880;
	[smem:$0x7FF] =	sst s3  }
0x5: {  	s15 =	simm.s32 $0x900;
	_ =	strace $0x80000047;
	[dreg:$0x4] =	wrdreg s4  }
0x6: {  	s16 =	simm.s32 $0x980;
	[dreg:$0x5] =	wrdreg s15  }
0x7: {  	s17 =	simm.s32 $0x200;
	[dreg:$0x6] =	wrdreg s16  }
0x8: {  	s18 =	simm.s32 $0x280;
	[dreg:$0x7] =	wrdreg s17  }
0x9: {  	s19 =	simm.s32 $0x300;
	[dreg:$0x8] =	wrdreg s18  }
0xa: {  	s20 =	simm.s32 $0x380;
	[dreg:$0x9] =	wrdreg s19  }
0xb: {  	s21 =	simm.s32 $0xA00;
	[dreg:$0xa] =	wrdreg s20  }
0xc: {  	s22 =	simm.s32 $0xA80;
	[dreg:$0xb] =	wrdreg s21  }
0xd: {  	s23 =	simm.s32 $0xB00;
	[dreg:$0xc] =	wrdreg s22  }
0xe: {  	s24 =	simm.s32 $0xB80;
	[dreg:$0xd] =	wrdreg s23  }
0xf: {  	s25 =	simm.s32 $0x400;
	[dreg:$0xe] =	wrdreg s24  }
0x10: {  	s26 =	simm.s32 $0x480;
	[dreg:$0xf] =	wrdreg s25  }
0x11: {  	s1 =	simm.s32 $0x500;
	[dreg:$0x10] =	wrdreg s26  }
0x12: {  	s5 =	simm.s32 $0x580;
	[dreg:$0x11] =	wrdreg s1  }
0x13: {  	s6 =	simm.s32 $0xC00;
	[dreg:$0x12] =	wrdreg s5  }
0x14: {  	s7 =	simm.s32 $0xC80;
	[dreg:$0x13] =	wrdreg s6  }
0x15: {  	s8 =	simm.s32 $0xD00;
	[dreg:$0x14] =	wrdreg s7  }
0x16: {  	s9 =	simm.s32 $0xD80;
	[dreg:$0x15] =	wrdreg s8  }
0x17: {  	s10 =	simm.s32 $0x600;
	[dreg:$0x16] =	wrdreg s9  }
0x18: {  	s11 =	simm.s32 $0x680;
	[dreg:$0x17] =	wrdreg s10  }
0x19: {  	s12 =	simm.s32 $0x700;
	[dreg:$0x18] =	wrdreg s11  }
0x1a: {  	s13 =	simm.s32 $0x780;
	[dreg:$0x19] =	wrdreg s12  }
0x1b: {  	s14 =	simm.s32 $0xE00;
	[dreg:$0x1a] =	wrdreg s13  }
0x1c: {  	[dreg:$0x1b] =	wrdreg s14;
	s15 =	simm.s32 $0xE80  }
0x1d: {  	s16 =	simm.s32 $0xF00;
	[dreg:$0x1c] =	wrdreg s15  }
0x1e: {  	s17 =	simm.s32 $0xF80;
	[dreg:$0x1d] =	wrdreg s16  }
0x1f: {  	s18 =	simm.s32 $0x1080;
	[dreg:$0x1e] =	wrdreg s17  }
0x20: {  	s19 =	simm.s32 $0x1100;
	[dreg:$0x1f] =	wrdreg s18  }
0x21: {  	s20 =	simm.s32 $0x1180;
	[smem:$0x7D7] =	sst s19  }
0x22: {  	s28 =	simm.s32 $0x6000;
	s21 =	simm.s32 $0x1880;
	[smem:$0x7D8] =	sst s20  }
0x23: {  	s30 =	simm.s32 $0x8000;
	s23 =	simm.s32 $0x1900;
	[smem:$0x7D9] =	sst s21  }
0x24: {  	s31 =	simm.s32 $0x1;
	s25 =	simm.s32 $0x1980;
	[smem:$0x7DA] =	sst s23  }
0x25: {  	s5 =	sadd.s32 $0x29600, s0;
	s26 =	simm.s32 $0x1200;
	[smem:$0x7DB] =	sst s25  }
0x26: {  	s1 =	stileid.u32;
	s12 =	simm.s32 $0x1280;
	[smem:$0x7DC] =	sst s26  }
0x27: {  	s6 =	sadd.s32 $0x1600, s0;
	s14 =	simm.s32 $0x1300;
	[smem:$0x7DD] =	sst s12  }
0x28: {  	s9 =	srdreg.scid;
	[smem:$0x7DE] =	sst s14;
	s15 =	simm.s32 $0x1380  }
0x29: {  	s4 =	simm.s32 $0x3;
	s16 =	simm.s32 $0x1A00;
	[smem:$0x7E0] =	sst s15  }
0x2a: {  	s7 =	smul.u32 $0x14000, s1;
	s18 =	simm.s32 $0x1A80;
	[smem:$0x7E1] =	sst s16  }
0x2b: {  	s9 =	sand.u32 $0x1, s9;
	s19 =	simm.s32 $0x1B00;
	[smem:$0x7E2] =	sst s18  }
0x2c: {  	s11 =	smul.u32 $0x50000, s1;
	s20 =	simm.s32 $0x1B80;
	[smem:$0x7E3] =	sst s19  }
0x2d: {  	s17 =	sshll.u32 s1, $0x6;
	s21 =	simm.s32 $0x1400;
	[smem:$0x7E4] =	sst s20  }
0x2e: {  	s23 =	simm.s32 $0x1500;
	s25 =	simm.s32 $0x1580;
	[smem:$0x7E5] =	sst s21  }
0x2f: {  	s12 =	simm.s32 $0x1C00;
	s14 =	simm.s32 $0x1D00;
	[smem:$0x7E7] =	sst s23  }
0x30: {  	s10 =	smul.u32 $0x140000, s9;
	s22 =	ssub.s32 $0x2, s9;
	[smem:$0x7E8] =	sst s25  }
0x31: {  	s9 =	smul.u32 $0xA0000, s9;
	s18 =	sor.u32 $0x1C0D, s17;
	[smem:$0x7E9] =	sst s12  }
0x32: {  	[smem:$0x7EF] =	sst s14;
	s16 =	simm.s32 $0x1D80;
	s17 =	simm.s32 $0x1600  }
0x33: {  	s20 =	simm.s32 $0x1680;
	s21 =	simm.s32 $0x1700;
	[smem:$0x7F1] =	sst s16  }
0x34: {  	s23 =	simm.s32 $0x1E00;
	s25 =	simm.s32 $0x1F00;
	[smem:$0x7F3] =	sst s17  }
0x35: {  	s14 =	simm.s32 $0x6;
	s12 =	simm.s32 $0xC;
	[smem:$0x7F4] =	sst s20  }
0x36: {  	s8 =	sshrl.u32 s7, $0x3;
	s24 =	sshrl.u32 s22, $0x1;
	[smem:$0x7F5] =	sst s21  }
0x37: {  	s13 =	sshrl.u32 s11, $0x2;
	s20 =	simm.s32 $0xD;
	[smem:$0x7F7] =	sst s23  }
0x38: {  	s21 =	simm.s32 $0x1800;
	[smem:$0x7F9] =	sst s25;
	s23 =	simm.s32 $0x2000  }
0x39: {  	s25 =	simm.s32 $0x4000;
	s16 =	simm.s32 $0x8;
	s17 =	simm.s32 $0xA  }
0x3a: {  	[smem:$0x7FC] =	sst s18;
	s8 =	sadd.s32 s8, s0;
	s7 =	sadd.s32 s7, s10  }
0x3b: {  	s11 =	sadd.s32 s13, s2;
	s13 =	simm.s32 $0x1C80;
	s7 =	sshrl.u32 s7, $0x3  }
0x3c: {  	s8 =	sadd.s32 $0x79600, s8;
	[smem:$0x7EC] =	sst s13;
	s0 =	sadd.s32 s7, s0  }
0x3d: {  	s7 =	ssub.s32 s22, s24;
	[smem:$0x7DF] =	sst s8;
	s22 =	simm.s32 $0x1480  }
0x3e: {  	s8 =	smul.u32 $0xA000, s1;
	[smem:$0x7E6] =	sst s22;
	s0 =	sadd.s32 $0xA1600, s0  }
0x3f: {  	s13 =	simm.s32 $0x5;
	s19 =	smax.u32 s7, $0x1;
	[smem:$0x7F0] =	sst s0  }
0x40: {  	s22 =	simm.s32 $0x1780;
	s10 =	sadd.s32 s8, s9;
	[smem:$0x7F2] =	sst s19  }
0x41: {  	s19 =	sshrl.u32 s11, $0x3;
	[smem:$0x7F6] =	sst s22;
	s9 =	sshrl.u32 s10, $0x3  }
0x42: {  	s26 =	sshrl.u32 s8, $0x3;
	[smem:$0x7FD] =	sst s19;
	s24 =	sadd.s32 s6, s9  }
0x43: {  	s7 =	simm.s32 $0x4;
	s9 =	sadd.s32 s29, s26;
	[smem:$0x7EA] =	sst s24  }
0x44: {  	s22 =	simm.s32 $0x40;
	s26 =	simm.s32 $0x1F80;
	[smem:$0x7ED] =	sst s9  }
0x45: {  	s0 =	simm.s32 $0x2;
	s1 =	sadd.s32 $0x100, s24;
	[smem:$0x7FA] =	sst s26  }
0x46: {  	s11 =	simm.s32 $0xB;
	s15 =	sadd.s32 $0x100, s9;
	[smem:$0x7EB] =	sst s1  }
0x47: {  	s24 =	simm.s32 $0x1E80;
	s26 =	simm.s32 $0x100;
	[smem:$0x7EE] =	sst s15  }
0x48: {  	s9 =	simm.s32 $0x9;
	[smem:$0x7F8] =	sst s24;
	s1 =	simm.s32 $0x0  }
0x49: {  	s24 =	simm.s32 $0x80;
	s15 =	simm.s32 $0x7;
	[smem:$0x7FB] =	sst s1  }
.LBB2_1:
0x4a: {  	s1 =	sld [smem:$0x7DF];
	_ =	sdelay $0x2  }
0x4b: {  	[spmem:s19], [sflag:s18] =	dma.local [hbm:s1], $0x2800  }
0x4c: {  	_ =	swait.ge [sflag:s20], $0x2800  }
0x4d: {  	[sflag:s20] =	ssyncset.done $0x0  }
0x4e: {  	[sflag:s20] =	ssyncadd.s32 $0xFFFFD800  }
0x4f: {  	[bflag:$0x0] =	sbarrier.arrive $0xFFFF  }
0x50: {  	s19 =	sld [smem:$0x7EA];
	_ =	sdelay $0x2  }
0x51: {  	[tilespmem:s3], [sflag:$0xD] =	stream.linear.gather [hbm4b:s19+s3], $0x800, $0x38;
	[tilespmem:$0x1E000] =	vst v63  }
0x52: {  	_ =	swait.ge [sflag:s20], $0x800  }
0x53: {  	s18 =	sld [smem:$0x7ED]  }
0x54: {  	[sflag:s20] =	ssyncset.done $0x0  }
0x55: {  	s19 =	simm.s32 $0x800;
	[sflag:s20] =	ssyncadd.s32 $0xFFFFF800  }
0x56: {  	[tilespmem:s19], [sflag:$0xD] =	stream.linear.gather [hbm4b:s18+s3], $0x800, $0x38;
	[tilespmem:$0x1E000] =	vst v63  }
0x57: {  	_ =	swait.ge [sflag:s20], $0x800  }
0x58: {  	s18 =	sld [smem:$0x7EB]  }
0x59: {  	[sflag:s20] =	ssyncset.done $0x0  }
0x5a: {  	[sflag:s20] =	ssyncadd.s32 $0xFFFFF800;
	s20 =	simm.s32 $0x1000  }
0x5b: {  	[tilespmem:s20], [sflag:$0xB] =	stream.linear.gather [hbm4b:s18+s3], $0x800, $0x38;
	[tilespmem:$0x1E000] =	vst v63  }
0x5c: {  	s18 =	sld [smem:$0x7EE];
	_ =	sdelay $0x2  }
0x5d: {  	[tilespmem:s21], [sflag:$0xC] =	stream.linear.gather [hbm4b:s18+s3], $0x800, $0x38;
	[tilespmem:$0x1E000] =	vst v63  }
0x5e: {  	_ = 	snop  }
0x5f: {  	[tilespmem:s23], [sflag:$0x1] =	stream.indirect.gather [hbm4b:s5+s22], $0x80, s3, s22, $0xb8;
	[tilespmem:$0x1E000] =	vst v63  }
0x60: {  	_ = 	snop  }
0x61: {  	[tilespmem:s25], [sflag:$0x2] =	stream.indirect.gather [hbm4b:s5+s22], $0x80, s24, s22, $0xb8;
	[tilespmem:$0x1E000] =	vst v63  }
0x62: {  	_ = 	snop  }
0x63: {  	[tilespmem:s28], [sflag:$0x3] =	stream.indirect.gather [hbm4b:s5+s22], $0x80, s26, s22, $0xb8;
	[tilespmem:$0x1E000] =	vst v63  }
0x64: {  	s26 =	simm.s32 $0x180  }
0x65: {  	[tilespmem:s30], [sflag:$0x4] =	stream.indirect.gather [hbm4b:s5+s22], $0x80, s26, s22, $0xb8;
	[tilespmem:$0x1E000] =	vst v63  }
0x66: {  	_ =	swait.ge [sflag:s31], $0x2000  }
0x67: {  	[sflag:s31] =	ssyncset.done $0x0  }
0x68: {  	[sflag:s31] =	ssyncadd.s32 $0xFFFFE000  }
0x69: {  	[spmem:s2] =	stream.indirect.scatter.add.f32 [tilespmem:s23], [sflag:$0x5], $0x80, s19, s22, $0xb8;
	[tilespmem:$0x1E000] =	vst v63  }
0x6a: {  	_ =	swait.ge [sflag:s0], $0x2000  }
0x6b: {  	[sflag:s0] =	ssyncset.done $0x0  }
0x6c: {  	s1 =	rddreg [dreg:$0x4];
	[sflag:s0] =	ssyncadd.s32 $0xFFFFE000  }
0x6d: {  	[spmem:s2] =	stream.indirect.scatter.add.f32 [tilespmem:s25], [sflag:$0x6], $0x80, s1, s22, $0xb8;
	[tilespmem:$0x1E000] =	vst v63  }
0x6e: {  	_ =	swait.ge [sflag:s4], $0x2000  }
0x6f: {  	[sflag:s4] =	ssyncset.done $0x0  }
0x70: {  	s24 =	rddreg [dreg:$0x5];
	[sflag:s4] =	ssyncadd.s32 $0xFFFFE000  }
0x71: {  	[spmem:s2] =	stream.indirect.scatter.add.f32 [tilespmem:s28], [sflag:$0x7], $0x80, s24, s22, $0xb8;
	[tilespmem:$0x1E000] =	vst v63  }
0x72: {  	_ =	swait.ge [sflag:s7], $0x2000  }
0x73: {  	[sflag:s7] =	ssyncset.done $0x0  }
0x74: {  	s26 =	rddreg [dreg:$0x6];
	[sflag:s7] =	ssyncadd.s32 $0xFFFFE000  }
0x75: {  	[spmem:s2] =	stream.indirect.scatter.add.f32 [tilespmem:s30], [sflag:$0x8], $0x80, s26, s22, $0xb8;
	[tilespmem:$0x1E000] =	vst v63  }
0x76: {  	_ =	swait.ge [sflag:s13], $0x2000  }
0x77: {  	[sflag:s13] =	ssyncset.done $0x0  }
0x78: {  	s1 =	rddreg [dreg:$0x7];
	[sflag:s13] =	ssyncadd.s32 $0xFFFFE000  }
0x79: {  	[tilespmem:s23], [sflag:$0x1] =	stream.indirect.gather [hbm4b:s5+s22], $0x80, s1, s22, $0xb8;
	[tilespmem:$0x1E000] =	vst v63  }
0x7a: {  	_ =	swait.ge [sflag:s14], $0x2000  }
0x7b: {  	[sflag:s14] =	ssyncset.done $0x0  }
0x7c: {  	s24 =	rddreg [dreg:$0x8];
	[sflag:s14] =	ssyncadd.s32 $0xFFFFE000  }
0x7d: {  	[tilespmem:s25], [sflag:$0x2] =	stream.indirect.gather [hbm4b:s5+s22], $0x80, s24, s22, $0xb8;
	[tilespmem:$0x1E000] =	vst v63  }
0x7e: {  	_ =	swait.ge [sflag:s15], $0x2000  }
0x7f: {  	[sflag:s15] =	ssyncset.done $0x0  }
0x80: {  	s26 =	rddreg [dreg:$0x9];
	[sflag:s15] =	ssyncadd.s32 $0xFFFFE000  }
0x81: {  	[tilespmem:s28], [sflag:$0x3] =	stream.indirect.gather [hbm4b:s5+s22], $0x80, s26, s22, $0xb8;
	[tilespmem:$0x1E000] =	vst v63  }
0x82: {  	_ =	swait.ge [sflag:s16], $0x2000  }
0x83: {  	[sflag:s16] =	ssyncset.done $0x0  }
0x84: {  	s1 =	rddreg [dreg:$0xa];
	[sflag:s16] =	ssyncadd.s32 $0xFFFFE000  }
0x85: {  	[tilespmem:s30], [sflag:$0x4] =	stream.indirect.gather [hbm4b:s5+s22], $0x80, s1, s22, $0xb8;
	[tilespmem:$0x1E000] =	vst v63  }
0x86: {  	_ =	swait.ge [sflag:s31], $0x2000  }
0x87: {  	[sflag:s31] =	ssyncset.done $0x0  }
0x88: {  	s24 =	rddreg [dreg:$0xb];
	[sflag:s31] =	ssyncadd.s32 $0xFFFFE000  }
0x89: {  	[spmem:s2] =	stream.indirect.scatter.add.f32 [tilespmem:s23], [sflag:$0x5], $0x80, s24, s22, $0xb8;
	[tilespmem:$0x1E000] =	vst v63  }
0x8a: {  	_ =	swait.ge [sflag:s0], $0x2000  }
0x8b: {  	[sflag:s0] =	ssyncset.done $0x0  }
0x8c: {  	s26 =	rddreg [dreg:$0xc];
	[sflag:s0] =	ssyncadd.s32 $0xFFFFE000  }
0x8d: {  	[spmem:s2] =	stream.indirect.scatter.add.f32 [tilespmem:s25], [sflag:$0x6], $0x80, s26, s22, $0xb8;
	[tilespmem:$0x1E000] =	vst v63  }
0x8e: {  	_ =	swait.ge [sflag:s4], $0x2000  }
0x8f: {  	[sflag:s4] =	ssyncset.done $0x0  }
0x90: {  	s1 =	rddreg [dreg:$0xd];
	[sflag:s4] =	ssyncadd.s32 $0xFFFFE000  }
0x91: {  	[spmem:s2] =	stream.indirect.scatter.add.f32 [tilespmem:s28], [sflag:$0x7], $0x80, s1, s22, $0xb8;
	[tilespmem:$0x1E000] =	vst v63  }
0x92: {  	_ =	swait.ge [sflag:s7], $0x2000  }
0x93: {  	[sflag:s7] =	ssyncset.done $0x0  }
0x94: {  	s24 =	rddreg [dreg:$0xe];
	[sflag:s7] =	ssyncadd.s32 $0xFFFFE000  }
0x95: {  	[spmem:s2] =	stream.indirect.scatter.add.f32 [tilespmem:s30], [sflag:$0x8], $0x80, s24, s22, $0xb8;
	[tilespmem:$0x1E000] =	vst v63  }
0x96: {  	_ =	swait.ge [sflag:s13], $0x2000  }
0x97: {  	[sflag:s13] =	ssyncset.done $0x0  }
0x98: {  	s26 =	rddreg [dreg:$0xf];
	[sflag:s13] =	ssyncadd.s32 $0xFFFFE000  }
0x99: {  	[tilespmem:s23], [sflag:$0x1] =	stream.indirect.gather [hbm4b:s5+s22], $0x80, s26, s22, $0xb8;
	[tilespmem:$0x1E000] =	vst v63  }
0x9a: {  	_ =	swait.ge [sflag:s14], $0x2000  }
0x9b: {  	[sflag:s14] =	ssyncset.done $0x0  }
0x9c: {  	s1 =	rddreg [dreg:$0x10];
	[sflag:s14] =	ssyncadd.s32 $0xFFFFE000  }
0x9d: {  	[tilespmem:s25], [sflag:$0x2] =	stream.indirect.gather [hbm4b:s5+s22], $0x80, s1, s22, $0xb8;
	[tilespmem:$0x1E000] =	vst v63  }
0x9e: {  	_ =	swait.ge [sflag:s15], $0x2000  }
0x9f: {  	[sflag:s15] =	ssyncset.done $0x0  }
0xa0: {  	s24 =	rddreg [dreg:$0x11];
	[sflag:s15] =	ssyncadd.s32 $0xFFFFE000  }
0xa1: {  	[tilespmem:s28], [sflag:$0x3] =	stream.indirect.gather [hbm4b:s5+s22], $0x80, s24, s22, $0xb8;
	[tilespmem:$0x1E000] =	vst v63  }
0xa2: {  	_ =	swait.ge [sflag:s16], $0x2000  }
0xa3: {  	[sflag:s16] =	ssyncset.done $0x0  }
0xa4: {  	s26 =	rddreg [dreg:$0x12];
	[sflag:s16] =	ssyncadd.s32 $0xFFFFE000  }
0xa5: {  	[tilespmem:s30], [sflag:$0x4] =	stream.indirect.gather [hbm4b:s5+s22], $0x80, s26, s22, $0xb8;
	[tilespmem:$0x1E000] =	vst v63  }
0xa6: {  	_ =	swait.ge [sflag:s31], $0x2000  }
0xa7: {  	[sflag:s31] =	ssyncset.done $0x0  }
0xa8: {  	s1 =	rddreg [dreg:$0x13];
	[sflag:s31] =	ssyncadd.s32 $0xFFFFE000  }
0xa9: {  	[spmem:s2] =	stream.indirect.scatter.add.f32 [tilespmem:s23], [sflag:$0x5], $0x80, s1, s22, $0xb8;
	[tilespmem:$0x1E000] =	vst v63  }
0xaa: {  	_ =	swait.ge [sflag:s0], $0x2000  }
0xab: {  	[sflag:s0] =	ssyncset.done $0x0  }
0xac: {  	s24 =	rddreg [dreg:$0x14];
	[sflag:s0] =	ssyncadd.s32 $0xFFFFE000  }
0xad: {  	[spmem:s2] =	stream.indirect.scatter.add.f32 [tilespmem:s25], [sflag:$0x6], $0x80, s24, s22, $0xb8;
	[tilespmem:$0x1E000] =	vst v63  }
0xae: {  	_ =	swait.ge [sflag:s4], $0x2000  }
0xaf: {  	[sflag:s4] =	ssyncset.done $0x0  }
0xb0: {  	s26 =	rddreg [dreg:$0x15];
	[sflag:s4] =	ssyncadd.s32 $0xFFFFE000  }
0xb1: {  	[spmem:s2] =	stream.indirect.scatter.add.f32 [tilespmem:s28], [sflag:$0x7], $0x80, s26, s22, $0xb8;
	[tilespmem:$0x1E000] =	vst v63  }
0xb2: {  	_ =	swait.ge [sflag:s7], $0x2000  }
0xb3: {  	[sflag:s7] =	ssyncset.done $0x0  }
0xb4: {  	s1 =	rddreg [dreg:$0x16];
	[sflag:s7] =	ssyncadd.s32 $0xFFFFE000  }
0xb5: {  	[spmem:s2] =	stream.indirect.scatter.add.f32 [tilespmem:s30], [sflag:$0x8], $0x80, s1, s22, $0xb8;
	[tilespmem:$0x1E000] =	vst v63  }
0xb6: {  	_ =	swait.ge [sflag:s13], $0x2000  }
0xb7: {  	[sflag:s13] =	ssyncset.done $0x0  }
0xb8: {  	s24 =	rddreg [dreg:$0x17];
	[sflag:s13] =	ssyncadd.s32 $0xFFFFE000  }
0xb9: {  	[tilespmem:s23], [sflag:$0x1] =	stream.indirect.gather [hbm4b:s5+s22], $0x80, s24, s22, $0xb8;
	[tilespmem:$0x1E000] =	vst v63  }
0xba: {  	_ =	swait.ge [sflag:s14], $0x2000  }
0xbb: {  	[sflag:s14] =	ssyncset.done $0x0  }
0xbc: {  	s26 =	rddreg [dreg:$0x18];
	[sflag:s14] =	ssyncadd.s32 $0xFFFFE000  }
0xbd: {  	[tilespmem:s25], [sflag:$0x2] =	stream.indirect.gather [hbm4b:s5+s22], $0x80, s26, s22, $0xb8;
	[tilespmem:$0x1E000] =	vst v63  }
0xbe: {  	_ =	swait.ge [sflag:s15], $0x2000  }
0xbf: {  	[sflag:s15] =	ssyncset.done $0x0  }
0xc0: {  	s1 =	rddreg [dreg:$0x19];
	[sflag:s15] =	ssyncadd.s32 $0xFFFFE000  }
0xc1: {  	[tilespmem:s28], [sflag:$0x3] =	stream.indirect.gather [hbm4b:s5+s22], $0x80, s1, s22, $0xb8;
	[tilespmem:$0x1E000] =	vst v63  }
0xc2: {  	_ =	swait.ge [sflag:s16], $0x2000  }
0xc3: {  	[sflag:s16] =	ssyncset.done $0x0  }
0xc4: {  	s24 =	rddreg [dreg:$0x1a];
	[sflag:s16] =	ssyncadd.s32 $0xFFFFE000  }
0xc5: {  	[tilespmem:s30], [sflag:$0x4] =	stream.indirect.gather [hbm4b:s5+s22], $0x80, s24, s22, $0xb8;
	[tilespmem:$0x1E000] =	vst v63  }
0xc6: {  	_ =	swait.ge [sflag:s31], $0x2000  }
0xc7: {  	[sflag:s31] =	ssyncset.done $0x0  }
0xc8: {  	s26 =	rddreg [dreg:$0x1b];
	[sflag:s31] =	ssyncadd.s32 $0xFFFFE000  }
0xc9: {  	[spmem:s2] =	stream.indirect.scatter.add.f32 [tilespmem:s23], [sflag:$0x5], $0x80, s26, s22, $0xb8;
	[tilespmem:$0x1E000] =	vst v63  }
0xca: {  	_ =	swait.ge [sflag:s0], $0x2000  }
0xcb: {  	[sflag:s0] =	ssyncset.done $0x0  }
0xcc: {  	s1 =	rddreg [dreg:$0x1c];
	[sflag:s0] =	ssyncadd.s32 $0xFFFFE000  }
0xcd: {  	[spmem:s2] =	stream.indirect.scatter.add.f32 [tilespmem:s25], [sflag:$0x6], $0x80, s1, s22, $0xb8;
	[tilespmem:$0x1E000] =	vst v63  }
0xce: {  	_ =	swait.ge [sflag:s4], $0x2000  }
0xcf: {  	[sflag:s4] =	ssyncset.done $0x0  }
0xd0: {  	s24 =	rddreg [dreg:$0x1d];
	[sflag:s4] =	ssyncadd.s32 $0xFFFFE000  }
0xd1: {  	[spmem:s2] =	stream.indirect.scatter.add.f32 [tilespmem:s28], [sflag:$0x7], $0x80, s24, s22, $0xb8;
	[tilespmem:$0x1E000] =	vst v63  }
0xd2: {  	_ =	swait.ge [sflag:s7], $0x2000  }
0xd3: {  	[sflag:s7] =	ssyncset.done $0x0  }
0xd4: {  	s26 =	rddreg [dreg:$0x1e];
	[sflag:s7] =	ssyncadd.s32 $0xFFFFE000  }
0xd5: {  	[spmem:s2] =	stream.indirect.scatter.add.f32 [tilespmem:s30], [sflag:$0x8], $0x80, s26, s22, $0xb8;
	[tilespmem:$0x1E000] =	vst v63  }
0xd6: {  	_ =	swait.ge [sflag:s11], $0x800  }
0xd7: {  	[sflag:s11] =	ssyncset.done $0x0  }
0xd8: {  	[sflag:s11] =	ssyncadd.s32 $0xFFFFF800  }
0xd9: {  	_ =	swait.ge [sflag:s12], $0x800  }
0xda: {  	[sflag:s12] =	ssyncset.done $0x0  }
0xdb: {  	[sflag:s12] =	ssyncadd.s32 $0xFFFFF800  }
0xdc: {  	_ =	swait.ge [sflag:s13], $0x2000  }
0xdd: {  	[sflag:s13] =	ssyncset.done $0x0  }
0xde: {  	[sflag:s13] =	ssyncadd.s32 $0xFFFFE000  }
0xdf: {  	[tilespmem:s23], [sflag:$0x1] =	stream.indirect.gather [hbm4b:s5+s22], $0x80, s20, s22, $0xb8;
	[tilespmem:$0x1E000] =	vst v63  }
0xe0: {  	_ =	swait.ge [sflag:s14], $0x2000  }
0xe1: {  	[sflag:s14] =	ssyncset.done $0x0  }
0xe2: {  	s1 =	rddreg [dreg:$0x1f];
	[sflag:s14] =	ssyncadd.s32 $0xFFFFE000  }
0xe3: {  	[tilespmem:s25], [sflag:$0x2] =	stream.indirect.gather [hbm4b:s5+s22], $0x80, s1, s22, $0xb8;
	[tilespmem:$0x1E000] =	vst v63  }
0xe4: {  	_ =	swait.ge [sflag:s15], $0x2000  }
0xe5: {  	s24 =	sld [smem:$0x7D7]  }
0xe6: {  	[sflag:s15] =	ssyncset.done $0x0  }
0xe7: {  	[sflag:s15] =	ssyncadd.s32 $0xFFFFE000  }
0xe8: {  	[tilespmem:s28], [sflag:$0x3] =	stream.indirect.gather [hbm4b:s5+s22], $0x80, s24, s22, $0xb8;
	[tilespmem:$0x1E000] =	vst v63  }
0xe9: {  	_ =	swait.ge [sflag:s16], $0x2000  }
0xea: {  	s26 =	sld [smem:$0x7D8]  }
0xeb: {  	[sflag:s16] =	ssyncset.done $0x0  }
0xec: {  	[sflag:s16] =	ssyncadd.s32 $0xFFFFE000  }
0xed: {  	[tilespmem:s30], [sflag:$0x4] =	stream.indirect.gather [hbm4b:s5+s22], $0x80, s26, s22, $0xb8;
	[tilespmem:$0x1E000] =	vst v63  }
0xee: {  	_ =	swait.ge [sflag:s31], $0x2000  }
0xef: {  	[sflag:s31] =	ssyncset.done $0x0  }
0xf0: {  	[sflag:s31] =	ssyncadd.s32 $0xFFFFE000  }
0xf1: {  	[spmem:s2] =	stream.indirect.scatter.add.f32 [tilespmem:s23], [sflag:$0x5], $0x80, s21, s22, $0xb8;
	[tilespmem:$0x1E000] =	vst v63  }
0xf2: {  	_ =	swait.ge [sflag:s0], $0x2000  }
0xf3: {  	s1 =	sld [smem:$0x7D9]  }
0xf4: {  	[sflag:s0] =	ssyncset.done $0x0  }
0xf5: {  	[sflag:s0] =	ssyncadd.s32 $0xFFFFE000  }
0xf6: {  	[spmem:s2] =	stream.indirect.scatter.add.f32 [tilespmem:s25], [sflag:$0x6], $0x80, s1, s22, $0xb8;
	[tilespmem:$0x1E000] =	vst v63  }
0xf7: {  	_ =	swait.ge [sflag:s4], $0x2000  }
0xf8: {  	s24 =	sld [smem:$0x7DA]  }
0xf9: {  	[sflag:s4] =	ssyncset.done $0x0  }
0xfa: {  	[sflag:s4] =	ssyncadd.s32 $0xFFFFE000  }
0xfb: {  	[spmem:s2] =	stream.indirect.scatter.add.f32 [tilespmem:s28], [sflag:$0x7], $0x80, s24, s22, $0xb8;
	[tilespmem:$0x1E000] =	vst v63  }
0xfc: {  	_ =	swait.ge [sflag:s7], $0x2000  }
0xfd: {  	s26 =	smin.u32 s3, $0x10;
	s24 =	sld [smem:$0x7DB]  }
0xfe: {  	s18 =	sshll.u32 s26, $0xB;
	[sflag:s7] =	ssyncset.done $0x0  }
0xff: {  	s26 =	sadd.s32 $0x1000, s18;
	[sflag:s7] =	ssyncadd.s32 $0xFFFFE000  }
0x100: {  	[spmem:s2] =	stream.indirect.scatter.add.f32 [tilespmem:s30], [sflag:$0x8], $0x80, s24, s22, $0xb8;
	[tilespmem:$0x1E000] =	vst v63  }
0x101: {  	s24 =	sadd.s32 s10, s26  }
0x102: {  	s24 =	sshrl.u32 s24, $0x3  }
0x103: {  	s26 =	sadd.s32 s8, s26;
	s24 =	sadd.s32 s6, s24  }
0x104: {  	[tilespmem:s3], [sflag:$0x9] =	stream.linear.gather [hbm4b:s24+s3], $0x800, $0x38;
	[tilespmem:$0x1E000] =	vst v63  }
0x105: {  	s24 =	sshrl.u32 s26, $0x3  }
0x106: {  	s24 =	sadd.s32 s29, s24  }
0x107: {  	[tilespmem:s19], [sflag:$0xA] =	stream.linear.gather [hbm4b:s24+s3], $0x800, $0x38;
	[tilespmem:$0x1E000] =	vst v63  }
0x108: {  	_ =	swait.ge [sflag:s13], $0x2000  }
0x109: {  	s26 =	sld [smem:$0x7DC]  }
0x10a: {  	[sflag:s13] =	ssyncset.done $0x0  }
0x10b: {  	[sflag:s13] =	ssyncadd.s32 $0xFFFFE000  }
0x10c: {  	[tilespmem:s23], [sflag:$0x1] =	stream.indirect.gather [hbm4b:s5+s22], $0x80, s26, s22, $0xb8;
	[tilespmem:$0x1E000] =	vst v63  }
0x10d: {  	_ =	swait.ge [sflag:s14], $0x2000  }
0x10e: {  	s26 =	sld [smem:$0x7DD]  }
0x10f: {  	[sflag:s14] =	ssyncset.done $0x0  }
0x110: {  	[sflag:s14] =	ssyncadd.s32 $0xFFFFE000  }
0x111: {  	[tilespmem:s25], [sflag:$0x2] =	stream.indirect.gather [hbm4b:s5+s22], $0x80, s26, s22, $0xb8;
	[tilespmem:$0x1E000] =	vst v63  }
0x112: {  	_ =	swait.ge [sflag:s15], $0x2000  }
0x113: {  	s26 =	sld [smem:$0x7DE]  }
0x114: {  	[sflag:s15] =	ssyncset.done $0x0  }
0x115: {  	[sflag:s15] =	ssyncadd.s32 $0xFFFFE000  }
0x116: {  	[tilespmem:s28], [sflag:$0x3] =	stream.indirect.gather [hbm4b:s5+s22], $0x80, s26, s22, $0xb8;
	[tilespmem:$0x1E000] =	vst v63  }
0x117: {  	_ =	swait.ge [sflag:s16], $0x2000  }
0x118: {  	s26 =	sld [smem:$0x7E0]  }
0x119: {  	[sflag:s16] =	ssyncset.done $0x0  }
0x11a: {  	[sflag:s16] =	ssyncadd.s32 $0xFFFFE000  }
0x11b: {  	[tilespmem:s30], [sflag:$0x4] =	stream.indirect.gather [hbm4b:s5+s22], $0x80, s26, s22, $0xb8;
	[tilespmem:$0x1E000] =	vst v63  }
0x11c: {  	_ =	swait.ge [sflag:s31], $0x2000  }
0x11d: {  	s26 =	sld [smem:$0x7E1]  }
0x11e: {  	[sflag:s31] =	ssyncset.done $0x0  }
0x11f: {  	[sflag:s31] =	ssyncadd.s32 $0xFFFFE000  }
0x120: {  	[spmem:s2] =	stream.indirect.scatter.add.f32 [tilespmem:s23], [sflag:$0x5], $0x80, s26, s22, $0xb8;
	[tilespmem:$0x1E000] =	vst v63  }
0x121: {  	_ =	swait.ge [sflag:s0], $0x2000  }
0x122: {  	s26 =	sld [smem:$0x7E2]  }
0x123: {  	[sflag:s0] =	ssyncset.done $0x0  }
0x124: {  	[sflag:s0] =	ssyncadd.s32 $0xFFFFE000  }
0x125: {  	[spmem:s2] =	stream.indirect.scatter.add.f32 [tilespmem:s25], [sflag:$0x6], $0x80, s26, s22, $0xb8;
	[tilespmem:$0x1E000] =	vst v63  }
0x126: {  	_ =	swait.ge [sflag:s4], $0x2000  }
0x127: {  	s26 =	sld [smem:$0x7E3]  }
0x128: {  	[sflag:s4] =	ssyncset.done $0x0  }
0x129: {  	[sflag:s4] =	ssyncadd.s32 $0xFFFFE000  }
0x12a: {  	[spmem:s2] =	stream.indirect.scatter.add.f32 [tilespmem:s28], [sflag:$0x7], $0x80, s26, s22, $0xb8;
	[tilespmem:$0x1E000] =	vst v63  }
0x12b: {  	_ =	swait.ge [sflag:s7], $0x2000  }
0x12c: {  	s26 =	sld [smem:$0x7E4]  }
0x12d: {  	[sflag:s7] =	ssyncset.done $0x0  }
0x12e: {  	[sflag:s7] =	ssyncadd.s32 $0xFFFFE000  }
0x12f: {  	[spmem:s2] =	stream.indirect.scatter.add.f32 [tilespmem:s30], [sflag:$0x8], $0x80, s26, s22, $0xb8;
	[tilespmem:$0x1E000] =	vst v63  }
0x130: {  	_ =	swait.ge [sflag:s13], $0x2000  }
0x131: {  	s26 =	sld [smem:$0x7E5]  }
0x132: {  	[sflag:s13] =	ssyncset.done $0x0  }
0x133: {  	[sflag:s13] =	ssyncadd.s32 $0xFFFFE000  }
0x134: {  	[tilespmem:s23], [sflag:$0x1] =	stream.indirect.gather [hbm4b:s5+s22], $0x80, s26, s22, $0xb8;
	[tilespmem:$0x1E000] =	vst v63  }
0x135: {  	_ =	swait.ge [sflag:s14], $0x2000  }
0x136: {  	s26 =	sld [smem:$0x7E6]  }
0x137: {  	[sflag:s14] =	ssyncset.done $0x0  }
0x138: {  	[sflag:s14] =	ssyncadd.s32 $0xFFFFE000  }
0x139: {  	[tilespmem:s25], [sflag:$0x2] =	stream.indirect.gather [hbm4b:s5+s22], $0x80, s26, s22, $0xb8;
	[tilespmem:$0x1E000] =	vst v63  }
0x13a: {  	_ =	swait.ge [sflag:s15], $0x2000  }
0x13b: {  	s26 =	sld [smem:$0x7E7]  }
0x13c: {  	[sflag:s15] =	ssyncset.done $0x0  }
0x13d: {  	[sflag:s15] =	ssyncadd.s32 $0xFFFFE000  }
0x13e: {  	[tilespmem:s28], [sflag:$0x3] =	stream.indirect.gather [hbm4b:s5+s22], $0x80, s26, s22, $0xb8;
	[tilespmem:$0x1E000] =	vst v63  }
0x13f: {  	_ =	swait.ge [sflag:s16], $0x2000  }
0x140: {  	s26 =	sld [smem:$0x7E8]  }
0x141: {  	[sflag:s16] =	ssyncset.done $0x0  }
0x142: {  	[sflag:s16] =	ssyncadd.s32 $0xFFFFE000  }
0x143: {  	[tilespmem:s30], [sflag:$0x4] =	stream.indirect.gather [hbm4b:s5+s22], $0x80, s26, s22, $0xb8;
	[tilespmem:$0x1E000] =	vst v63  }
0x144: {  	_ =	swait.ge [sflag:s31], $0x2000  }
0x145: {  	s26 =	sld [smem:$0x7E9]  }
0x146: {  	[sflag:s31] =	ssyncset.done $0x0  }
0x147: {  	[sflag:s31] =	ssyncadd.s32 $0xFFFFE000  }
0x148: {  	[spmem:s2] =	stream.indirect.scatter.add.f32 [tilespmem:s23], [sflag:$0x5], $0x80, s26, s22, $0xb8;
	[tilespmem:$0x1E000] =	vst v63  }
0x149: {  	_ =	swait.ge [sflag:s0], $0x2000  }
0x14a: {  	s26 =	sld [smem:$0x7EC]  }
0x14b: {  	[sflag:s0] =	ssyncset.done $0x0  }
0x14c: {  	[sflag:s0] =	ssyncadd.s32 $0xFFFFE000  }
0x14d: {  	[spmem:s2] =	stream.indirect.scatter.add.f32 [tilespmem:s25], [sflag:$0x6], $0x80, s26, s22, $0xb8;
	[tilespmem:$0x1E000] =	vst v63  }
0x14e: {  	_ =	swait.ge [sflag:s4], $0x2000  }
0x14f: {  	s26 =	sld [smem:$0x7EF]  }
0x150: {  	[sflag:s4] =	ssyncset.done $0x0  }
0x151: {  	[sflag:s4] =	ssyncadd.s32 $0xFFFFE000  }
0x152: {  	[spmem:s2] =	stream.indirect.scatter.add.f32 [tilespmem:s28], [sflag:$0x7], $0x80, s26, s22, $0xb8;
	[tilespmem:$0x1E000] =	vst v63  }
0x153: {  	_ =	swait.ge [sflag:s7], $0x2000  }
0x154: {  	s26 =	sld [smem:$0x7F1]  }
0x155: {  	[sflag:s7] =	ssyncset.done $0x0  }
0x156: {  	[sflag:s7] =	ssyncadd.s32 $0xFFFFE000  }
0x157: {  	[spmem:s2] =	stream.indirect.scatter.add.f32 [tilespmem:s30], [sflag:$0x8], $0x80, s26, s22, $0xb8;
	[tilespmem:$0x1E000] =	vst v63  }
0x158: {  	_ =	swait.ge [sflag:s13], $0x2000  }
0x159: {  	s26 =	sld [smem:$0x7F3]  }
0x15a: {  	[sflag:s13] =	ssyncset.done $0x0  }
0x15b: {  	[sflag:s13] =	ssyncadd.s32 $0xFFFFE000  }
0x15c: {  	[tilespmem:s23], [sflag:$0x1] =	stream.indirect.gather [hbm4b:s5+s22], $0x80, s26, s22, $0xb8;
	[tilespmem:$0x1E000] =	vst v63  }
0x15d: {  	_ =	swait.ge [sflag:s14], $0x2000  }
0x15e: {  	s26 =	sld [smem:$0x7F4]  }
0x15f: {  	[sflag:s14] =	ssyncset.done $0x0  }
0x160: {  	[sflag:s14] =	ssyncadd.s32 $0xFFFFE000  }
0x161: {  	[tilespmem:s25], [sflag:$0x2] =	stream.indirect.gather [hbm4b:s5+s22], $0x80, s26, s22, $0xb8;
	[tilespmem:$0x1E000] =	vst v63  }
0x162: {  	_ =	swait.ge [sflag:s15], $0x2000  }
0x163: {  	s26 =	sld [smem:$0x7F5]  }
0x164: {  	[sflag:s15] =	ssyncset.done $0x0  }
0x165: {  	[sflag:s15] =	ssyncadd.s32 $0xFFFFE000  }
0x166: {  	[tilespmem:s28], [sflag:$0x3] =	stream.indirect.gather [hbm4b:s5+s22], $0x80, s26, s22, $0xb8;
	[tilespmem:$0x1E000] =	vst v63  }
0x167: {  	_ =	swait.ge [sflag:s16], $0x2000  }
0x168: {  	s26 =	sld [smem:$0x7F6]  }
0x169: {  	[sflag:s16] =	ssyncset.done $0x0  }
0x16a: {  	[sflag:s16] =	ssyncadd.s32 $0xFFFFE000  }
0x16b: {  	[tilespmem:s30], [sflag:$0x4] =	stream.indirect.gather [hbm4b:s5+s22], $0x80, s26, s22, $0xb8;
	[tilespmem:$0x1E000] =	vst v63  }
0x16c: {  	_ =	swait.ge [sflag:s31], $0x2000  }
0x16d: {  	s26 =	sld [smem:$0x7F7]  }
0x16e: {  	[sflag:s31] =	ssyncset.done $0x0  }
0x16f: {  	[sflag:s31] =	ssyncadd.s32 $0xFFFFE000  }
0x170: {  	[spmem:s2] =	stream.indirect.scatter.add.f32 [tilespmem:s23], [sflag:$0x5], $0x80, s26, s22, $0xb8;
	[tilespmem:$0x1E000] =	vst v63  }
0x171: {  	_ =	swait.ge [sflag:s0], $0x2000  }
0x172: {  	s26 =	sld [smem:$0x7F8]  }
0x173: {  	[sflag:s0] =	ssyncset.done $0x0  }
0x174: {  	[sflag:s0] =	ssyncadd.s32 $0xFFFFE000  }
0x175: {  	[spmem:s2] =	stream.indirect.scatter.add.f32 [tilespmem:s25], [sflag:$0x6], $0x80, s26, s22, $0xb8;
	[tilespmem:$0x1E000] =	vst v63  }
0x176: {  	_ =	swait.ge [sflag:s4], $0x2000  }
0x177: {  	s26 =	sld [smem:$0x7F9]  }
0x178: {  	[sflag:s4] =	ssyncset.done $0x0  }
0x179: {  	[sflag:s4] =	ssyncadd.s32 $0xFFFFE000  }
0x17a: {  	[spmem:s2] =	stream.indirect.scatter.add.f32 [tilespmem:s28], [sflag:$0x7], $0x80, s26, s22, $0xb8;
	[tilespmem:$0x1E000] =	vst v63  }
0x17b: {  	_ =	swait.ge [sflag:s7], $0x2000  }
0x17c: {  	s26 =	sld [smem:$0x7FA]  }
0x17d: {  	[sflag:s7] =	ssyncset.done $0x0  }
0x17e: {  	[sflag:s7] =	ssyncadd.s32 $0xFFFFE000  }
0x17f: {  	[spmem:s2] =	stream.indirect.scatter.add.f32 [tilespmem:s30], [sflag:$0x8], $0x80, s26, s22, $0xb8;
	[tilespmem:$0x1E000] =	vst v63  }
0x180: {  	_ =	swait.ge [sflag:s9], $0x800  }
0x181: {  	[sflag:s9] =	ssyncset.done $0x0  }
0x182: {  	[sflag:s9] =	ssyncadd.s32 $0xFFFFF800  }
0x183: {  	_ =	swait.ge [sflag:s17], $0x800  }
0x184: {  	[sflag:s17] =	ssyncset.done $0x0  }
0x185: {  	[sflag:s17] =	ssyncadd.s32 $0xFFFFF800  }
0x186: {  	_ =	swait.ge [sflag:s13], $0x2000  }
0x187: {  	[sflag:s13] =	ssyncset.done $0x0  }
0x188: {  	[sflag:s13] =	ssyncadd.s32 $0xFFFFE000  }
0x189: {  	[tilespmem:s23], [sflag:$0x1] =	stream.indirect.gather [hbm4b:s5+s22], $0x80, s3, s22, $0xb8;
	[tilespmem:$0x1E000] =	vst v63  }
0x18a: {  	_ =	swait.ge [sflag:s14], $0x2000  }
0x18b: {  	[sflag:s14] =	ssyncset.done $0x0  }
0x18c: {  	s1 =	simm.s32 $0x80;
	[sflag:s14] =	ssyncadd.s32 $0xFFFFE000  }
0x18d: {  	[tilespmem:s25], [sflag:$0x2] =	stream.indirect.gather [hbm4b:s5+s22], $0x80, s1, s22, $0xb8;
	[tilespmem:$0x1E000] =	vst v63  }
0x18e: {  	_ =	swait.ge [sflag:s15], $0x2000  }
0x18f: {  	[sflag:s15] =	ssyncset.done $0x0  }
0x190: {  	s26 =	simm.s32 $0x100;
	[sflag:s15] =	ssyncadd.s32 $0xFFFFE000  }
0x191: {  	[tilespmem:s28], [sflag:$0x3] =	stream.indirect.gather [hbm4b:s5+s22], $0x80, s26, s22, $0xb8;
	[tilespmem:$0x1E000] =	vst v63  }
0x192: {  	s18 =	sadd.s32 $0x1800, s18;
	_ =	swait.ge [sflag:s16], $0x2000  }
0x193: {  	s1 =	sadd.s32 s10, s18;
	[sflag:s16] =	ssyncset.done $0x0  }
0x194: {  	s18 =	sadd.s32 s8, s18;
	s26 =	simm.s32 $0x180;
	[sflag:s16] =	ssyncadd.s32 $0xFFFFE000  }
0x195: {  	[tilespmem:s30], [sflag:$0x4] =	stream.indirect.gather [hbm4b:s5+s22], $0x80, s26, s22, $0xb8;
	[tilespmem:$0x1E000] =	vst v63  }
0x196: {  	s24 =	sshrl.u32 s1, $0x3;
	s26 =	sshrl.u32 s18, $0x3  }
0x197: {  	s24 =	sadd.s32 s6, s24;
	s18 =	simm.s32 $0x2;
	s26 =	sadd.s32 s29, s26  }
0x198: {  	[tilespmem:s20], [sflag:$0xB] =	stream.linear.gather [hbm4b:s24+s3], $0x800, $0x38;
	[tilespmem:$0x1E000] =	vst v63  }
.LBB2_2:
0x199: {  	[tilespmem:s21], [sflag:$0xC] =	stream.linear.gather [hbm4b:s26+s3], $0x800, $0x38;
	[tilespmem:$0x1E000] =	vst v63  }
0x19a: {  	_ =	swait.ge [sflag:s31], $0x2000  }
0x19b: {  	[sflag:s31] =	ssyncset.done $0x0  }
0x19c: {  	[sflag:s31] =	ssyncadd.s32 $0xFFFFE000  }
0x19d: {  	[spmem:s2] =	stream.indirect.scatter.add.f32 [tilespmem:s23], [sflag:$0x5], $0x80, s19, s22, $0xb8;
	[tilespmem:$0x1E000] =	vst v63  }
0x19e: {  	_ =	swait.ge [sflag:s0], $0x2000  }
0x19f: {  	[sflag:s0] =	ssyncset.done $0x0  }
0x1a0: {  	s1 =	rddreg [dreg:$0x4];
	[sflag:s0] =	ssyncadd.s32 $0xFFFFE000  }
0x1a1: {  	[spmem:s2] =	stream.indirect.scatter.add.f32 [tilespmem:s25], [sflag:$0x6], $0x80, s1, s22, $0xb8;
	[tilespmem:$0x1E000] =	vst v63  }
0x1a2: {  	_ =	swait.ge [sflag:s4], $0x2000  }
0x1a3: {  	[sflag:s4] =	ssyncset.done $0x0  }
0x1a4: {  	s19 =	rddreg [dreg:$0x5];
	[sflag:s4] =	ssyncadd.s32 $0xFFFFE000  }
0x1a5: {  	[spmem:s2] =	stream.indirect.scatter.add.f32 [tilespmem:s28], [sflag:$0x7], $0x80, s19, s22, $0xb8;
	[tilespmem:$0x1E000] =	vst v63  }
0x1a6: {  	_ =	swait.ge [sflag:s7], $0x2000  }
0x1a7: {  	[sflag:s7] =	ssyncset.done $0x0  }
0x1a8: {  	s1 =	rddreg [dreg:$0x6];
	[sflag:s7] =	ssyncadd.s32 $0xFFFFE000  }
0x1a9: {  	[spmem:s2] =	stream.indirect.scatter.add.f32 [tilespmem:s30], [sflag:$0x8], $0x80, s1, s22, $0xb8;
	[tilespmem:$0x1E000] =	vst v63  }
0x1aa: {  	_ =	swait.ge [sflag:s13], $0x2000  }
0x1ab: {  	[sflag:s13] =	ssyncset.done $0x0  }
0x1ac: {  	s19 =	rddreg [dreg:$0x7];
	[sflag:s13] =	ssyncadd.s32 $0xFFFFE000  }
0x1ad: {  	[tilespmem:s23], [sflag:$0x1] =	stream.indirect.gather [hbm4b:s5+s22], $0x80, s19, s22, $0xb8;
	[tilespmem:$0x1E000] =	vst v63  }
0x1ae: {  	_ =	swait.ge [sflag:s14], $0x2000  }
0x1af: {  	[sflag:s14] =	ssyncset.done $0x0  }
0x1b0: {  	s1 =	rddreg [dreg:$0x8];
	[sflag:s14] =	ssyncadd.s32 $0xFFFFE000  }
0x1b1: {  	[tilespmem:s25], [sflag:$0x2] =	stream.indirect.gather [hbm4b:s5+s22], $0x80, s1, s22, $0xb8;
	[tilespmem:$0x1E000] =	vst v63  }
0x1b2: {  	_ =	swait.ge [sflag:s15], $0x2000  }
0x1b3: {  	[sflag:s15] =	ssyncset.done $0x0  }
0x1b4: {  	s19 =	rddreg [dreg:$0x9];
	[sflag:s15] =	ssyncadd.s32 $0xFFFFE000  }
0x1b5: {  	[tilespmem:s28], [sflag:$0x3] =	stream.indirect.gather [hbm4b:s5+s22], $0x80, s19, s22, $0xb8;
	[tilespmem:$0x1E000] =	vst v63  }
0x1b6: {  	_ =	swait.ge [sflag:s16], $0x2000  }
0x1b7: {  	[sflag:s16] =	ssyncset.done $0x0  }
0x1b8: {  	s1 =	rddreg [dreg:$0xa];
	[sflag:s16] =	ssyncadd.s32 $0xFFFFE000  }
0x1b9: {  	[tilespmem:s30], [sflag:$0x4] =	stream.indirect.gather [hbm4b:s5+s22], $0x80, s1, s22, $0xb8;
	[tilespmem:$0x1E000] =	vst v63  }
0x1ba: {  	_ =	swait.ge [sflag:s31], $0x2000  }
0x1bb: {  	[sflag:s31] =	ssyncset.done $0x0  }
0x1bc: {  	s19 =	rddreg [dreg:$0xb];
	[sflag:s31] =	ssyncadd.s32 $0xFFFFE000  }
0x1bd: {  	[spmem:s2] =	stream.indirect.scatter.add.f32 [tilespmem:s23], [sflag:$0x5], $0x80, s19, s22, $0xb8;
	[tilespmem:$0x1E000] =	vst v63  }
0x1be: {  	_ =	swait.ge [sflag:s0], $0x2000  }
0x1bf: {  	[sflag:s0] =	ssyncset.done $0x0  }
0x1c0: {  	s1 =	rddreg [dreg:$0xc];
	[sflag:s0] =	ssyncadd.s32 $0xFFFFE000  }
0x1c1: {  	[spmem:s2] =	stream.indirect.scatter.add.f32 [tilespmem:s25], [sflag:$0x6], $0x80, s1, s22, $0xb8;
	[tilespmem:$0x1E000] =	vst v63  }
0x1c2: {  	_ =	swait.ge [sflag:s4], $0x2000  }
0x1c3: {  	[sflag:s4] =	ssyncset.done $0x0  }
0x1c4: {  	s19 =	rddreg [dreg:$0xd];
	[sflag:s4] =	ssyncadd.s32 $0xFFFFE000  }
0x1c5: {  	[spmem:s2] =	stream.indirect.scatter.add.f32 [tilespmem:s28], [sflag:$0x7], $0x80, s19, s22, $0xb8;
	[tilespmem:$0x1E000] =	vst v63  }
0x1c6: {  	_ =	swait.ge [sflag:s7], $0x2000  }
0x1c7: {  	[sflag:s7] =	ssyncset.done $0x0  }
0x1c8: {  	s1 =	rddreg [dreg:$0xe];
	[sflag:s7] =	ssyncadd.s32 $0xFFFFE000  }
0x1c9: {  	[spmem:s2] =	stream.indirect.scatter.add.f32 [tilespmem:s30], [sflag:$0x8], $0x80, s1, s22, $0xb8;
	[tilespmem:$0x1E000] =	vst v63  }
0x1ca: {  	_ =	swait.ge [sflag:s13], $0x2000  }
0x1cb: {  	[sflag:s13] =	ssyncset.done $0x0  }
0x1cc: {  	s19 =	rddreg [dreg:$0xf];
	[sflag:s13] =	ssyncadd.s32 $0xFFFFE000  }
0x1cd: {  	[tilespmem:s23], [sflag:$0x1] =	stream.indirect.gather [hbm4b:s5+s22], $0x80, s19, s22, $0xb8;
	[tilespmem:$0x1E000] =	vst v63  }
0x1ce: {  	_ =	swait.ge [sflag:s14], $0x2000  }
0x1cf: {  	[sflag:s14] =	ssyncset.done $0x0  }
0x1d0: {  	s1 =	rddreg [dreg:$0x10];
	[sflag:s14] =	ssyncadd.s32 $0xFFFFE000  }
0x1d1: {  	[tilespmem:s25], [sflag:$0x2] =	stream.indirect.gather [hbm4b:s5+s22], $0x80, s1, s22, $0xb8;
	[tilespmem:$0x1E000] =	vst v63  }
0x1d2: {  	_ =	swait.ge [sflag:s15], $0x2000  }
0x1d3: {  	[sflag:s15] =	ssyncset.done $0x0  }
0x1d4: {  	s19 =	rddreg [dreg:$0x11];
	[sflag:s15] =	ssyncadd.s32 $0xFFFFE000  }
0x1d5: {  	[tilespmem:s28], [sflag:$0x3] =	stream.indirect.gather [hbm4b:s5+s22], $0x80, s19, s22, $0xb8;
	[tilespmem:$0x1E000] =	vst v63  }
0x1d6: {  	_ =	swait.ge [sflag:s16], $0x2000  }
0x1d7: {  	[sflag:s16] =	ssyncset.done $0x0  }
0x1d8: {  	s1 =	rddreg [dreg:$0x12];
	[sflag:s16] =	ssyncadd.s32 $0xFFFFE000  }
0x1d9: {  	[tilespmem:s30], [sflag:$0x4] =	stream.indirect.gather [hbm4b:s5+s22], $0x80, s1, s22, $0xb8;
	[tilespmem:$0x1E000] =	vst v63  }
0x1da: {  	_ =	swait.ge [sflag:s31], $0x2000  }
0x1db: {  	[sflag:s31] =	ssyncset.done $0x0  }
0x1dc: {  	s19 =	rddreg [dreg:$0x13];
	[sflag:s31] =	ssyncadd.s32 $0xFFFFE000  }
0x1dd: {  	[spmem:s2] =	stream.indirect.scatter.add.f32 [tilespmem:s23], [sflag:$0x5], $0x80, s19, s22, $0xb8;
	[tilespmem:$0x1E000] =	vst v63  }
0x1de: {  	_ =	swait.ge [sflag:s0], $0x2000  }
0x1df: {  	[sflag:s0] =	ssyncset.done $0x0  }
0x1e0: {  	s1 =	rddreg [dreg:$0x14];
	[sflag:s0] =	ssyncadd.s32 $0xFFFFE000  }
0x1e1: {  	[spmem:s2] =	stream.indirect.scatter.add.f32 [tilespmem:s25], [sflag:$0x6], $0x80, s1, s22, $0xb8;
	[tilespmem:$0x1E000] =	vst v63  }
0x1e2: {  	_ =	swait.ge [sflag:s4], $0x2000  }
0x1e3: {  	[sflag:s4] =	ssyncset.done $0x0  }
0x1e4: {  	s19 =	rddreg [dreg:$0x15];
	[sflag:s4] =	ssyncadd.s32 $0xFFFFE000  }
0x1e5: {  	[spmem:s2] =	stream.indirect.scatter.add.f32 [tilespmem:s28], [sflag:$0x7], $0x80, s19, s22, $0xb8;
	[tilespmem:$0x1E000] =	vst v63  }
0x1e6: {  	_ =	swait.ge [sflag:s7], $0x2000  }
0x1e7: {  	[sflag:s7] =	ssyncset.done $0x0  }
0x1e8: {  	s1 =	rddreg [dreg:$0x16];
	[sflag:s7] =	ssyncadd.s32 $0xFFFFE000  }
0x1e9: {  	[spmem:s2] =	stream.indirect.scatter.add.f32 [tilespmem:s30], [sflag:$0x8], $0x80, s1, s22, $0xb8;
	[tilespmem:$0x1E000] =	vst v63  }
0x1ea: {  	_ =	swait.ge [sflag:s13], $0x2000  }
0x1eb: {  	[sflag:s13] =	ssyncset.done $0x0  }
0x1ec: {  	s19 =	rddreg [dreg:$0x17];
	[sflag:s13] =	ssyncadd.s32 $0xFFFFE000  }
0x1ed: {  	[tilespmem:s23], [sflag:$0x1] =	stream.indirect.gather [hbm4b:s5+s22], $0x80, s19, s22, $0xb8;
	[tilespmem:$0x1E000] =	vst v63  }
0x1ee: {  	_ =	swait.ge [sflag:s14], $0x2000  }
0x1ef: {  	[sflag:s14] =	ssyncset.done $0x0  }
0x1f0: {  	s1 =	rddreg [dreg:$0x18];
	[sflag:s14] =	ssyncadd.s32 $0xFFFFE000  }
0x1f1: {  	[tilespmem:s25], [sflag:$0x2] =	stream.indirect.gather [hbm4b:s5+s22], $0x80, s1, s22, $0xb8;
	[tilespmem:$0x1E000] =	vst v63  }
0x1f2: {  	_ =	swait.ge [sflag:s15], $0x2000  }
0x1f3: {  	[sflag:s15] =	ssyncset.done $0x0  }
0x1f4: {  	s19 =	rddreg [dreg:$0x19];
	[sflag:s15] =	ssyncadd.s32 $0xFFFFE000  }
0x1f5: {  	[tilespmem:s28], [sflag:$0x3] =	stream.indirect.gather [hbm4b:s5+s22], $0x80, s19, s22, $0xb8;
	[tilespmem:$0x1E000] =	vst v63  }
0x1f6: {  	_ =	swait.ge [sflag:s16], $0x2000  }
0x1f7: {  	[sflag:s16] =	ssyncset.done $0x0  }
0x1f8: {  	s1 =	rddreg [dreg:$0x1a];
	[sflag:s16] =	ssyncadd.s32 $0xFFFFE000  }
0x1f9: {  	[tilespmem:s30], [sflag:$0x4] =	stream.indirect.gather [hbm4b:s5+s22], $0x80, s1, s22, $0xb8;
	[tilespmem:$0x1E000] =	vst v63  }
0x1fa: {  	_ =	swait.ge [sflag:s31], $0x2000  }
0x1fb: {  	[sflag:s31] =	ssyncset.done $0x0  }
0x1fc: {  	s19 =	rddreg [dreg:$0x1b];
	[sflag:s31] =	ssyncadd.s32 $0xFFFFE000  }
0x1fd: {  	[spmem:s2] =	stream.indirect.scatter.add.f32 [tilespmem:s23], [sflag:$0x5], $0x80, s19, s22, $0xb8;
	[tilespmem:$0x1E000] =	vst v63  }
0x1fe: {  	_ =	swait.ge [sflag:s0], $0x2000  }
0x1ff: {  	[sflag:s0] =	ssyncset.done $0x0  }
0x200: {  	s1 =	rddreg [dreg:$0x1c];
	[sflag:s0] =	ssyncadd.s32 $0xFFFFE000  }
0x201: {  	[spmem:s2] =	stream.indirect.scatter.add.f32 [tilespmem:s25], [sflag:$0x6], $0x80, s1, s22, $0xb8;
	[tilespmem:$0x1E000] =	vst v63  }
0x202: {  	_ =	swait.ge [sflag:s4], $0x2000  }
0x203: {  	[sflag:s4] =	ssyncset.done $0x0  }
0x204: {  	s19 =	rddreg [dreg:$0x1d];
	[sflag:s4] =	ssyncadd.s32 $0xFFFFE000  }
0x205: {  	[spmem:s2] =	stream.indirect.scatter.add.f32 [tilespmem:s28], [sflag:$0x7], $0x80, s19, s22, $0xb8;
	[tilespmem:$0x1E000] =	vst v63  }
0x206: {  	_ =	swait.ge [sflag:s7], $0x2000  }
0x207: {  	[sflag:s7] =	ssyncset.done $0x0  }
0x208: {  	s1 =	rddreg [dreg:$0x1e];
	[sflag:s7] =	ssyncadd.s32 $0xFFFFE000  }
0x209: {  	[spmem:s2] =	stream.indirect.scatter.add.f32 [tilespmem:s30], [sflag:$0x8], $0x80, s1, s22, $0xb8;
	[tilespmem:$0x1E000] =	vst v63  }
0x20a: {  	_ =	swait.ge [sflag:s11], $0x800  }
0x20b: {  	[sflag:s11] =	ssyncset.done $0x0  }
0x20c: {  	[sflag:s11] =	ssyncadd.s32 $0xFFFFF800  }
0x20d: {  	_ =	swait.ge [sflag:s12], $0x800  }
0x20e: {  	[sflag:s12] =	ssyncset.done $0x0  }
0x20f: {  	[sflag:s12] =	ssyncadd.s32 $0xFFFFF800  }
0x210: {  	_ =	swait.ge [sflag:s13], $0x2000  }
0x211: {  	[sflag:s13] =	ssyncset.done $0x0  }
0x212: {  	[sflag:s13] =	ssyncadd.s32 $0xFFFFE000  }
0x213: {  	[tilespmem:s23], [sflag:$0x1] =	stream.indirect.gather [hbm4b:s5+s22], $0x80, s20, s22, $0xb8;
	[tilespmem:$0x1E000] =	vst v63  }
0x214: {  	_ =	swait.ge [sflag:s14], $0x2000  }
0x215: {  	[sflag:s14] =	ssyncset.done $0x0  }
0x216: {  	s19 =	rddreg [dreg:$0x1f];
	[sflag:s14] =	ssyncadd.s32 $0xFFFFE000  }
0x217: {  	[tilespmem:s25], [sflag:$0x2] =	stream.indirect.gather [hbm4b:s5+s22], $0x80, s19, s22, $0xb8;
	[tilespmem:$0x1E000] =	vst v63  }
0x218: {  	_ =	swait.ge [sflag:s15], $0x2000  }
0x219: {  	s20 =	sld [smem:$0x7D7]  }
0x21a: {  	[sflag:s15] =	ssyncset.done $0x0  }
0x21b: {  	[sflag:s15] =	ssyncadd.s32 $0xFFFFE000  }
0x21c: {  	[tilespmem:s28], [sflag:$0x3] =	stream.indirect.gather [hbm4b:s5+s22], $0x80, s20, s22, $0xb8;
	[tilespmem:$0x1E000] =	vst v63  }
0x21d: {  	_ =	swait.ge [sflag:s16], $0x2000  }
0x21e: {  	s1 =	sld [smem:$0x7D8]  }
0x21f: {  	[sflag:s16] =	ssyncset.done $0x0  }
0x220: {  	[sflag:s16] =	ssyncadd.s32 $0xFFFFE000  }
0x221: {  	[tilespmem:s30], [sflag:$0x4] =	stream.indirect.gather [hbm4b:s5+s22], $0x80, s1, s22, $0xb8;
	[tilespmem:$0x1E000] =	vst v63  }
0x222: {  	_ =	swait.ge [sflag:s31], $0x2000  }
0x223: {  	[sflag:s31] =	ssyncset.done $0x0  }
0x224: {  	[sflag:s31] =	ssyncadd.s32 $0xFFFFE000  }
0x225: {  	[spmem:s2] =	stream.indirect.scatter.add.f32 [tilespmem:s23], [sflag:$0x5], $0x80, s21, s22, $0xb8;
	[tilespmem:$0x1E000] =	vst v63  }
0x226: {  	_ =	swait.ge [sflag:s0], $0x2000  }
0x227: {  	s19 =	sld [smem:$0x7D9]  }
0x228: {  	[sflag:s0] =	ssyncset.done $0x0  }
0x229: {  	[sflag:s0] =	ssyncadd.s32 $0xFFFFE000  }
0x22a: {  	[spmem:s2] =	stream.indirect.scatter.add.f32 [tilespmem:s25], [sflag:$0x6], $0x80, s19, s22, $0xb8;
	[tilespmem:$0x1E000] =	vst v63  }
0x22b: {  	_ =	swait.ge [sflag:s4], $0x2000  }
0x22c: {  	s20 =	sld [smem:$0x7DA]  }
0x22d: {  	s24 =	smov.u32 s18;
	[sflag:s4] =	ssyncset.done $0x0  }
0x22e: {  	s24 =	smin.u32 s24, $0x10;
	[sflag:s4] =	ssyncadd.s32 $0xFFFFE000  }
0x22f: {  	[spmem:s2] =	stream.indirect.scatter.add.f32 [tilespmem:s28], [sflag:$0x7], $0x80, s20, s22, $0xb8;
	[tilespmem:$0x1E000] =	vst v63  }
0x230: {  	s24 =	sshll.u32 s24, $0xB;
	_ =	swait.ge [sflag:s7], $0x2000  }
0x231: {  	s20 =	smov.u32 s29;
	s29 =	sadd.s32 $0x1000, s24;
	s26 =	sld [smem:$0x7DB]  }
0x232: {  	s19 =	sadd.s32 $0x1800, s24;
	s1 =	sadd.s32 s10, s29;
	[sflag:s7] =	ssyncset.done $0x0  }
0x233: {  	s29 =	sadd.s32 s8, s29;
	s1 =	sshrl.u32 s1, $0x3;
	[sflag:s7] =	ssyncadd.s32 $0xFFFFE000  }
0x234: {  	[spmem:s2] =	stream.indirect.scatter.add.f32 [tilespmem:s30], [sflag:$0x8], $0x80, s26, s22, $0xb8;
	[tilespmem:$0x1E000] =	vst v63  }
0x235: {  	s24 =	sadd.s32 s10, s19;
	s29 =	sshrl.u32 s29, $0x3;
	s1 =	sadd.s32 s6, s1  }
0x236: {  	[tilespmem:s3], [sflag:$0x9] =	stream.linear.gather [hbm4b:s1+s3], $0x800, $0x38;
	[tilespmem:$0x1E000] =	vst v63  }
0x237: {  	s26 =	sadd.s32 s20, s29;
	s1 =	sadd.s32 s8, s19;
	s19 =	simm.s32 $0x800  }
0x238: {  	[tilespmem:s19], [sflag:$0xA] =	stream.linear.gather [hbm4b:s26+s3], $0x800, $0x38;
	[tilespmem:$0x1E000] =	vst v63  }
0x239: {  	_ =	swait.ge [sflag:s13], $0x2000  }
0x23a: {  	s26 =	sshrl.u32 s1, $0x3;
	s1 =	sld [smem:$0x7DC]  }
0x23b: {  	[sflag:s13] =	ssyncset.done $0x0  }
0x23c: {  	[sflag:s13] =	ssyncadd.s32 $0xFFFFE000  }
0x23d: {  	[tilespmem:s23], [sflag:$0x1] =	stream.indirect.gather [hbm4b:s5+s22], $0x80, s1, s22, $0xb8;
	[tilespmem:$0x1E000] =	vst v63  }
0x23e: {  	_ =	swait.ge [sflag:s14], $0x2000  }
0x23f: {  	s1 =	sld [smem:$0x7DD]  }
0x240: {  	[sflag:s14] =	ssyncset.done $0x0  }
0x241: {  	[sflag:s14] =	ssyncadd.s32 $0xFFFFE000  }
0x242: {  	[tilespmem:s25], [sflag:$0x2] =	stream.indirect.gather [hbm4b:s5+s22], $0x80, s1, s22, $0xb8;
	[tilespmem:$0x1E000] =	vst v63  }
0x243: {  	_ =	swait.ge [sflag:s15], $0x2000  }
0x244: {  	s1 =	sld [smem:$0x7DE]  }
0x245: {  	[sflag:s15] =	ssyncset.done $0x0  }
0x246: {  	[sflag:s15] =	ssyncadd.s32 $0xFFFFE000  }
0x247: {  	[tilespmem:s28], [sflag:$0x3] =	stream.indirect.gather [hbm4b:s5+s22], $0x80, s1, s22, $0xb8;
	[tilespmem:$0x1E000] =	vst v63  }
0x248: {  	_ =	swait.ge [sflag:s16], $0x2000  }
0x249: {  	s1 =	sld [smem:$0x7E0]  }
0x24a: {  	[sflag:s16] =	ssyncset.done $0x0  }
0x24b: {  	[sflag:s16] =	ssyncadd.s32 $0xFFFFE000  }
0x24c: {  	[tilespmem:s30], [sflag:$0x4] =	stream.indirect.gather [hbm4b:s5+s22], $0x80, s1, s22, $0xb8;
	[tilespmem:$0x1E000] =	vst v63  }
0x24d: {  	_ =	swait.ge [sflag:s31], $0x2000  }
0x24e: {  	s1 =	sld [smem:$0x7E1]  }
0x24f: {  	[sflag:s31] =	ssyncset.done $0x0  }
0x250: {  	[sflag:s31] =	ssyncadd.s32 $0xFFFFE000  }
0x251: {  	[spmem:s2] =	stream.indirect.scatter.add.f32 [tilespmem:s23], [sflag:$0x5], $0x80, s1, s22, $0xb8;
	[tilespmem:$0x1E000] =	vst v63  }
0x252: {  	_ =	swait.ge [sflag:s0], $0x2000  }
0x253: {  	s1 =	sld [smem:$0x7E2]  }
0x254: {  	[sflag:s0] =	ssyncset.done $0x0  }
0x255: {  	[sflag:s0] =	ssyncadd.s32 $0xFFFFE000  }
0x256: {  	[spmem:s2] =	stream.indirect.scatter.add.f32 [tilespmem:s25], [sflag:$0x6], $0x80, s1, s22, $0xb8;
	[tilespmem:$0x1E000] =	vst v63  }
0x257: {  	_ =	swait.ge [sflag:s4], $0x2000  }
0x258: {  	s1 =	sld [smem:$0x7E3]  }
0x259: {  	[sflag:s4] =	ssyncset.done $0x0  }
0x25a: {  	[sflag:s4] =	ssyncadd.s32 $0xFFFFE000  }
0x25b: {  	[spmem:s2] =	stream.indirect.scatter.add.f32 [tilespmem:s28], [sflag:$0x7], $0x80, s1, s22, $0xb8;
	[tilespmem:$0x1E000] =	vst v63  }
0x25c: {  	_ =	swait.ge [sflag:s7], $0x2000  }
0x25d: {  	s1 =	sld [smem:$0x7E4]  }
0x25e: {  	[sflag:s7] =	ssyncset.done $0x0  }
0x25f: {  	[sflag:s7] =	ssyncadd.s32 $0xFFFFE000  }
0x260: {  	[spmem:s2] =	stream.indirect.scatter.add.f32 [tilespmem:s30], [sflag:$0x8], $0x80, s1, s22, $0xb8;
	[tilespmem:$0x1E000] =	vst v63  }
0x261: {  	_ =	swait.ge [sflag:s13], $0x2000  }
0x262: {  	s1 =	sld [smem:$0x7E5]  }
0x263: {  	[sflag:s13] =	ssyncset.done $0x0  }
0x264: {  	[sflag:s13] =	ssyncadd.s32 $0xFFFFE000  }
0x265: {  	[tilespmem:s23], [sflag:$0x1] =	stream.indirect.gather [hbm4b:s5+s22], $0x80, s1, s22, $0xb8;
	[tilespmem:$0x1E000] =	vst v63  }
0x266: {  	_ =	swait.ge [sflag:s14], $0x2000  }
0x267: {  	s1 =	sld [smem:$0x7E6]  }
0x268: {  	[sflag:s14] =	ssyncset.done $0x0  }
0x269: {  	[sflag:s14] =	ssyncadd.s32 $0xFFFFE000  }
0x26a: {  	[tilespmem:s25], [sflag:$0x2] =	stream.indirect.gather [hbm4b:s5+s22], $0x80, s1, s22, $0xb8;
	[tilespmem:$0x1E000] =	vst v63  }
0x26b: {  	_ =	swait.ge [sflag:s15], $0x2000  }
0x26c: {  	s1 =	sld [smem:$0x7E7]  }
0x26d: {  	[sflag:s15] =	ssyncset.done $0x0  }
0x26e: {  	[sflag:s15] =	ssyncadd.s32 $0xFFFFE000  }
0x26f: {  	[tilespmem:s28], [sflag:$0x3] =	stream.indirect.gather [hbm4b:s5+s22], $0x80, s1, s22, $0xb8;
	[tilespmem:$0x1E000] =	vst v63  }
0x270: {  	_ =	swait.ge [sflag:s16], $0x2000  }
0x271: {  	s1 =	sld [smem:$0x7E8]  }
0x272: {  	[sflag:s16] =	ssyncset.done $0x0  }
0x273: {  	[sflag:s16] =	ssyncadd.s32 $0xFFFFE000  }
0x274: {  	[tilespmem:s30], [sflag:$0x4] =	stream.indirect.gather [hbm4b:s5+s22], $0x80, s1, s22, $0xb8;
	[tilespmem:$0x1E000] =	vst v63  }
0x275: {  	_ =	swait.ge [sflag:s31], $0x2000  }
0x276: {  	s1 =	sld [smem:$0x7E9]  }
0x277: {  	[sflag:s31] =	ssyncset.done $0x0  }
0x278: {  	[sflag:s31] =	ssyncadd.s32 $0xFFFFE000  }
0x279: {  	[spmem:s2] =	stream.indirect.scatter.add.f32 [tilespmem:s23], [sflag:$0x5], $0x80, s1, s22, $0xb8;
	[tilespmem:$0x1E000] =	vst v63  }
0x27a: {  	_ =	swait.ge [sflag:s0], $0x2000  }
0x27b: {  	s1 =	sld [smem:$0x7EC]  }
0x27c: {  	[sflag:s0] =	ssyncset.done $0x0  }
0x27d: {  	[sflag:s0] =	ssyncadd.s32 $0xFFFFE000  }
0x27e: {  	[spmem:s2] =	stream.indirect.scatter.add.f32 [tilespmem:s25], [sflag:$0x6], $0x80, s1, s22, $0xb8;
	[tilespmem:$0x1E000] =	vst v63  }
0x27f: {  	_ =	swait.ge [sflag:s4], $0x2000  }
0x280: {  	s1 =	sld [smem:$0x7EF]  }
0x281: {  	[sflag:s4] =	ssyncset.done $0x0  }
0x282: {  	[sflag:s4] =	ssyncadd.s32 $0xFFFFE000  }
0x283: {  	[spmem:s2] =	stream.indirect.scatter.add.f32 [tilespmem:s28], [sflag:$0x7], $0x80, s1, s22, $0xb8;
	[tilespmem:$0x1E000] =	vst v63  }
0x284: {  	_ =	swait.ge [sflag:s7], $0x2000  }
0x285: {  	s1 =	sld [smem:$0x7F1]  }
0x286: {  	[sflag:s7] =	ssyncset.done $0x0  }
0x287: {  	[sflag:s7] =	ssyncadd.s32 $0xFFFFE000  }
0x288: {  	[spmem:s2] =	stream.indirect.scatter.add.f32 [tilespmem:s30], [sflag:$0x8], $0x80, s1, s22, $0xb8;
	[tilespmem:$0x1E000] =	vst v63  }
0x289: {  	_ =	swait.ge [sflag:s13], $0x2000  }
0x28a: {  	s1 =	sld [smem:$0x7F3]  }
0x28b: {  	[sflag:s13] =	ssyncset.done $0x0  }
0x28c: {  	[sflag:s13] =	ssyncadd.s32 $0xFFFFE000  }
0x28d: {  	[tilespmem:s23], [sflag:$0x1] =	stream.indirect.gather [hbm4b:s5+s22], $0x80, s1, s22, $0xb8;
	[tilespmem:$0x1E000] =	vst v63  }
0x28e: {  	_ =	swait.ge [sflag:s14], $0x2000  }
0x28f: {  	s1 =	sld [smem:$0x7F4]  }
0x290: {  	[sflag:s14] =	ssyncset.done $0x0  }
0x291: {  	[sflag:s14] =	ssyncadd.s32 $0xFFFFE000  }
0x292: {  	[tilespmem:s25], [sflag:$0x2] =	stream.indirect.gather [hbm4b:s5+s22], $0x80, s1, s22, $0xb8;
	[tilespmem:$0x1E000] =	vst v63  }
0x293: {  	_ =	swait.ge [sflag:s15], $0x2000  }
0x294: {  	s1 =	sld [smem:$0x7F5]  }
0x295: {  	[sflag:s15] =	ssyncset.done $0x0  }
0x296: {  	[sflag:s15] =	ssyncadd.s32 $0xFFFFE000  }
0x297: {  	[tilespmem:s28], [sflag:$0x3] =	stream.indirect.gather [hbm4b:s5+s22], $0x80, s1, s22, $0xb8;
	[tilespmem:$0x1E000] =	vst v63  }
0x298: {  	_ =	swait.ge [sflag:s16], $0x2000  }
0x299: {  	s1 =	sld [smem:$0x7F6]  }
0x29a: {  	[sflag:s16] =	ssyncset.done $0x0  }
0x29b: {  	[sflag:s16] =	ssyncadd.s32 $0xFFFFE000  }
0x29c: {  	[tilespmem:s30], [sflag:$0x4] =	stream.indirect.gather [hbm4b:s5+s22], $0x80, s1, s22, $0xb8;
	[tilespmem:$0x1E000] =	vst v63  }
0x29d: {  	_ =	swait.ge [sflag:s31], $0x2000  }
0x29e: {  	s1 =	sld [smem:$0x7F7]  }
0x29f: {  	[sflag:s31] =	ssyncset.done $0x0  }
0x2a0: {  	[sflag:s31] =	ssyncadd.s32 $0xFFFFE000  }
0x2a1: {  	[spmem:s2] =	stream.indirect.scatter.add.f32 [tilespmem:s23], [sflag:$0x5], $0x80, s1, s22, $0xb8;
	[tilespmem:$0x1E000] =	vst v63  }
0x2a2: {  	_ =	swait.ge [sflag:s0], $0x2000  }
0x2a3: {  	s1 =	sld [smem:$0x7F8]  }
0x2a4: {  	[sflag:s0] =	ssyncset.done $0x0  }
0x2a5: {  	[sflag:s0] =	ssyncadd.s32 $0xFFFFE000  }
0x2a6: {  	[spmem:s2] =	stream.indirect.scatter.add.f32 [tilespmem:s25], [sflag:$0x6], $0x80, s1, s22, $0xb8;
	[tilespmem:$0x1E000] =	vst v63  }
0x2a7: {  	_ =	swait.ge [sflag:s4], $0x2000  }
0x2a8: {  	s1 =	sld [smem:$0x7F9]  }
0x2a9: {  	[sflag:s4] =	ssyncset.done $0x0  }
0x2aa: {  	[sflag:s4] =	ssyncadd.s32 $0xFFFFE000  }
0x2ab: {  	[spmem:s2] =	stream.indirect.scatter.add.f32 [tilespmem:s28], [sflag:$0x7], $0x80, s1, s22, $0xb8;
	[tilespmem:$0x1E000] =	vst v63  }
0x2ac: {  	_ =	swait.ge [sflag:s7], $0x2000  }
0x2ad: {  	s1 =	sld [smem:$0x7FA]  }
0x2ae: {  	[sflag:s7] =	ssyncset.done $0x0  }
0x2af: {  	[sflag:s7] =	ssyncadd.s32 $0xFFFFE000  }
0x2b0: {  	[spmem:s2] =	stream.indirect.scatter.add.f32 [tilespmem:s30], [sflag:$0x8], $0x80, s1, s22, $0xb8;
	[tilespmem:$0x1E000] =	vst v63  }
0x2b1: {  	_ =	swait.ge [sflag:s9], $0x800  }
0x2b2: {  	[sflag:s9] =	ssyncset.done $0x0  }
0x2b3: {  	[sflag:s9] =	ssyncadd.s32 $0xFFFFF800  }
0x2b4: {  	_ =	swait.ge [sflag:s17], $0x800  }
0x2b5: {  	[sflag:s17] =	ssyncset.done $0x0  }
0x2b6: {  	[sflag:s17] =	ssyncadd.s32 $0xFFFFF800  }
0x2b7: {  	_ =	swait.ge [sflag:s13], $0x2000  }
0x2b8: {  	[sflag:s13] =	ssyncset.done $0x0  }
0x2b9: {  	[sflag:s13] =	ssyncadd.s32 $0xFFFFE000  }
0x2ba: {  	[tilespmem:s23], [sflag:$0x1] =	stream.indirect.gather [hbm4b:s5+s22], $0x80, s3, s22, $0xb8;
	[tilespmem:$0x1E000] =	vst v63  }
0x2bb: {  	_ =	swait.ge [sflag:s14], $0x2000  }
0x2bc: {  	[sflag:s14] =	ssyncset.done $0x0  }
0x2bd: {  	s1 =	simm.s32 $0x80;
	[sflag:s14] =	ssyncadd.s32 $0xFFFFE000  }
0x2be: {  	[tilespmem:s25], [sflag:$0x2] =	stream.indirect.gather [hbm4b:s5+s22], $0x80, s1, s22, $0xb8;
	[tilespmem:$0x1E000] =	vst v63  }
0x2bf: {  	_ =	swait.ge [sflag:s15], $0x2000  }
0x2c0: {  	[sflag:s15] =	ssyncset.done $0x0  }
0x2c1: {  	s1 =	simm.s32 $0x100;
	[sflag:s15] =	ssyncadd.s32 $0xFFFFE000  }
0x2c2: {  	[tilespmem:s28], [sflag:$0x3] =	stream.indirect.gather [hbm4b:s5+s22], $0x80, s1, s22, $0xb8;
	[tilespmem:$0x1E000] =	vst v63  }
0x2c3: {  	p0 =	sne.s32 s18, $0x12;
	s24 =	sshrl.u32 s24, $0x3;
	_ =	swait.ge [sflag:s16], $0x2000  }
.Ltmp0:
0x2c4: {  	s29 =	smov.u32 s20;
	[sflag:s16] =	ssyncset.done $0x0;
	(pc) =	sbr.rel @p0 .LBB2_2-.Ltmp0, $4  }
0x2c5: {  	s1 =	sadd.s32 s6, s24;
	s24 =	simm.s32 $0x180;
	[sflag:s16] =	ssyncadd.s32 $0xFFFFE000  }
0x2c6: {  	[tilespmem:s30], [sflag:$0x4] =	stream.indirect.gather [hbm4b:s5+s22], $0x80, s24, s22, $0xb8;
	[tilespmem:$0x1E000] =	vst v63  }
0x2c7: {  	s18 =	sadd.s32 $0x2, s18;
	s20 =	simm.s32 $0x1000;
	s26 =	sadd.s32 s29, s26  }
0x2c8: {  	[tilespmem:s20], [sflag:$0xB] =	stream.linear.gather [hbm4b:s1+s3], $0x800, $0x38;
	[tilespmem:$0x1E000] =	vst v63  }
0x2c9: {  	[tilespmem:s21], [sflag:$0xC] =	stream.linear.gather [hbm4b:s26+s3], $0x800, $0x38;
	[tilespmem:$0x1E000] =	vst v63  }
0x2ca: {  	_ =	swait.ge [sflag:s31], $0x2000  }
0x2cb: {  	[sflag:s31] =	ssyncset.done $0x0  }
0x2cc: {  	[sflag:s31] =	ssyncadd.s32 $0xFFFFE000  }
0x2cd: {  	_ =	swait.ge [sflag:s0], $0x2000  }
0x2ce: {  	[sflag:s0] =	ssyncset.done $0x0  }
0x2cf: {  	[sflag:s0] =	ssyncadd.s32 $0xFFFFE000  }
0x2d0: {  	_ =	swait.ge [sflag:s4], $0x2000  }
0x2d1: {  	[sflag:s4] =	ssyncset.done $0x0  }
0x2d2: {  	[sflag:s4] =	ssyncadd.s32 $0xFFFFE000  }
0x2d3: {  	_ =	swait.ge [sflag:s7], $0x2000  }
0x2d4: {  	[sflag:s7] =	ssyncset.done $0x0  }
0x2d5: {  	[sflag:s7] =	ssyncadd.s32 $0xFFFFE000  }
0x2d6: {  	_ =	swait.ge [sflag:s11], $0x800  }
0x2d7: {  	[sflag:s11] =	ssyncset.done $0x0  }
0x2d8: {  	[sflag:s11] =	ssyncadd.s32 $0xFFFFF800  }
0x2d9: {  	_ =	swait.ge [sflag:s12], $0x800  }
0x2da: {  	[sflag:s12] =	ssyncset.done $0x0  }
0x2db: {  	[sflag:s12] =	ssyncadd.s32 $0xFFFFF800  }
0x2dc: {  	[bflag:$0x0] =	sbarrier.arrive $0xFFFF  }
0x2dd: {  	s18 =	sld [smem:$0x7FC]  }
0x2de: {  	s1 =	sld [smem:$0x7F0]  }
0x2df: {  	s19 =	sld [smem:$0x7FD];
	_ =	sdelay $0x1  }
0x2e0: {  	s20 =	simm.s32 $0xD  }
0x2e1: {  	[hbm:s1], [sflag:s18] =	dma.local [spmem:s19], $0x2800  }
0x2e2: {  	_ =	swait.ge [sflag:s20], $0x2800  }
0x2e3: {  	s24 =	sld [smem:$0x7FB]  }
0x2e4: {  	s26 =	sld [smem:$0x7F2];
	_ =	sdelay $0x1  }
0x2e5: {  	s24 =	sadd.s32 $0x1, s24  }
0x2e6: {  	p0 =	sne.s32 s24, s26  }
.Ltmp1:
0x2e7: {  	_ = 	snop;
	(pc) =	sbr.rel @p0 .LBB2_1-.Ltmp1, $4  }
0x2e8: {  	_ = 	snop  }
0x2e9: {  	[sflag:s20] =	ssyncset.done $0x0  }
0x2ea: {  	[sflag:s20] =	ssyncadd.s32 $0xFFFFD800  }
0x2eb: {  	[smem:$0x7FB] =	sst s24;
	s24 =	simm.s32 $0x80;
	s26 =	simm.s32 $0x100  }
0x2ec: {  	_ =	sfence.sel $0x180000  }
0x2ed: {  	[bflag:$0x0] =	sbarrier.arrive $0xFFFF  }
0x2ee: {  	_ =	strace $0x90000047  }
0x2ef: {  	s0 =	stileid.u32;
	[bflag:$0x2] =	sbarrier.arrive $0xFFFF  }
0x2f0: {  	p0 =	sne.s32 s0, $0x0;
	s0 =	rddreg [dreg:$0x3]  }
0x2f1: {  	s0 =	sadd.s32 @!p0 $0x100000, s0  }
0x2f2: {  	[sflag:s0] =	ssyncadd.tile.s32 @!p0 $0x1;
	_ =	shalt  }
.Lfunc_end2:
_tile_overlayer_lowered:
.L_overlay_start_2:
0x2f3: {  	(tag) =	ssettag $0x2  }
0x2f4: {  	s0 =	rddreg [dreg:$0x0];
	s2 =	stileid.u32  }
0x2f5: {  	s1 =	rddreg [dreg:$0x1];
	p0 =	sne.s32 s2, $0x0  }
0x2f6: {  	s3 =	rddreg [dreg:$0x2];
	[bflag:$0x3] =	sbarrier.arrive $0xFFFF;
	s2 =	simm.s32 @!p0 $0x1C0D  }
0x2f7: {  	[timem:s3], [sflag:s2] =	dma.local @!p0 [hbm:s0], s1  }
0x2f8: {  	s0 =	simm.s32 @!p0 $0xD  }
0x2f9: {  	_ =	swait.ge @!p0 [sflag:s0], s1  }
0x2fa: {  	s1 =	ssub.s32 @!p0 $0x0, s1;
	[sflag:s0] =	ssyncset.done @!p0 $0x0  }
0x2fb: {  	[sflag:s0] =	ssyncadd.s32 @!p0 s1  }
0x2fc: {  	[bflag:$0x3] =	sbarrier.arrive $0xFFFF  }
0x2fd: {  	_ =	shalt  }

</sc_bundles>
